<compile_context>
chip_gen: v7x
topology: tpu7x:2x2x1
jax: 0.10.2.dev20260603
libtpu: 0.0.44.dev20260713+nightly
codegen_flags: <defaults>
</compile_context>

<pallas_src>
import functools

import jax
import jax.numpy as jnp
from jax import lax
from jax.experimental import pallas as pl
from jax.experimental.pallas import tpu as pltpu
from jax.experimental.pallas import tpu_sc as plsc

N = 10000
E = 160000
D_NODE = 128
D_EDGE = 16
H = 200
HP = 256
HH = 128
PW = 144
G = 64

NT = 16
C = 96
NCHUNK = 105
EPT = NCHUNK * C
EPAD = NT * EPT
C2 = 112
EPT2 = EPAD // 32
NCHUNK2 = EPT2 // C2

BN = 1000
BE = 1024
NEB = EPAD // BE

_f32 = jnp.float32
_HI = lax.Precision.HIGHEST
_bf16 = jnp.bfloat16


def _bdot(a, b):
    return jnp.dot(a.astype(_bf16), b.astype(_bf16),
                   preferred_element_type=_f32)


def _relu(x):
    return jnp.maximum(x, 0.0)


def _sigmoid(x):
    return 1.0 / (1.0 + jnp.exp(-x))


def _node_prep_body(x_ref, npW_ref, npb_ref, mWa_ref, mWb_ref, aWs_ref,
                    aWd_ref, Pa_ref, Pb_ref, D_ref, S_ref):
    h = _relu(jnp.dot(x_ref[...], npW_ref[...],
                      preferred_element_type=_f32, precision=_HI) + npb_ref[...])
    asv = jnp.dot(h, aWs_ref[...], preferred_element_type=_f32, precision=_HI)
    adv = jnp.dot(h, aWd_ref[...], preferred_element_type=_f32, precision=_HI)
    z15 = jnp.zeros((h.shape[0], 15), _f32)
    Pa_ref[...] = jnp.concatenate(
        [jnp.dot(h, mWa_ref[...], preferred_element_type=_f32, precision=_HI),
         asv, z15], 1)
    Pb_ref[...] = jnp.concatenate(
        [jnp.dot(h, mWb_ref[...], preferred_element_type=_f32, precision=_HI),
         asv, z15], 1)
    D_ref[...] = jnp.concatenate([adv, z15], 1)
    S_ref[...] = jnp.concatenate([asv, z15], 1)


def _node_prep(x, npW, npb, mWa, mWb, aWs, aWd):
    nb = N // BN
    w = lambda shape: pl.BlockSpec(shape, lambda i: (0, 0))
    return pl.pallas_call(
        _node_prep_body,
        grid=(nb,),
        in_specs=[
            pl.BlockSpec((BN, D_NODE), lambda i: (i, 0)),
            w((D_NODE, HP)), w((1, HP)),
            w((HP, HH)), w((HP, HH)), w((HP, 1)), w((HP, 1)),
        ],
        out_specs=[
            pl.BlockSpec((BN, PW), lambda i: (i, 0)),
            pl.BlockSpec((BN, PW), lambda i: (i, 0)),
            pl.BlockSpec((BN, 16), lambda i: (i, 0)),
            pl.BlockSpec((BN, 16), lambda i: (i, 0)),
        ],
        out_shape=[
            jax.ShapeDtypeStruct((N, PW), _f32),
            jax.ShapeDtypeStruct((N, PW), _f32),
            jax.ShapeDtypeStruct((N, 16), _f32),
            jax.ShapeDtypeStruct((N, 16), _f32),
        ],
    )(x, npW, npb, mWa, mWb, aWs, aWd)


def _edge_prep_body(ef_ref, epW_ref, epb_ref,
                    mWea0_ref, mWeb0_ref, mb0_ref, aWe0_ref, ab0_ref,
                    mWea1_ref, mWeb1_ref, mb1_ref, aWe1_ref, ab1_ref,
                    Qa0_ref, Qb0_ref, a0_ref, Qa1_ref, Qb1_ref, a1_ref):
    e = _relu(jnp.dot(ef_ref[...], epW_ref[...],
                      preferred_element_type=_f32, precision=_HI) + epb_ref[...])
    Qa0_ref[...] = _bdot(e, mWea0_ref[...]) + mb0_ref[:, :HH]
    Qb0_ref[...] = _bdot(e, mWeb0_ref[...]) + mb0_ref[:, HH:]
    Qa1_ref[...] = _bdot(e, mWea1_ref[...]) + mb1_ref[:, :HH]
    Qb1_ref[...] = _bdot(e, mWeb1_ref[...]) + mb1_ref[:, HH:]
    eid = pl.program_id(0) * BE + lax.broadcasted_iota(jnp.int32, (BE, 1), 0)
    valid = eid < E
    a0 = _bdot(e, aWe0_ref[...]) + ab0_ref[...]
    a1 = _bdot(e, aWe1_ref[...]) + ab1_ref[...]
    a0_ref[...] = jnp.where(valid, a0, -1e4)
    a1_ref[...] = jnp.where(valid, a1, -1e4)


def _edge_prep(ef, epW, epb, mWea0, mWeb0, mb0, aWe0, ab0,
               mWea1, mWeb1, mb1, aWe1, ab1):
    epad_blk = -(-EPAD // BE) * BE
    nb = epad_blk // BE
    w = lambda shape: pl.BlockSpec(shape, lambda i: (0, 0))
    outs = pl.pallas_call(
        _edge_prep_body,
        grid=(nb,),
        in_specs=[
            pl.BlockSpec((BE, D_EDGE), lambda i: (i, 0)),
            w((D_EDGE, HP)), w((1, HP)),
            w((HP, HH)), w((HP, HH)), w((1, HP)), w((HP, 1)), w((1, 1)),
            w((HP, HH)), w((HP, HH)), w((1, HP)), w((HP, 1)), w((1, 1)),
        ],
        out_specs=[
            pl.BlockSpec((BE, HH), lambda i: (i, 0)),
            pl.BlockSpec((BE, HH), lambda i: (i, 0)),
            pl.BlockSpec((BE, 1), lambda i: (i, 0)),
            pl.BlockSpec((BE, HH), lambda i: (i, 0)),
            pl.BlockSpec((BE, HH), lambda i: (i, 0)),
            pl.BlockSpec((BE, 1), lambda i: (i, 0)),
        ],
        out_shape=[
            jax.ShapeDtypeStruct((epad_blk, HH), _f32),
            jax.ShapeDtypeStruct((epad_blk, HH), _f32),
            jax.ShapeDtypeStruct((epad_blk, 1), _f32),
            jax.ShapeDtypeStruct((epad_blk, HH), _f32),
            jax.ShapeDtypeStruct((epad_blk, HH), _f32),
            jax.ShapeDtypeStruct((epad_blk, 1), _f32),
        ],
    )(ef, epW, epb, mWea0, mWeb0, mb0, aWe0, ab0,
      mWea1, mWeb1, mb1, aWe1, ab1)
    return [o[:EPAD] for o in outs]


def _sc_edge_body(Pa_hbm, Pb_hbm, Qa_hbm, Qb_hbm, al_hbm,
                  src_hbm, dst_hbm, out_hbm,
                  acc, src_v, dst_v, al_v, prow_v, qrow_v, msg_v,
                  gsem):
    c = lax.axis_index("c")
    s = lax.axis_index("s")

    def _zrow(j, carry):
        for k in range(HH // 16):
            msg_v[j, pl.ds(k * 16, 16)] = jnp.zeros((16,), _f32)
        return carry
    lax.fori_loop(0, C, _zrow, 0)

    def _zcp(i, carry):
        pltpu.sync_copy(msg_v.at[pl.ds(0, 16)],
                        acc.at[pl.ds(s * 624 + i * 16, 16)])
        return carry
    lax.fori_loop(0, 39, _zcp, 0)

    @pl.when(s == 15)
    def _ztail():
        pltpu.sync_copy(msg_v.at[pl.ds(0, 16)], acc.at[pl.ds(9984, 16)])

    plsc.subcore_barrier()

    base = s * EPT

    def _chunk(i, carry):
        eb = base + i * C
        pltpu.sync_copy(src_hbm.at[pl.ds(eb, C)], src_v)
        pltpu.sync_copy(dst_hbm.at[pl.ds(eb, C)], dst_v)
        pltpu.sync_copy(al_hbm.at[pl.ds(eb, C)], al_v.at[pl.ds(0, C)])

        @pl.when(c == 0)
        def _half_a():
            pltpu.sync_copy(Qa_hbm.at[pl.ds(eb, C)], qrow_v)
            pltpu.async_copy(Pa_hbm.at[src_v], prow_v, gsem).wait()

        @pl.when(c == 1)
        def _half_b():
            pltpu.sync_copy(Qb_hbm.at[pl.ds(eb, C)], qrow_v)
            pltpu.async_copy(Pb_hbm.at[src_v], prow_v, gsem).wait()

        def _edge(j, carry2):
            a = al_v[pl.ds(j, 16)][0]
            for k in range(HH // 16):
                p = prow_v[j, pl.ds(k * 16, 16)]
                q = qrow_v[j, pl.ds(k * 16, 16)]
                msg_v[j, pl.ds(k * 16, 16)] = _relu(p + q) * a
            return carry2
        lax.fori_loop(0, C, _edge, 0)

        pltpu.sync_copy(msg_v, acc.at[dst_v], add=True)
        return carry

    lax.fori_loop(0, NCHUNK, _chunk, 0)
    plsc.subcore_barrier()

    pltpu.sync_copy(acc.at[pl.ds(s * 624, 624)],
                    out_hbm.at[c, pl.ds(s * 624, 624)])

    @pl.when(s == 15)
    def _wtail():
        pltpu.sync_copy(acc.at[pl.ds(9984, 16)],
                        out_hbm.at[c, pl.ds(9984, 16)])


@functools.cache
def _get_sc_edge():
    return pl.kernel(
        _sc_edge_body,
        out_type=jax.ShapeDtypeStruct((2, N, HH), _f32),
        mesh=plsc.VectorSubcoreMesh(core_axis_name="c", subcore_axis_name="s"),
        compiler_params=pltpu.CompilerParams(needs_layout_passes=False,
                                             use_tc_tiling_on_sc=False),
        scratch_types=[
            pltpu.VMEM_SHARED((N, HH), _f32),
            pltpu.VMEM((C,), jnp.int32),
            pltpu.VMEM((C,), jnp.int32),
            pltpu.VMEM((C + 16,), _f32),
            pltpu.VMEM((C, PW), _f32),
            pltpu.VMEM((C, HH), _f32),
            pltpu.VMEM((C, HH), _f32),
            pltpu.SemaphoreType.DMA,
        ],
    )


def _sc_logit_body(S_hbm, D_hbm, ae_hbm, src_hbm, dst_hbm, out_hbm,
                   src_v, dst_v, ae_v, srow_v, drow_v, lg_v, ssem, dsem):
    c = lax.axis_index("c")
    s = lax.axis_index("s")
    wid = c * 16 + s
    base = wid * EPT2
    lane0 = lax.iota(jnp.int32, 16) == 0

    def _chunk(i, carry):
        eb = base + i * C2
        pltpu.sync_copy(src_hbm.at[pl.ds(eb, C2)], src_v)
        pltpu.sync_copy(dst_hbm.at[pl.ds(eb, C2)], dst_v)
        pltpu.sync_copy(ae_hbm.at[pl.ds(eb, C2)], ae_v.at[pl.ds(0, C2)])
        pltpu.async_copy(S_hbm.at[src_v], srow_v, ssem).wait()
        pltpu.async_copy(D_hbm.at[dst_v], drow_v, dsem).wait()

        def _edge(j, carry2):
            lg = (srow_v[j, pl.ds(0, 16)] + drow_v[j, pl.ds(0, 16)]
                  + ae_v[pl.ds(j, 16)])
            plsc.store_compressed(lg_v.at[pl.ds(j, 16)], lg, mask=lane0)
            return carry2
        lax.fori_loop(0, C2, _edge, 0)
        pltpu.sync_copy(lg_v.at[pl.ds(0, C2)], out_hbm.at[pl.ds(eb, C2)])
        return carry

    lax.fori_loop(0, NCHUNK2, _chunk, 0)


@functools.cache
def _get_sc_logit():
    return pl.kernel(
        _sc_logit_body,
        out_type=jax.ShapeDtypeStruct((EPAD,), _f32),
        mesh=plsc.VectorSubcoreMesh(core_axis_name="c", subcore_axis_name="s"),
        compiler_params=pltpu.CompilerParams(needs_layout_passes=False,
                                             use_tc_tiling_on_sc=False),
        scratch_types=[
            pltpu.VMEM((C2,), jnp.int32),
            pltpu.VMEM((C2,), jnp.int32),
            pltpu.VMEM((C2 + 16,), _f32),
            pltpu.VMEM((C2, 16), _f32),
            pltpu.VMEM((C2, 16), _f32),
            pltpu.VMEM((C2 + 16,), _f32),
            pltpu.SemaphoreType.DMA,
            pltpu.SemaphoreType.DMA,
        ],
    )


def _sig_body(x_ref, o_ref):
    o_ref[...] = jax.nn.sigmoid(x_ref[...])


def _tc_sigmoid(logits):
    return pl.pallas_call(
        _sig_body,
        grid=(32,),
        in_specs=[pl.BlockSpec((EPT2, 1), lambda i: (i, 0))],
        out_specs=pl.BlockSpec((EPT2, 1), lambda i: (i, 0)),
        out_shape=jax.ShapeDtypeStruct((EPAD, 1), _f32),
    )(logits.reshape(EPAD, 1)).reshape(EPAD)


def _combine_body(part_ref, g_ref, b_ref, mWa_ref, mWb_ref, aWs_ref,
                  aWd_ref, h_ref, Pa_ref, Pb_ref, D_ref, S_ref):
    agg = jnp.concatenate([part_ref[0], part_ref[1]], 1)
    mu = jnp.sum(agg, axis=1, keepdims=True) / H
    var = jnp.sum(agg * agg, axis=1, keepdims=True) / H - mu * mu
    hn = _relu((agg - mu) / jnp.sqrt(var + 1e-5) * g_ref[...] + b_ref[...])
    h_ref[...] = hn
    asv = jnp.dot(hn, aWs_ref[...], preferred_element_type=_f32, precision=_HI)
    adv = jnp.dot(hn, aWd_ref[...], preferred_element_type=_f32, precision=_HI)
    z15 = jnp.zeros((hn.shape[0], 15), _f32)
    Pa_ref[...] = jnp.concatenate(
        [jnp.dot(hn, mWa_ref[...], preferred_element_type=_f32, precision=_HI),
         asv, z15], 1)
    Pb_ref[...] = jnp.concatenate(
        [jnp.dot(hn, mWb_ref[...], preferred_element_type=_f32, precision=_HI),
         asv, z15], 1)
    D_ref[...] = jnp.concatenate([adv, z15], 1)
    S_ref[...] = jnp.concatenate([asv, z15], 1)


def _combine(parts, g, b, mWa, mWb, aWs, aWd):
    nb = N // BN
    w = lambda shape: pl.BlockSpec(shape, lambda i: (0, 0))
    return pl.pallas_call(
        _combine_body,
        grid=(nb,),
        in_specs=[
            pl.BlockSpec((2, BN, HH), lambda i: (0, i, 0)),
            w((1, HP)), w((1, HP)),
            w((HP, HH)), w((HP, HH)), w((HP, 1)), w((HP, 1)),
        ],
        out_specs=[
            pl.BlockSpec((BN, HP), lambda i: (i, 0)),
            pl.BlockSpec((BN, PW), lambda i: (i, 0)),
            pl.BlockSpec((BN, PW), lambda i: (i, 0)),
            pl.BlockSpec((BN, 16), lambda i: (i, 0)),
            pl.BlockSpec((BN, 16), lambda i: (i, 0)),
        ],
        out_shape=[
            jax.ShapeDtypeStruct((N, HP), _f32),
            jax.ShapeDtypeStruct((N, PW), _f32),
            jax.ShapeDtypeStruct((N, PW), _f32),
            jax.ShapeDtypeStruct((N, 16), _f32),
            jax.ShapeDtypeStruct((N, 16), _f32),
        ],
    )(parts, g, b, mWa, mWb, aWs, aWd)


def _seg_mean_body(h_ref, brow_ref, gh_ref, cnt_ref):
    i = pl.program_id(0)

    @pl.when(i == 0)
    def _init():
        gh_ref[...] = jnp.zeros_like(gh_ref)
        cnt_ref[...] = jnp.zeros_like(cnt_ref)

    BmT = jnp.where(brow_ref[0] == lax.broadcasted_iota(jnp.int32, (G, BN), 0),
                    1.0, 0.0)
    gh_ref[...] += jnp.dot(BmT, h_ref[...],
                           preferred_element_type=_f32, precision=_HI)
    cnt_ref[...] += jnp.sum(BmT, axis=1, keepdims=True)


def _seg_mean(h, brow):
    nb = N // BN
    return pl.pallas_call(
        _seg_mean_body,
        grid=(nb,),
        in_specs=[
            pl.BlockSpec((BN, HP), lambda i: (i, 0)),
            pl.BlockSpec((1, 1, BN), lambda i: (i, 0, 0)),
        ],
        out_specs=[
            pl.BlockSpec((G, HP), lambda i: (0, 0)),
            pl.BlockSpec((G, 1), lambda i: (0, 0)),
        ],
        out_shape=[
            jax.ShapeDtypeStruct((G, HP), _f32),
            jax.ShapeDtypeStruct((G, 1), _f32),
        ],
    )(h, brow)


def _ro_context_body(h_ref, bcol_ref, brow_ref, gh_ref, roW_ref, rob_ref,
                     ctx_ref):
    i = pl.program_id(0)

    @pl.when(i == 0)
    def _init():
        ctx_ref[...] = jnp.zeros_like(ctx_ref)

    h = h_ref[...]
    Bm = jnp.where(bcol_ref[...] == lax.broadcasted_iota(jnp.int32, (BN, G), 1),
                   1.0, 0.0)
    BmT = jnp.where(brow_ref[0] == lax.broadcasted_iota(jnp.int32, (G, BN), 0),
                    1.0, 0.0)
    ctx = jnp.dot(Bm, gh_ref[...], preferred_element_type=_f32, precision=_HI)
    ap = _sigmoid(jnp.dot(h * ctx, roW_ref[...],
                          preferred_element_type=_f32, precision=_HI) + rob_ref[...])
    ctx_ref[...] += jnp.dot(BmT, ap * h,
                            preferred_element_type=_f32, precision=_HI)


def _ro_context(h, bcol, brow, gh, roW, rob):
    nb = N // BN
    w = lambda shape: pl.BlockSpec(shape, lambda i: (0, 0))
    return pl.pallas_call(
        _ro_context_body,
        grid=(nb,),
        in_specs=[
            pl.BlockSpec((BN, HP), lambda i: (i, 0)),
            pl.BlockSpec((BN, 1), lambda i: (i, 0)),
            pl.BlockSpec((1, 1, BN), lambda i: (i, 0, 0)),
            w((G, HP)), w((HP, 1)), w((1, 1)),
        ],
        out_specs=pl.BlockSpec((G, HP), lambda i: (0, 0)),
        out_shape=jax.ShapeDtypeStruct((G, HP), _f32),
    )(h, bcol, brow, gh, roW, rob)


def _gru_body(ctxt_ref, gh_ref,
              WihR_ref, WihZ_ref, WihN_ref, bihR_ref, bihZ_ref, bihN_ref,
              WhhR_ref, WhhZ_ref, WhhN_ref, bhhR_ref, bhhZ_ref, bhhN_ref,
              outW_ref, outb_ref, gh_out_ref, out_ref):
    gh = gh_ref[...]
    context = ctxt_ref[...]
    dot = lambda a, b: jnp.dot(a, b, preferred_element_type=_f32,
                               precision=_HI)
    i_r = dot(context, WihR_ref[...]) + bihR_ref[...]
    i_z = dot(context, WihZ_ref[...]) + bihZ_ref[...]
    i_n = dot(context, WihN_ref[...]) + bihN_ref[...]
    h_r = dot(gh, WhhR_ref[...]) + bhhR_ref[...]
    h_z = dot(gh, WhhZ_ref[...]) + bhhZ_ref[...]
    h_n = dot(gh, WhhN_ref[...]) + bhhN_ref[...]
    r = _sigmoid(i_r + h_r)
    z = _sigmoid(i_z + h_z)
    n = jnp.tanh(i_n + r * h_n)
    gh2 = (1.0 - z) * n + z * gh
    gh_out_ref[...] = gh2
    out_ref[...] = dot(gh2, outW_ref[...]) + outb_ref[...]


def _gru_step(context, gh, Wih, bih, Whh, bhh, outW, outb):
    return pl.pallas_call(
        _gru_body,
        out_shape=[
            jax.ShapeDtypeStruct((G, HP), _f32),
            jax.ShapeDtypeStruct((G, 1), _f32),
        ],
    )(context, gh, *Wih, *bih, *Whh, *bhh, outW, outb)


def _div_body(ghs_ref, cnt_ref, gh_ref):
    gh_ref[...] = ghs_ref[...] / jnp.maximum(cnt_ref[...], 1.0)


def _seg_div(ghs, cnt):
    return pl.pallas_call(
        _div_body,
        out_shape=jax.ShapeDtypeStruct((G, HP), _f32),
    )(ghs, cnt)


def _readout(h, bcol, brow, roW, rob, Wih, bih, Whh, bhh, outW, outb):
    ghs, cnt = _seg_mean(h, brow)
    gh = _seg_div(ghs, cnt)
    for _ in range(2):
        context = _ro_context(h, bcol, brow, gh, roW, rob)
        gh, out = _gru_step(context, gh, Wih, bih, Whh, bhh, outW, outb)
    return out


def _padc(w):
    return jnp.pad(w, ((0, 0), (0, HP - w.shape[1])))


def _padrc(w):
    return jnp.pad(w, ((0, HP - w.shape[0]), (0, HP - w.shape[1])))


def _padr(w):
    return jnp.pad(w, ((0, HP - w.shape[0]), (0, 0)))


def _padv(v):
    return jnp.pad(v, (0, HP - v.shape[0])).reshape(1, HP)


def kernel(node_features, edge_features, edge_index, batch,
           np_W, np_b, ep_W, ep_b,
           l0_attn_W, l0_attn_b, l0_msg_W, l0_msg_b, l0_ln_g, l0_ln_b,
           l1_attn_W, l1_attn_b, l1_msg_W, l1_msg_b, l1_ln_g, l1_ln_b,
           ro_W, ro_b, gru_Wih, gru_bih, gru_Whh, gru_bhh, out_W, out_b):
    npW = _padc(np_W); npb = _padv(np_b)
    epW = _padc(ep_W); epb = _padv(ep_b)
    aW0s = _padr(l0_attn_W[:H]); aW0d = _padr(l0_attn_W[H:2 * H])
    aW0e = _padr(l0_attn_W[2 * H:]); ab0 = l0_attn_b.reshape(1, 1)
    aW1s = _padr(l1_attn_W[:H]); aW1d = _padr(l1_attn_W[H:2 * H])
    aW1e = _padr(l1_attn_W[2 * H:]); ab1 = l1_attn_b.reshape(1, 1)
    mW0h = _padrc(l0_msg_W[:H]); mW0e = _padrc(l0_msg_W[H:])
    mW1h = _padrc(l1_msg_W[:H]); mW1e = _padrc(l1_msg_W[H:])
    mW0ha, mW0hb = mW0h[:, :HH], mW0h[:, HH:]
    mW0ea, mW0eb = mW0e[:, :HH], mW0e[:, HH:]
    mW1ha, mW1hb = mW1h[:, :HH], mW1h[:, HH:]
    mW1ea, mW1eb = mW1e[:, :HH], mW1e[:, HH:]
    mb0 = _padv(l0_msg_b); mb1 = _padv(l1_msg_b)
    g0 = _padv(l0_ln_g); b0 = _padv(l0_ln_b)
    g1 = _padv(l1_ln_g); b1 = _padv(l1_ln_b)
    roW = _padr(ro_W); rob = ro_b.reshape(1, 1)
    Wih = [_padrc(gru_Wih[:, i * H:(i + 1) * H]) for i in range(3)]
    bih = [_padv(gru_bih[i * H:(i + 1) * H]) for i in range(3)]
    Whh = [_padrc(gru_Whh[:, i * H:(i + 1) * H]) for i in range(3)]
    bhh = [_padv(gru_bhh[i * H:(i + 1) * H]) for i in range(3)]
    outW = _padr(out_W); outb = out_b.reshape(1, 1)

    src = jnp.pad(edge_index[0], (0, EPAD - E))
    dst = jnp.pad(edge_index[1], (0, EPAD - E))
    epad_blk = -(-EPAD // BE) * BE
    efp = jnp.pad(edge_features, ((0, epad_blk - E), (0, 0)))
    bcol = batch.reshape(N, 1)
    brow = batch.reshape(N // BN, 1, BN)

    Pa0, Pb0, D0, S0 = _node_prep(node_features, npW, npb, mW0ha, mW0hb,
                                  aW0s, aW0d)
    Qa0, Qb0, ae0, Qa1, Qb1, ae1 = _edge_prep(
        efp, epW, epb, mW0ea, mW0eb, mb0, aW0e, ab0,
        mW1ea, mW1eb, mb1, aW1e, ab1)

    sc = _get_sc_edge()
    scl = _get_sc_logit()
    al0 = _tc_sigmoid(scl(S0, D0, ae0.reshape(EPAD), src, dst))
    parts0 = sc(Pa0, Pb0, Qa0, Qb0, al0, src, dst)
    _, Pa1, Pb1, D1, S1 = _combine(parts0, g0, b0, mW1ha, mW1hb, aW1s, aW1d)

    al1 = _tc_sigmoid(scl(S1, D1, ae1.reshape(EPAD), src, dst))
    parts1 = sc(Pa1, Pb1, Qa1, Qb1, al1, src, dst)
    h2, _, _, _, _ = _combine(parts1, g1, b1, mW1ha, mW1hb, aW1s, aW1d)

    return _readout(h2, bcol, brow, roW, rob, Wih, bih, Whh, bhh, outW, outb)

# --- scband reference (transcript-rebuilt; emitter-appended) ---
"""Pipeline reference for scband-attentive-fpregressor-5514738008950 (READ-ONLY COPY).

The authoritative reference and input builder live on the scoring server;
editing this copy changes nothing except your own understanding.
"""

import jax, jax.numpy as jnp
import numpy as np

N = 10000
E = 160000
D_NODE = 128
D_EDGE = 16
H = 200
G = 64


def _lin(k, fin, fout):
    return jax.random.normal(k, (fin, fout), dtype=jnp.float32) / np.sqrt(fin)


def setup_inputs(seed: int = 0) -> dict:
    key = jax.random.key(seed)
    ks = jax.random.split(key, 32)
    inp = {}
    inp['node_features'] = jax.random.normal(ks[0], (N, D_NODE), dtype=jnp.float32)
    inp['edge_features'] = jax.random.normal(ks[1], (E, D_EDGE), dtype=jnp.float32)
    inp['edge_index'] = jax.random.randint(ks[2], (2, E), 0, N, dtype=jnp.int32)
    inp['batch'] = jnp.sort(jax.random.randint(ks[3], (N,), 0, G, dtype=jnp.int32))
    inp['np_W'] = _lin(ks[4], D_NODE, H); inp['np_b'] = jnp.zeros((H,), jnp.float32)
    inp['ep_W'] = _lin(ks[5], D_EDGE, H); inp['ep_b'] = jnp.zeros((H,), jnp.float32)
    inp['l0_attn_W'] = _lin(ks[6], 3 * H, 1); inp['l0_attn_b'] = jnp.zeros((1,), jnp.float32)
    inp['l0_msg_W'] = _lin(ks[7], 2 * H, H); inp['l0_msg_b'] = jnp.zeros((H,), jnp.float32)
    inp['l0_ln_g'] = jnp.ones((H,), jnp.float32); inp['l0_ln_b'] = jnp.zeros((H,), jnp.float32)
    inp['l1_attn_W'] = _lin(ks[8], 3 * H, 1); inp['l1_attn_b'] = jnp.zeros((1,), jnp.float32)
    inp['l1_msg_W'] = _lin(ks[9], 2 * H, H); inp['l1_msg_b'] = jnp.zeros((H,), jnp.float32)
    inp['l1_ln_g'] = jnp.ones((H,), jnp.float32); inp['l1_ln_b'] = jnp.zeros((H,), jnp.float32)
    inp['ro_W'] = _lin(ks[10], H, 1); inp['ro_b'] = jnp.zeros((1,), jnp.float32)
    inp['gru_Wih'] = _lin(ks[11], H, 3 * H); inp['gru_bih'] = jnp.zeros((3 * H,), jnp.float32)
    inp['gru_Whh'] = _lin(ks[12], H, 3 * H); inp['gru_bhh'] = jnp.zeros((3 * H,), jnp.float32)
    inp['out_W'] = _lin(ks[13], H, 1); inp['out_b'] = jnp.zeros((1,), jnp.float32)
    return inp


def _layer_norm(x, g, b):
    mu = jnp.mean(x, axis=-1, keepdims=True)
    v = jnp.var(x, axis=-1, keepdims=True)
    return (x - mu) / jnp.sqrt(v + 1e-5) * g + b


def _mp_layer(h, src, dst, e, aW, ab, mW, mb, lg, lb):
    attn_in = jnp.concatenate([h[src], h[dst], e], axis=1)
    alpha = jax.nn.sigmoid(attn_in @ aW + ab)
    msg_in = jnp.concatenate([h[src], e], axis=1)
    msgs = alpha * jax.nn.relu(msg_in @ mW + mb)
    agg = jax.ops.segment_sum(msgs, dst, num_segments=h.shape[0])
    return jax.nn.relu(_layer_norm(agg, lg, lb))


def _forward(node_features, edge_features, edge_index, batch, n_graphs,
             np_W, np_b, ep_W, ep_b,
             l0_attn_W, l0_attn_b, l0_msg_W, l0_msg_b, l0_ln_g, l0_ln_b,
             l1_attn_W, l1_attn_b, l1_msg_W, l1_msg_b, l1_ln_g, l1_ln_b,
             ro_W, ro_b, gru_Wih, gru_bih, gru_Whh, gru_bhh, out_W, out_b):
    h = jax.nn.relu(node_features @ np_W + np_b)
    e = jax.nn.relu(edge_features @ ep_W + ep_b)
    src = edge_index[0]
    dst = edge_index[1]
    h = _mp_layer(h, src, dst, e, l0_attn_W, l0_attn_b, l0_msg_W, l0_msg_b, l0_ln_g, l0_ln_b)
    h = _mp_layer(h, src, dst, e, l1_attn_W, l1_attn_b, l1_msg_W, l1_msg_b, l1_ln_g, l1_ln_b)
    graph_h = jax.ops.segment_sum(h, batch, num_segments=n_graphs)
    counts = jnp.clip(jnp.bincount(batch, length=n_graphs).astype(h.dtype), 1.0)[:, None]
    graph_h = graph_h / counts
    for _ in range(2):
        ctx = graph_h[batch]
        alpha = jax.nn.sigmoid((h * ctx) @ ro_W + ro_b)
        context = jax.ops.segment_sum(alpha * h, batch, num_segments=n_graphs)
        gi = context @ gru_Wih + gru_bih
        gh = graph_h @ gru_Whh + gru_bhh
        i_r, i_z, i_n = jnp.split(gi, 3, axis=1)
        h_r, h_z, h_n = jnp.split(gh, 3, axis=1)
        r = jax.nn.sigmoid(i_r + h_r)
        z = jax.nn.sigmoid(i_z + h_z)
        n = jnp.tanh(i_n + r * h_n)
        graph_h = (1.0 - z) * n + z * graph_h
    return graph_h @ out_W + out_b


def reference(node_features, edge_features, edge_index, batch,
              np_W, np_b, ep_W, ep_b,
              l0_attn_W, l0_attn_b, l0_msg_W, l0_msg_b, l0_ln_g, l0_ln_b,
              l1_attn_W, l1_attn_b, l1_msg_W, l1_msg_b, l1_ln_g, l1_ln_b,
              ro_W, ro_b, gru_Wih, gru_bih, gru_Whh, gru_bhh, out_W, out_b):
    n_graphs = G
    return _forward(node_features, edge_features, edge_index, batch, n_graphs,
                    np_W, np_b, ep_W, ep_b,
                    l0_attn_W, l0_attn_b, l0_msg_W, l0_msg_b, l0_ln_g, l0_ln_b,
                    l1_attn_W, l1_attn_b, l1_msg_W, l1_msg_b, l1_ln_g, l1_ln_b,
                    ro_W, ro_b, gru_Wih, gru_bih, gru_Whh, gru_bhh, out_W, out_b)

if __name__ == "__main__":
    import jax
    _d = setup_inputs()
    print(jax.jit(kernel)(*tuple(_d.values())))

</pallas_src>

<mosaic_0001>
#map = affine_map<(d0, d1) -> (0, 0)>
#map1 = affine_map<(d0, d1) -> (0)>
module attributes {stable_mosaic.version = 14 : i64} {
  func.func @_sc_logit_body(%arg0: i32, %arg1: i32, %arg2: memref<10000x16xf32, #tpu.memory_space<hbm>>, %arg3: memref<10000x16xf32, #tpu.memory_space<hbm>>, %arg4: memref<161280xf32, #tpu.memory_space<hbm>>, %arg5: memref<161280xi32, #tpu.memory_space<hbm>>, %arg6: memref<161280xi32, #tpu.memory_space<hbm>>, %arg7: memref<161280xf32, #tpu.memory_space<hbm>>, %arg8: memref<112xi32, #tpu.memory_space<vmem>>, %arg9: memref<112xi32, #tpu.memory_space<vmem>>, %arg10: memref<128xf32, #tpu.memory_space<vmem>>, %arg11: memref<112x16xf32, #tpu.memory_space<vmem>>, %arg12: memref<112x16xf32, #tpu.memory_space<vmem>>, %arg13: memref<128xf32, #tpu.memory_space<vmem>>, %arg14: memref<!tpu.dma_semaphore, #tpu.memory_space<semaphore_mem>>, %arg15: memref<!tpu.dma_semaphore, #tpu.memory_space<semaphore_mem>>) attributes {dimension_semantics = [#tpu.dimension_semantics<core_parallel>, #tpu.dimension_semantics<subcore_parallel>], iteration_bounds = array<i64: 2, 16>, scalar_prefetch = 0 : i64, scratch_operands = 8 : i64, tpu.core_type = #tpu.core_type<sc_vector_subcore>, window_params = [{transform_indices = #map}, {transform_indices = #map}, {transform_indices = #map1}, {transform_indices = #map1}, {transform_indices = #map1}, {transform_indices = #map1}]} {
    %mul3A = arith.constant 16 : i32
    %mul3A_0 = arith.muli %arg0, %mul3A : i32
    %add3A = arith.addi %mul3A_0, %arg1 : i32
    %mul3A_1 = arith.constant 5040 : i32
    %mul3A_2 = arith.muli %add3A, %mul3A_1 : i32
    %iota3A = tpu.iota {dimensions = array<i32: 0>} : vector<16xi32>
    %eq3A = arith.constant 0 : i32
    %eq3A_3 = vector.broadcast %eq3A : i32 to vector<16xi32>
    %eq3A_4 = arith.cmpi eq, %iota3A, %eq3A_3 : vector<16xi32>
    %scan3A = arith.constant 0 : i32
    %scan3A_5 = arith.constant 0 : i32
    %scan3A_6 = arith.constant 45 : i32
    %scan3A_7 = arith.addi %scan3A_5, %scan3A_6 : i32
    %scan3A_8 = arith.constant 1 : i32
    scf.for %scan3A_10 = %scan3A_5 to %scan3A_7 step %scan3A_8  : i32 {
      %mul3A_11 = arith.constant 112 : i32
      %mul3A_12 = arith.muli %scan3A_10, %mul3A_11 : i32
      %add3A_13 = arith.addi %mul3A_2, %mul3A_12 : i32
      "tpu.region"() ({
        %run_scoped3A = tpu.sem_alloc : memref<!tpu.dma_semaphore, #tpu.memory_space<semaphore_mem>>
        %dma_start3A_30 = tpu.memref_slice %arg5[%add3A_13] : memref<161280xi32, #tpu.memory_space<hbm>> -> memref<112xi32, #tpu.memory_space<hbm>>
        %dma_start3A_31 = tpu.memref_slice %arg5[%add3A_13] : memref<161280xi32, #tpu.memory_space<hbm>> -> memref<112xi32, #tpu.memory_space<hbm>>
        tpu.enqueue_dma source(%dma_start3A_31 : memref<112xi32, #tpu.memory_space<hbm>>) target(%arg8 : memref<112xi32, #tpu.memory_space<vmem>>) target_semaphore(%run_scoped3A : memref<!tpu.dma_semaphore, #tpu.memory_space<semaphore_mem>>)
        %dma_wait3A_32 = tpu.memref_slice %arg5[%add3A_13] : memref<161280xi32, #tpu.memory_space<hbm>> -> memref<112xi32, #tpu.memory_space<hbm>>
        %dma_wait3A_33 = tpu.memref_slice %arg5[%add3A_13] : memref<161280xi32, #tpu.memory_space<hbm>> -> memref<112xi32, #tpu.memory_space<hbm>>
        tpu.wait_dma2 semaphore(%run_scoped3A : memref<!tpu.dma_semaphore, #tpu.memory_space<semaphore_mem>>) src(%dma_wait3A_33 : memref<112xi32, #tpu.memory_space<hbm>>) dst(%arg8 : memref<112xi32, #tpu.memory_space<vmem>>)
        tpu.yield
      }) : () -> ()
      "tpu.region"() ({
        %run_scoped3A = tpu.sem_alloc : memref<!tpu.dma_semaphore, #tpu.memory_space<semaphore_mem>>
        %dma_start3A_30 = tpu.memref_slice %arg6[%add3A_13] : memref<161280xi32, #tpu.memory_space<hbm>> -> memref<112xi32, #tpu.memory_space<hbm>>
        %dma_start3A_31 = tpu.memref_slice %arg6[%add3A_13] : memref<161280xi32, #tpu.memory_space<hbm>> -> memref<112xi32, #tpu.memory_space<hbm>>
        tpu.enqueue_dma source(%dma_start3A_31 : memref<112xi32, #tpu.memory_space<hbm>>) target(%arg9 : memref<112xi32, #tpu.memory_space<vmem>>) target_semaphore(%run_scoped3A : memref<!tpu.dma_semaphore, #tpu.memory_space<semaphore_mem>>)
        %dma_wait3A_32 = tpu.memref_slice %arg6[%add3A_13] : memref<161280xi32, #tpu.memory_space<hbm>> -> memref<112xi32, #tpu.memory_space<hbm>>
        %dma_wait3A_33 = tpu.memref_slice %arg6[%add3A_13] : memref<161280xi32, #tpu.memory_space<hbm>> -> memref<112xi32, #tpu.memory_space<hbm>>
        tpu.wait_dma2 semaphore(%run_scoped3A : memref<!tpu.dma_semaphore, #tpu.memory_space<semaphore_mem>>) src(%dma_wait3A_33 : memref<112xi32, #tpu.memory_space<hbm>>) dst(%arg9 : memref<112xi32, #tpu.memory_space<vmem>>)
        tpu.yield
      }) : () -> ()
      "tpu.region"() ({
        %run_scoped3A = tpu.sem_alloc : memref<!tpu.dma_semaphore, #tpu.memory_space<semaphore_mem>>
        %dma_start3A_30 = arith.constant 0 : i32
        %dma_start3A_31 = tpu.memref_slice %arg10[%dma_start3A_30] : memref<128xf32, #tpu.memory_space<vmem>> -> memref<112xf32, #tpu.memory_space<vmem>>
        %dma_start3A_32 = tpu.memref_slice %arg4[%add3A_13] : memref<161280xf32, #tpu.memory_space<hbm>> -> memref<112xf32, #tpu.memory_space<hbm>>
        %dma_start3A_33 = arith.constant 0 : i32
        %dma_start3A_34 = tpu.memref_slice %arg10[%dma_start3A_33] : memref<128xf32, #tpu.memory_space<vmem>> -> memref<112xf32, #tpu.memory_space<vmem>>
        %dma_start3A_35 = tpu.memref_slice %arg4[%add3A_13] : memref<161280xf32, #tpu.memory_space<hbm>> -> memref<112xf32, #tpu.memory_space<hbm>>
        tpu.enqueue_dma source(%dma_start3A_35 : memref<112xf32, #tpu.memory_space<hbm>>) target(%dma_start3A_34 : memref<112xf32, #tpu.memory_space<vmem>>) target_semaphore(%run_scoped3A : memref<!tpu.dma_semaphore, #tpu.memory_space<semaphore_mem>>)
        %dma_wait3A_36 = arith.constant 0 : i32
        %dma_wait3A_37 = tpu.memref_slice %arg10[%dma_wait3A_36] : memref<128xf32, #tpu.memory_space<vmem>> -> memref<112xf32, #tpu.memory_space<vmem>>
        %dma_wait3A_38 = tpu.memref_slice %arg4[%add3A_13] : memref<161280xf32, #tpu.memory_space<hbm>> -> memref<112xf32, #tpu.memory_space<hbm>>
        %dma_wait3A_39 = arith.constant 0 : i32
        %dma_wait3A_40 = tpu.memref_slice %arg10[%dma_wait3A_39] : memref<128xf32, #tpu.memory_space<vmem>> -> memref<112xf32, #tpu.memory_space<vmem>>
        %dma_wait3A_41 = tpu.memref_slice %arg4[%add3A_13] : memref<161280xf32, #tpu.memory_space<hbm>> -> memref<112xf32, #tpu.memory_space<hbm>>
        tpu.wait_dma2 semaphore(%run_scoped3A : memref<!tpu.dma_semaphore, #tpu.memory_space<semaphore_mem>>) src(%dma_wait3A_41 : memref<112xf32, #tpu.memory_space<hbm>>) dst(%dma_wait3A_40 : memref<112xf32, #tpu.memory_space<vmem>>)
        tpu.yield
      }) : () -> ()
      %dma_start3A = arith.constant 0 : i32
      %dma_start3A_14 = arith.constant 0 : i32
      %dma_start3A_15 = tpu.memref_slice %arg2[%dma_start3A, %dma_start3A_14] : memref<10000x16xf32, #tpu.memory_space<hbm>> -> memref<10000x16xf32, #tpu.memory_space<hbm>>
      tpu.enqueue_indirect_dma source(%dma_start3A_15 : memref<10000x16xf32, #tpu.memory_space<hbm>>) target(%arg11 : memref<112x16xf32, #tpu.memory_space<vmem>>) offsets(%arg8 : memref<112xi32, #tpu.memory_space<vmem>>) semaphore(%arg14 : memref<!tpu.dma_semaphore, #tpu.memory_space<semaphore_mem>>)
      %dma_wait3A = arith.constant 0 : i32
      %dma_wait3A_16 = arith.constant 0 : i32
      %dma_wait3A_17 = tpu.memref_slice %arg2[%dma_wait3A, %dma_wait3A_16] : memref<10000x16xf32, #tpu.memory_space<hbm>> -> memref<10000x16xf32, #tpu.memory_space<hbm>>
      tpu.wait_indirect_dma semaphore(%arg14 : memref<!tpu.dma_semaphore, #tpu.memory_space<semaphore_mem>>) src(%dma_wait3A_17 : memref<10000x16xf32, #tpu.memory_space<hbm>>) dst(%arg11 : memref<112x16xf32, #tpu.memory_space<vmem>>)
      %dma_start3A_18 = arith.constant 0 : i32
      %dma_start3A_19 = arith.constant 0 : i32
      %dma_start3A_20 = tpu.memref_slice %arg3[%dma_start3A_18, %dma_start3A_19] : memref<10000x16xf32, #tpu.memory_space<hbm>> -> memref<10000x16xf32, #tpu.memory_space<hbm>>
      tpu.enqueue_indirect_dma source(%dma_start3A_20 : memref<10000x16xf32, #tpu.memory_space<hbm>>) target(%arg12 : memref<112x16xf32, #tpu.memory_space<vmem>>) offsets(%arg9 : memref<112xi32, #tpu.memory_space<vmem>>) semaphore(%arg15 : memref<!tpu.dma_semaphore, #tpu.memory_space<semaphore_mem>>)
      %dma_wait3A_21 = arith.constant 0 : i32
      %dma_wait3A_22 = arith.constant 0 : i32
      %dma_wait3A_23 = tpu.memref_slice %arg3[%dma_wait3A_21, %dma_wait3A_22] : memref<10000x16xf32, #tpu.memory_space<hbm>> -> memref<10000x16xf32, #tpu.memory_space<hbm>>
      tpu.wait_indirect_dma semaphore(%arg15 : memref<!tpu.dma_semaphore, #tpu.memory_space<semaphore_mem>>) src(%dma_wait3A_23 : memref<10000x16xf32, #tpu.memory_space<hbm>>) dst(%arg12 : memref<112x16xf32, #tpu.memory_space<vmem>>)
      %scan3A_24 = arith.constant 0 : i32
      %scan3A_25 = arith.constant 0 : i32
      %scan3A_26 = arith.constant 112 : i32
      %scan3A_27 = arith.addi %scan3A_25, %scan3A_26 : i32
      %scan3A_28 = arith.constant 1 : i32
      scf.for %scan3A_30 = %scan3A_25 to %scan3A_27 step %scan3A_28  : i32 {
        %get3A = arith.index_cast %scan3A_30 : i32 to index
        %get3A_31 = arith.constant 0 : index
        %get3A_32 = tpu.vector_load %arg11[%get3A, %get3A_31] {strides = array<i32>} : memref<112x16xf32, #tpu.memory_space<vmem>>, vector<16xf32>,
        %get3A_33 = arith.index_cast %scan3A_30 : i32 to index
        %get3A_34 = arith.constant 0 : index
        %get3A_35 = tpu.vector_load %arg12[%get3A_33, %get3A_34] {strides = array<i32>} : memref<112x16xf32, #tpu.memory_space<vmem>>, vector<16xf32>,
        %add3A_36 = arith.addf %get3A_32, %get3A_35 : vector<16xf32>
        %get3A_37 = arith.index_cast %scan3A_30 : i32 to index
        %get3A_38 = tpu.vector_load %arg10[%get3A_37] {strides = array<i32>} : memref<128xf32, #tpu.memory_space<vmem>>, vector<16xf32>,
        %add3A_39 = arith.addf %add3A_36, %get3A_38 : vector<16xf32>
        %swap3A = arith.index_cast %scan3A_30 : i32 to index
        %swap3A_40 = tpu.vector_load %arg13[%swap3A] masked %eq3A_4 {strides = array<i32>} : memref<128xf32, #tpu.memory_space<vmem>>, vector<16xf32>, vector<16xi1>
        tpu.vector_store %arg13[%swap3A], %add3A_39 masked %eq3A_4 {strides = array<i32>} : memref<128xf32, #tpu.memory_space<vmem>>, vector<16xf32>, vector<16xi1>
      }
      %scan3A_29 = arith.constant 112 : i32
      "tpu.region"() ({
        %run_scoped3A = tpu.sem_alloc : memref<!tpu.dma_semaphore, #tpu.memory_space<semaphore_mem>>
        %dma_start3A_30 = arith.constant 0 : i32
        %dma_start3A_31 = tpu.memref_slice %arg13[%dma_start3A_30] : memref<128xf32, #tpu.memory_space<vmem>> -> memref<112xf32, #tpu.memory_space<vmem>>
        %dma_start3A_32 = tpu.memref_slice %arg7[%add3A_13] : memref<161280xf32, #tpu.memory_space<hbm>> -> memref<112xf32, #tpu.memory_space<hbm>>
        %dma_start3A_33 = tpu.memref_slice %arg7[%add3A_13] : memref<161280xf32, #tpu.memory_space<hbm>> -> memref<112xf32, #tpu.memory_space<hbm>>
        %dma_start3A_34 = arith.constant 0 : i32
        %dma_start3A_35 = tpu.memref_slice %arg13[%dma_start3A_34] : memref<128xf32, #tpu.memory_space<vmem>> -> memref<112xf32, #tpu.memory_space<vmem>>
        tpu.enqueue_dma source(%dma_start3A_35 : memref<112xf32, #tpu.memory_space<vmem>>) target(%dma_start3A_33 : memref<112xf32, #tpu.memory_space<hbm>>) target_semaphore(%run_scoped3A : memref<!tpu.dma_semaphore, #tpu.memory_space<semaphore_mem>>)
        %dma_wait3A_36 = arith.constant 0 : i32
        %dma_wait3A_37 = tpu.memref_slice %arg13[%dma_wait3A_36] : memref<128xf32, #tpu.memory_space<vmem>> -> memref<112xf32, #tpu.memory_space<vmem>>
        %dma_wait3A_38 = tpu.memref_slice %arg7[%add3A_13] : memref<161280xf32, #tpu.memory_space<hbm>> -> memref<112xf32, #tpu.memory_space<hbm>>
        %dma_wait3A_39 = tpu.memref_slice %arg7[%add3A_13] : memref<161280xf32, #tpu.memory_space<hbm>> -> memref<112xf32, #tpu.memory_space<hbm>>
        %dma_wait3A_40 = arith.constant 0 : i32
        %dma_wait3A_41 = tpu.memref_slice %arg13[%dma_wait3A_40] : memref<128xf32, #tpu.memory_space<vmem>> -> memref<112xf32, #tpu.memory_space<vmem>>
        tpu.wait_dma2 semaphore(%run_scoped3A : memref<!tpu.dma_semaphore, #tpu.memory_space<semaphore_mem>>) src(%dma_wait3A_41 : memref<112xf32, #tpu.memory_space<vmem>>) dst(%dma_wait3A_39 : memref<112xf32, #tpu.memory_space<hbm>>)
        tpu.yield
      }) : () -> ()
    }
    %scan3A_9 = arith.constant 45 : i32
    return
  }
}

#map = affine_map<(d0, d1) -> (0, 0)>
#map1 = affine_map<(d0, d1) -> (0)>
module attributes {stable_mosaic.version = 14 : i64} {
  func.func @_sc_logit_body(%arg0: i32, %arg1: i32, %arg2: memref<10000x16xf32, #tpu.memory_space<hbm>>, %arg3: memref<10000x16xf32, #tpu.memory_space<hbm>>, %arg4: memref<161280xf32, #tpu.memory_space<hbm>>, %arg5: memref<161280xi32, #tpu.memory_space<hbm>>, %arg6: memref<161280xi32, #tpu.memory_space<hbm>>, %arg7: memref<161280xf32, #tpu.memory_space<hbm>>, %arg8: memref<112xi32, #tpu.memory_space<vmem>>, %arg9: memref<112xi32, #tpu.memory_space<vmem>>, %arg10: memref<128xf32, #tpu.memory_space<vmem>>, %arg11: memref<112x16xf32, #tpu.memory_space<vmem>>, %arg12: memref<112x16xf32, #tpu.memory_space<vmem>>, %arg13: memref<128xf32, #tpu.memory_space<vmem>>, %arg14: memref<!tpu.dma_semaphore, #tpu.memory_space<semaphore_mem>>, %arg15: memref<!tpu.dma_semaphore, #tpu.memory_space<semaphore_mem>>) attributes {dimension_semantics = [#tpu.dimension_semantics<core_parallel>, #tpu.dimension_semantics<subcore_parallel>], iteration_bounds = array<i64: 2, 16>, scalar_prefetch = 0 : i64, scratch_operands = 8 : i64, tpu.core_type = #tpu.core_type<sc_vector_subcore>, window_params = [{transform_indices = #map}, {transform_indices = #map}, {transform_indices = #map1}, {transform_indices = #map1}, {transform_indices = #map1}, {transform_indices = #map1}]} {
    %mul3A = arith.constant 16 : i32
    %mul3A_0 = arith.muli %arg0, %mul3A : i32
    %add3A = arith.addi %mul3A_0, %arg1 : i32
    %mul3A_1 = arith.constant 5040 : i32
    %mul3A_2 = arith.muli %add3A, %mul3A_1 : i32
    %iota3A = tpu.iota {dimensions = array<i32: 0>} : vector<16xi32>
    %eq3A = arith.constant 0 : i32
    %eq3A_3 = vector.broadcast %eq3A : i32 to vector<16xi32>
    %eq3A_4 = arith.cmpi eq, %iota3A, %eq3A_3 : vector<16xi32>
    %scan3A = arith.constant 0 : i32
    %scan3A_5 = arith.constant 0 : i32
    %scan3A_6 = arith.constant 45 : i32
    %scan3A_7 = arith.addi %scan3A_5, %scan3A_6 : i32
    %scan3A_8 = arith.constant 1 : i32
    scf.for %scan3A_10 = %scan3A_5 to %scan3A_7 step %scan3A_8  : i32 {
      %mul3A_11 = arith.constant 112 : i32
      %mul3A_12 = arith.muli %scan3A_10, %mul3A_11 : i32
      %add3A_13 = arith.addi %mul3A_2, %mul3A_12 : i32
      "tpu.region"() ({
        %run_scoped3A = tpu.sem_alloc : memref<!tpu.dma_semaphore, #tpu.memory_space<semaphore_mem>>
        %dma_start3A_30 = tpu.memref_slice %arg5[%add3A_13] : memref<161280xi32, #tpu.memory_space<hbm>> -> memref<112xi32, #tpu.memory_space<hbm>>
        %dma_start3A_31 = tpu.memref_slice %arg5[%add3A_13] : memref<161280xi32, #tpu.memory_space<hbm>> -> memref<112xi32, #tpu.memory_space<hbm>>
        tpu.enqueue_dma source(%dma_start3A_31 : memref<112xi32, #tpu.memory_space<hbm>>) target(%arg8 : memref<112xi32, #tpu.memory_space<vmem>>) target_semaphore(%run_scoped3A : memref<!tpu.dma_semaphore, #tpu.memory_space<semaphore_mem>>)
        %dma_wait3A_32 = tpu.memref_slice %arg5[%add3A_13] : memref<161280xi32, #tpu.memory_space<hbm>> -> memref<112xi32, #tpu.memory_space<hbm>>
        %dma_wait3A_33 = tpu.memref_slice %arg5[%add3A_13] : memref<161280xi32, #tpu.memory_space<hbm>> -> memref<112xi32, #tpu.memory_space<hbm>>
        tpu.wait_dma2 semaphore(%run_scoped3A : memref<!tpu.dma_semaphore, #tpu.memory_space<semaphore_mem>>) src(%dma_wait3A_33 : memref<112xi32, #tpu.memory_space<hbm>>) dst(%arg8 : memref<112xi32, #tpu.memory_space<vmem>>)
        tpu.yield
      }) : () -> ()
      "tpu.region"() ({
        %run_scoped3A = tpu.sem_alloc : memref<!tpu.dma_semaphore, #tpu.memory_space<semaphore_mem>>
        %dma_start3A_30 = tpu.memref_slice %arg6[%add3A_13] : memref<161280xi32, #tpu.memory_space<hbm>> -> memref<112xi32, #tpu.memory_space<hbm>>
        %dma_start3A_31 = tpu.memref_slice %arg6[%add3A_13] : memref<161280xi32, #tpu.memory_space<hbm>> -> memref<112xi32, #tpu.memory_space<hbm>>
        tpu.enqueue_dma source(%dma_start3A_31 : memref<112xi32, #tpu.memory_space<hbm>>) target(%arg9 : memref<112xi32, #tpu.memory_space<vmem>>) target_semaphore(%run_scoped3A : memref<!tpu.dma_semaphore, #tpu.memory_space<semaphore_mem>>)
        %dma_wait3A_32 = tpu.memref_slice %arg6[%add3A_13] : memref<161280xi32, #tpu.memory_space<hbm>> -> memref<112xi32, #tpu.memory_space<hbm>>
        %dma_wait3A_33 = tpu.memref_slice %arg6[%add3A_13] : memref<161280xi32, #tpu.memory_space<hbm>> -> memref<112xi32, #tpu.memory_space<hbm>>
        tpu.wait_dma2 semaphore(%run_scoped3A : memref<!tpu.dma_semaphore, #tpu.memory_space<semaphore_mem>>) src(%dma_wait3A_33 : memref<112xi32, #tpu.memory_space<hbm>>) dst(%arg9 : memref<112xi32, #tpu.memory_space<vmem>>)
        tpu.yield
      }) : () -> ()
      "tpu.region"() ({
        %run_scoped3A = tpu.sem_alloc : memref<!tpu.dma_semaphore, #tpu.memory_space<semaphore_mem>>
        %dma_start3A_30 = arith.constant 0 : i32
        %dma_start3A_31 = tpu.memref_slice %arg10[%dma_start3A_30] : memref<128xf32, #tpu.memory_space<vmem>> -> memref<112xf32, #tpu.memory_space<vmem>>
        %dma_start3A_32 = tpu.memref_slice %arg4[%add3A_13] : memref<161280xf32, #tpu.memory_space<hbm>> -> memref<112xf32, #tpu.memory_space<hbm>>
        %dma_start3A_33 = arith.constant 0 : i32
        %dma_start3A_34 = tpu.memref_slice %arg10[%dma_start3A_33] : memref<128xf32, #tpu.memory_space<vmem>> -> memref<112xf32, #tpu.memory_space<vmem>>
        %dma_start3A_35 = tpu.memref_slice %arg4[%add3A_13] : memref<161280xf32, #tpu.memory_space<hbm>> -> memref<112xf32, #tpu.memory_space<hbm>>
        tpu.enqueue_dma source(%dma_start3A_35 : memref<112xf32, #tpu.memory_space<hbm>>) target(%dma_start3A_34 : memref<112xf32, #tpu.memory_space<vmem>>) target_semaphore(%run_scoped3A : memref<!tpu.dma_semaphore, #tpu.memory_space<semaphore_mem>>)
        %dma_wait3A_36 = arith.constant 0 : i32
        %dma_wait3A_37 = tpu.memref_slice %arg10[%dma_wait3A_36] : memref<128xf32, #tpu.memory_space<vmem>> -> memref<112xf32, #tpu.memory_space<vmem>>
        %dma_wait3A_38 = tpu.memref_slice %arg4[%add3A_13] : memref<161280xf32, #tpu.memory_space<hbm>> -> memref<112xf32, #tpu.memory_space<hbm>>
        %dma_wait3A_39 = arith.constant 0 : i32
        %dma_wait3A_40 = tpu.memref_slice %arg10[%dma_wait3A_39] : memref<128xf32, #tpu.memory_space<vmem>> -> memref<112xf32, #tpu.memory_space<vmem>>
        %dma_wait3A_41 = tpu.memref_slice %arg4[%add3A_13] : memref<161280xf32, #tpu.memory_space<hbm>> -> memref<112xf32, #tpu.memory_space<hbm>>
        tpu.wait_dma2 semaphore(%run_scoped3A : memref<!tpu.dma_semaphore, #tpu.memory_space<semaphore_mem>>) src(%dma_wait3A_41 : memref<112xf32, #tpu.memory_space<hbm>>) dst(%dma_wait3A_40 : memref<112xf32, #tpu.memory_space<vmem>>)
        tpu.yield
      }) : () -> ()
      %dma_start3A = arith.constant 0 : i32
      %dma_start3A_14 = arith.constant 0 : i32
      %dma_start3A_15 = tpu.memref_slice %arg2[%dma_start3A, %dma_start3A_14] : memref<10000x16xf32, #tpu.memory_space<hbm>> -> memref<10000x16xf32, #tpu.memory_space<hbm>>
      tpu.enqueue_indirect_dma source(%dma_start3A_15 : memref<10000x16xf32, #tpu.memory_space<hbm>>) target(%arg11 : memref<112x16xf32, #tpu.memory_space<vmem>>) offsets(%arg8 : memref<112xi32, #tpu.memory_space<vmem>>) semaphore(%arg14 : memref<!tpu.dma_semaphore, #tpu.memory_space<semaphore_mem>>)
      %dma_wait3A = arith.constant 0 : i32
      %dma_wait3A_16 = arith.constant 0 : i32
      %dma_wait3A_17 = tpu.memref_slice %arg2[%dma_wait3A, %dma_wait3A_16] : memref<10000x16xf32, #tpu.memory_space<hbm>> -> memref<10000x16xf32, #tpu.memory_space<hbm>>
      tpu.wait_indirect_dma semaphore(%arg14 : memref<!tpu.dma_semaphore, #tpu.memory_space<semaphore_mem>>) src(%dma_wait3A_17 : memref<10000x16xf32, #tpu.memory_space<hbm>>) dst(%arg11 : memref<112x16xf32, #tpu.memory_space<vmem>>)
      %dma_start3A_18 = arith.constant 0 : i32
      %dma_start3A_19 = arith.constant 0 : i32
      %dma_start3A_20 = tpu.memref_slice %arg3[%dma_start3A_18, %dma_start3A_19] : memref<10000x16xf32, #tpu.memory_space<hbm>> -> memref<10000x16xf32, #tpu.memory_space<hbm>>
      tpu.enqueue_indirect_dma source(%dma_start3A_20 : memref<10000x16xf32, #tpu.memory_space<hbm>>) target(%arg12 : memref<112x16xf32, #tpu.memory_space<vmem>>) offsets(%arg9 : memref<112xi32, #tpu.memory_space<vmem>>) semaphore(%arg15 : memref<!tpu.dma_semaphore, #tpu.memory_space<semaphore_mem>>)
      %dma_wait3A_21 = arith.constant 0 : i32
      %dma_wait3A_22 = arith.constant 0 : i32
      %dma_wait3A_23 = tpu.memref_slice %arg3[%dma_wait3A_21, %dma_wait3A_22] : memref<10000x16xf32, #tpu.memory_space<hbm>> -> memref<10000x16xf32, #tpu.memory_space<hbm>>
      tpu.wait_indirect_dma semaphore(%arg15 : memref<!tpu.dma_semaphore, #tpu.memory_space<semaphore_mem>>) src(%dma_wait3A_23 : memref<10000x16xf32, #tpu.memory_space<hbm>>) dst(%arg12 : memref<112x16xf32, #tpu.memory_space<vmem>>)
      %scan3A_24 = arith.constant 0 : i32
      %scan3A_25 = arith.constant 0 : i32
      %scan3A_26 = arith.constant 112 : i32
      %scan3A_27 = arith.addi %scan3A_25, %scan3A_26 : i32
      %scan3A_28 = arith.constant 1 : i32
      scf.for %scan3A_30 = %scan3A_25 to %scan3A_27 step %scan3A_28  : i32 {
        %get3A = arith.index_cast %scan3A_30 : i32 to index
        %get3A_31 = arith.constant 0 : index
        %get3A_32 = tpu.vector_load %arg11[%get3A, %get3A_31] {strides = array<i32>} : memref<112x16xf32, #tpu.memory_space<vmem>>, vector<16xf32>,
        %get3A_33 = arith.index_cast %scan3A_30 : i32 to index
        %get3A_34 = arith.constant 0 : index
        %get3A_35 = tpu.vector_load %arg12[%get3A_33, %get3A_34] {strides = array<i32>} : memref<112x16xf32, #tpu.memory_space<vmem>>, vector<16xf32>,
        %add3A_36 = arith.addf %get3A_32, %get3A_35 : vector<16xf32>
        %get3A_37 = arith.index_cast %scan3A_30 : i32 to index
        %get3A_38 = tpu.vector_load %arg10[%get3A_37] {strides = array<i32>} : memref<128xf32, #tpu.memory_space<vmem>>, vector<16xf32>,
        %add3A_39 = arith.addf %add3A_36, %get3A_38 : vector<16xf32>
        %swap3A = arith.index_cast %scan3A_30 : i32 to index
        %swap3A_40 = tpu.vector_load %arg13[%swap3A] masked %eq3A_4 {strides = array<i32>} : memref<128xf32, #tpu.memory_space<vmem>>, vector<16xf32>, vector<16xi1>
        tpu.vector_store %arg13[%swap3A], %add3A_39 masked %eq3A_4 {strides = array<i32>} : memref<128xf32, #tpu.memory_space<vmem>>, vector<16xf32>, vector<16xi1>
      }
      %scan3A_29 = arith.constant 112 : i32
      "tpu.region"() ({
        %run_scoped3A = tpu.sem_alloc : memref<!tpu.dma_semaphore, #tpu.memory_space<semaphore_mem>>
        %dma_start3A_30 = arith.constant 0 : i32
        %dma_start3A_31 = tpu.memref_slice %arg13[%dma_start3A_30] : memref<128xf32, #tpu.memory_space<vmem>> -> memref<112xf32, #tpu.memory_space<vmem>>
        %dma_start3A_32 = tpu.memref_slice %arg7[%add3A_13] : memref<161280xf32, #tpu.memory_space<hbm>> -> memref<112xf32, #tpu.memory_space<hbm>>
        %dma_start3A_33 = tpu.memref_slice %arg7[%add3A_13] : memref<161280xf32, #tpu.memory_space<hbm>> -> memref<112xf32, #tpu.memory_space<hbm>>
        %dma_start3A_34 = arith.constant 0 : i32
        %dma_start3A_35 = tpu.memref_slice %arg13[%dma_start3A_34] : memref<128xf32, #tpu.memory_space<vmem>> -> memref<112xf32, #tpu.memory_space<vmem>>
        tpu.enqueue_dma source(%dma_start3A_35 : memref<112xf32, #tpu.memory_space<vmem>>) target(%dma_start3A_33 : memref<112xf32, #tpu.memory_space<hbm>>) target_semaphore(%run_scoped3A : memref<!tpu.dma_semaphore, #tpu.memory_space<semaphore_mem>>)
        %dma_wait3A_36 = arith.constant 0 : i32
        %dma_wait3A_37 = tpu.memref_slice %arg13[%dma_wait3A_36] : memref<128xf32, #tpu.memory_space<vmem>> -> memref<112xf32, #tpu.memory_space<vmem>>
        %dma_wait3A_38 = tpu.memref_slice %arg7[%add3A_13] : memref<161280xf32, #tpu.memory_space<hbm>> -> memref<112xf32, #tpu.memory_space<hbm>>
        %dma_wait3A_39 = tpu.memref_slice %arg7[%add3A_13] : memref<161280xf32, #tpu.memory_space<hbm>> -> memref<112xf32, #tpu.memory_space<hbm>>
        %dma_wait3A_40 = arith.constant 0 : i32
        %dma_wait3A_41 = tpu.memref_slice %arg13[%dma_wait3A_40] : memref<128xf32, #tpu.memory_space<vmem>> -> memref<112xf32, #tpu.memory_space<vmem>>
        tpu.wait_dma2 semaphore(%run_scoped3A : memref<!tpu.dma_semaphore, #tpu.memory_space<semaphore_mem>>) src(%dma_wait3A_41 : memref<112xf32, #tpu.memory_space<vmem>>) dst(%dma_wait3A_39 : memref<112xf32, #tpu.memory_space<hbm>>)
        tpu.yield
      }) : () -> ()
    }
    %scan3A_9 = arith.constant 45 : i32
    return
  }
}

#map = affine_map<(d0, d1) -> (0, 0)>
#map1 = affine_map<(d0, d1) -> (0)>
#map2 = affine_map<(d0, d1) -> (0, 0, 0)>
module attributes {stable_mosaic.version = 14 : i64} {
  func.func @_sc_edge_body(%arg0: i32, %arg1: i32, %arg2: memref<10000x144xf32, #tpu.memory_space<hbm>>, %arg3: memref<10000x144xf32, #tpu.memory_space<hbm>>, %arg4: memref<161280x128xf32, #tpu.memory_space<hbm>>, %arg5: memref<161280x128xf32, #tpu.memory_space<hbm>>, %arg6: memref<161280xf32, #tpu.memory_space<hbm>>, %arg7: memref<161280xi32, #tpu.memory_space<hbm>>, %arg8: memref<161280xi32, #tpu.memory_space<hbm>>, %arg9: memref<2x10000x128xf32, #tpu.memory_space<hbm>>, %arg10: memref<10000x128xf32, #tpu.memory_space<vmem_shared>>, %arg11: memref<96xi32, #tpu.memory_space<vmem>>, %arg12: memref<96xi32, #tpu.memory_space<vmem>>, %arg13: memref<112xf32, #tpu.memory_space<vmem>>, %arg14: memref<96x144xf32, #tpu.memory_space<vmem>>, %arg15: memref<96x128xf32, #tpu.memory_space<vmem>>, %arg16: memref<96x128xf32, #tpu.memory_space<vmem>>, %arg17: memref<!tpu.dma_semaphore, #tpu.memory_space<semaphore_mem>>) attributes {dimension_semantics = [#tpu.dimension_semantics<core_parallel>, #tpu.dimension_semantics<subcore_parallel>], iteration_bounds = array<i64: 2, 16>, scalar_prefetch = 0 : i64, scratch_operands = 8 : i64, tpu.core_type = #tpu.core_type<sc_vector_subcore>, window_params = [{transform_indices = #map}, {transform_indices = #map}, {transform_indices = #map}, {transform_indices = #map}, {transform_indices = #map1}, {transform_indices = #map1}, {transform_indices = #map1}, {transform_indices = #map2}]} {
    %scan3A = arith.constant 0 : i32
    %scan3A_0 = arith.constant 0 : i32
    %scan3A_1 = arith.constant 96 : i32
    %scan3A_2 = arith.addi %scan3A_0, %scan3A_1 : i32
    %scan3A_3 = arith.constant 1 : i32
    scf.for %scan3A_30 = %scan3A_0 to %scan3A_2 step %scan3A_3  : i32 {
      %broadcast_in_dim3A = arith.constant 0.000000e+00 : f32
      %broadcast_in_dim3A_31 = vector.broadcast %broadcast_in_dim3A : f32 to vector<16xf32>
      %swap3A = arith.index_cast %scan3A_30 : i32 to index
      %swap3A_32 = arith.constant 0 : index
      %swap3A_33 = tpu.vector_load %arg16[%swap3A, %swap3A_32] {strides = array<i32>} : memref<96x128xf32, #tpu.memory_space<vmem>>, vector<16xf32>,
      tpu.vector_store %arg16[%swap3A, %swap3A_32], %broadcast_in_dim3A_31 {strides = array<i32>} : memref<96x128xf32, #tpu.memory_space<vmem>>, vector<16xf32>,
      %broadcast_in_dim3A_34 = arith.constant 0.000000e+00 : f32
      %broadcast_in_dim3A_35 = vector.broadcast %broadcast_in_dim3A_34 : f32 to vector<16xf32>
      %swap3A_36 = arith.index_cast %scan3A_30 : i32 to index
      %swap3A_37 = arith.constant 16 : index
      %swap3A_38 = tpu.vector_load %arg16[%swap3A_36, %swap3A_37] {strides = array<i32>} : memref<96x128xf32, #tpu.memory_space<vmem>>, vector<16xf32>,
      tpu.vector_store %arg16[%swap3A_36, %swap3A_37], %broadcast_in_dim3A_35 {strides = array<i32>} : memref<96x128xf32, #tpu.memory_space<vmem>>, vector<16xf32>,
      %broadcast_in_dim3A_39 = arith.constant 0.000000e+00 : f32
      %broadcast_in_dim3A_40 = vector.broadcast %broadcast_in_dim3A_39 : f32 to vector<16xf32>
      %swap3A_41 = arith.index_cast %scan3A_30 : i32 to index
      %swap3A_42 = arith.constant 32 : index
      %swap3A_43 = tpu.vector_load %arg16[%swap3A_41, %swap3A_42] {strides = array<i32>} : memref<96x128xf32, #tpu.memory_space<vmem>>, vector<16xf32>,
      tpu.vector_store %arg16[%swap3A_41, %swap3A_42], %broadcast_in_dim3A_40 {strides = array<i32>} : memref<96x128xf32, #tpu.memory_space<vmem>>, vector<16xf32>,
      %broadcast_in_dim3A_44 = arith.constant 0.000000e+00 : f32
      %broadcast_in_dim3A_45 = vector.broadcast %broadcast_in_dim3A_44 : f32 to vector<16xf32>
      %swap3A_46 = arith.index_cast %scan3A_30 : i32 to index
      %swap3A_47 = arith.constant 48 : index
      %swap3A_48 = tpu.vector_load %arg16[%swap3A_46, %swap3A_47] {strides = array<i32>} : memref<96x128xf32, #tpu.memory_space<vmem>>, vector<16xf32>,
      tpu.vector_store %arg16[%swap3A_46, %swap3A_47], %broadcast_in_dim3A_45 {strides = array<i32>} : memref<96x128xf32, #tpu.memory_space<vmem>>, vector<16xf32>,
      %broadcast_in_dim3A_49 = arith.constant 0.000000e+00 : f32
      %broadcast_in_dim3A_50 = vector.broadcast %broadcast_in_dim3A_49 : f32 to vector<16xf32>
      %swap3A_51 = arith.index_cast %scan3A_30 : i32 to index
      %swap3A_52 = arith.constant 64 : index
      %swap3A_53 = tpu.vector_load %arg16[%swap3A_51, %swap3A_52] {strides = array<i32>} : memref<96x128xf32, #tpu.memory_space<vmem>>, vector<16xf32>,
      tpu.vector_store %arg16[%swap3A_51, %swap3A_52], %broadcast_in_dim3A_50 {strides = array<i32>} : memref<96x128xf32, #tpu.memory_space<vmem>>, vector<16xf32>,
      %broadcast_in_dim3A_54 = arith.constant 0.000000e+00 : f32
      %broadcast_in_dim3A_55 = vector.broadcast %broadcast_in_dim3A_54 : f32 to vector<16xf32>
      %swap3A_56 = arith.index_cast %scan3A_30 : i32 to index
      %swap3A_57 = arith.constant 80 : index
      %swap3A_58 = tpu.vector_load %arg16[%swap3A_56, %swap3A_57] {strides = array<i32>} : memref<96x128xf32, #tpu.memory_space<vmem>>, vector<16xf32>,
      tpu.vector_store %arg16[%swap3A_56, %swap3A_57], %broadcast_in_dim3A_55 {strides = array<i32>} : memref<96x128xf32, #tpu.memory_space<vmem>>, vector<16xf32>,
      %broadcast_in_dim3A_59 = arith.constant 0.000000e+00 : f32
      %broadcast_in_dim3A_60 = vector.broadcast %broadcast_in_dim3A_59 : f32 to vector<16xf32>
      %swap3A_61 = arith.index_cast %scan3A_30 : i32 to index
      %swap3A_62 = arith.constant 96 : index
      %swap3A_63 = tpu.vector_load %arg16[%swap3A_61, %swap3A_62] {strides = array<i32>} : memref<96x128xf32, #tpu.memory_space<vmem>>, vector<16xf32>,
      tpu.vector_store %arg16[%swap3A_61, %swap3A_62], %broadcast_in_dim3A_60 {strides = array<i32>} : memref<96x128xf32, #tpu.memory_space<vmem>>, vector<16xf32>,
      %broadcast_in_dim3A_64 = arith.constant 0.000000e+00 : f32
      %broadcast_in_dim3A_65 = vector.broadcast %broadcast_in_dim3A_64 : f32 to vector<16xf32>
      %swap3A_66 = arith.index_cast %scan3A_30 : i32 to index
      %swap3A_67 = arith.constant 112 : index
      %swap3A_68 = tpu.vector_load %arg16[%swap3A_66, %swap3A_67] {strides = array<i32>} : memref<96x128xf32, #tpu.memory_space<vmem>>, vector<16xf32>,
      tpu.vector_store %arg16[%swap3A_66, %swap3A_67], %broadcast_in_dim3A_65 {strides = array<i32>} : memref<96x128xf32, #tpu.memory_space<vmem>>, vector<16xf32>,
    }
    %scan3A_4 = arith.constant 96 : i32
    %scan3A_5 = arith.constant 0 : i32
    %scan3A_6 = arith.constant 0 : i32
    %scan3A_7 = arith.constant 39 : i32
    %scan3A_8 = arith.addi %scan3A_6, %scan3A_7 : i32
    %scan3A_9 = arith.constant 1 : i32
    scf.for %scan3A_30 = %scan3A_6 to %scan3A_8 step %scan3A_9  : i32 {
      %mul3A_31 = arith.constant 624 : i32
      %mul3A_32 = arith.muli %arg1, %mul3A_31 : i32
      %mul3A_33 = arith.constant 16 : i32
      %mul3A_34 = arith.muli %scan3A_30, %mul3A_33 : i32
      %add3A = arith.addi %mul3A_32, %mul3A_34 : i32
      "tpu.region"() ({
        %run_scoped3A = tpu.sem_alloc : memref<!tpu.dma_semaphore, #tpu.memory_space<semaphore_mem>>
        %dma_start3A = arith.constant 0 : i32
        %dma_start3A_35 = arith.constant 0 : i32
        %dma_start3A_36 = tpu.memref_slice %arg16[%dma_start3A, %dma_start3A_35] : memref<96x128xf32, #tpu.memory_space<vmem>> -> memref<16x128xf32, #tpu.memory_space<vmem>>
        %dma_start3A_37 = arith.constant 0 : i32
        %dma_start3A_38 = tpu.memref_slice %arg10[%add3A, %dma_start3A_37] : memref<10000x128xf32, #tpu.memory_space<vmem_shared>> -> memref<16x128xf32, #tpu.memory_space<vmem_shared>>
        %dma_start3A_39 = arith.constant 0 : i32
        %dma_start3A_40 = tpu.memref_slice %arg10[%add3A, %dma_start3A_39] : memref<10000x128xf32, #tpu.memory_space<vmem_shared>> -> memref<16x128xf32, #tpu.memory_space<vmem_shared>>
        %dma_start3A_41 = arith.constant 0 : i32
        %dma_start3A_42 = arith.constant 0 : i32
        %dma_start3A_43 = tpu.memref_slice %arg16[%dma_start3A_41, %dma_start3A_42] : memref<96x128xf32, #tpu.memory_space<vmem>> -> memref<16x128xf32, #tpu.memory_space<vmem>>
        tpu.enqueue_dma source(%dma_start3A_43 : memref<16x128xf32, #tpu.memory_space<vmem>>) target(%dma_start3A_40 : memref<16x128xf32, #tpu.memory_space<vmem_shared>>) target_semaphore(%run_scoped3A : memref<!tpu.dma_semaphore, #tpu.memory_space<semaphore_mem>>)
        %dma_wait3A = arith.constant 0 : i32
        %dma_wait3A_44 = arith.constant 0 : i32
        %dma_wait3A_45 = tpu.memref_slice %arg16[%dma_wait3A, %dma_wait3A_44] : memref<96x128xf32, #tpu.memory_space<vmem>> -> memref<16x128xf32, #tpu.memory_space<vmem>>
        %dma_wait3A_46 = arith.constant 0 : i32
        %dma_wait3A_47 = tpu.memref_slice %arg10[%add3A, %dma_wait3A_46] : memref<10000x128xf32, #tpu.memory_space<vmem_shared>> -> memref<16x128xf32, #tpu.memory_space<vmem_shared>>
        %dma_wait3A_48 = arith.constant 0 : i32
        %dma_wait3A_49 = tpu.memref_slice %arg10[%add3A, %dma_wait3A_48] : memref<10000x128xf32, #tpu.memory_space<vmem_shared>> -> memref<16x128xf32, #tpu.memory_space<vmem_shared>>
        %dma_wait3A_50 = arith.constant 0 : i32
        %dma_wait3A_51 = arith.constant 0 : i32
        %dma_wait3A_52 = tpu.memref_slice %arg16[%dma_wait3A_50, %dma_wait3A_51] : memref<96x128xf32, #tpu.memory_space<vmem>> -> memref<16x128xf32, #tpu.memory_space<vmem>>
        tpu.wait_dma2 semaphore(%run_scoped3A : memref<!tpu.dma_semaphore, #tpu.memory_space<semaphore_mem>>) src(%dma_wait3A_52 : memref<16x128xf32, #tpu.memory_space<vmem>>) dst(%dma_wait3A_49 : memref<16x128xf32, #tpu.memory_space<vmem_shared>>)
        tpu.yield
      }) : () -> ()
    }
    %scan3A_10 = arith.constant 39 : i32
    %eq3A = arith.constant 15 : i32
    %eq3A_11 = arith.cmpi eq, %arg1, %eq3A : i32
    %convert_element_type3A = arith.extui %eq3A_11 : i1 to i32
    %cond3A = arith.constant 0 : i32
    %cond3A_12 = arith.cmpi ne, %convert_element_type3A, %cond3A : i32
    scf.if %cond3A_12 {
      "tpu.region"() ({
        %run_scoped3A = tpu.sem_alloc : memref<!tpu.dma_semaphore, #tpu.memory_space<semaphore_mem>>
        %dma_start3A = arith.constant 0 : i32
        %dma_start3A_30 = arith.constant 0 : i32
        %dma_start3A_31 = tpu.memref_slice %arg16[%dma_start3A, %dma_start3A_30] : memref<96x128xf32, #tpu.memory_space<vmem>> -> memref<16x128xf32, #tpu.memory_space<vmem>>
        %dma_start3A_32 = arith.constant 9984 : i32
        %dma_start3A_33 = arith.constant 0 : i32
        %dma_start3A_34 = tpu.memref_slice %arg10[%dma_start3A_32, %dma_start3A_33] : memref<10000x128xf32, #tpu.memory_space<vmem_shared>> -> memref<16x128xf32, #tpu.memory_space<vmem_shared>>
        %dma_start3A_35 = arith.constant 9984 : i32
        %dma_start3A_36 = arith.constant 0 : i32
        %dma_start3A_37 = tpu.memref_slice %arg10[%dma_start3A_35, %dma_start3A_36] : memref<10000x128xf32, #tpu.memory_space<vmem_shared>> -> memref<16x128xf32, #tpu.memory_space<vmem_shared>>
        %dma_start3A_38 = arith.constant 0 : i32
        %dma_start3A_39 = arith.constant 0 : i32
        %dma_start3A_40 = tpu.memref_slice %arg16[%dma_start3A_38, %dma_start3A_39] : memref<96x128xf32, #tpu.memory_space<vmem>> -> memref<16x128xf32, #tpu.memory_space<vmem>>
        tpu.enqueue_dma source(%dma_start3A_40 : memref<16x128xf32, #tpu.memory_space<vmem>>) target(%dma_start3A_37 : memref<16x128xf32, #tpu.memory_space<vmem_shared>>) target_semaphore(%run_scoped3A : memref<!tpu.dma_semaphore, #tpu.memory_space<semaphore_mem>>)
        %dma_wait3A = arith.constant 0 : i32
        %dma_wait3A_41 = arith.constant 0 : i32
        %dma_wait3A_42 = tpu.memref_slice %arg16[%dma_wait3A, %dma_wait3A_41] : memref<96x128xf32, #tpu.memory_space<vmem>> -> memref<16x128xf32, #tpu.memory_space<vmem>>
        %dma_wait3A_43 = arith.constant 9984 : i32
        %dma_wait3A_44 = arith.constant 0 : i32
        %dma_wait3A_45 = tpu.memref_slice %arg10[%dma_wait3A_43, %dma_wait3A_44] : memref<10000x128xf32, #tpu.memory_space<vmem_shared>> -> memref<16x128xf32, #tpu.memory_space<vmem_shared>>
        %dma_wait3A_46 = arith.constant 9984 : i32
        %dma_wait3A_47 = arith.constant 0 : i32
        %dma_wait3A_48 = tpu.memref_slice %arg10[%dma_wait3A_46, %dma_wait3A_47] : memref<10000x128xf32, #tpu.memory_space<vmem_shared>> -> memref<16x128xf32, #tpu.memory_space<vmem_shared>>
        %dma_wait3A_49 = arith.constant 0 : i32
        %dma_wait3A_50 = arith.constant 0 : i32
        %dma_wait3A_51 = tpu.memref_slice %arg16[%dma_wait3A_49, %dma_wait3A_50] : memref<96x128xf32, #tpu.memory_space<vmem>> -> memref<16x128xf32, #tpu.memory_space<vmem>>
        tpu.wait_dma2 semaphore(%run_scoped3A : memref<!tpu.dma_semaphore, #tpu.memory_space<semaphore_mem>>) src(%dma_wait3A_51 : memref<16x128xf32, #tpu.memory_space<vmem>>) dst(%dma_wait3A_48 : memref<16x128xf32, #tpu.memory_space<vmem_shared>>)
        tpu.yield
      }) : () -> ()
    } else {
    }
    %barrier3A = arith.constant 0 : index
    tpu.barrier barrier_id(%barrier3A)
    %mul3A = arith.constant 10080 : i32
    %mul3A_13 = arith.muli %arg1, %mul3A : i32
    %scan3A_14 = arith.constant 0 : i32
    %scan3A_15 = arith.constant 0 : i32
    %scan3A_16 = arith.constant 105 : i32
    %scan3A_17 = arith.addi %scan3A_15, %scan3A_16 : i32
    %scan3A_18 = arith.constant 1 : i32
    scf.for %scan3A_30 = %scan3A_15 to %scan3A_17 step %scan3A_18  : i32 {
      %mul3A_31 = arith.constant 96 : i32
      %mul3A_32 = arith.muli %scan3A_30, %mul3A_31 : i32
      %add3A = arith.addi %mul3A_13, %mul3A_32 : i32
      "tpu.region"() ({
        %run_scoped3A = tpu.sem_alloc : memref<!tpu.dma_semaphore, #tpu.memory_space<semaphore_mem>>
        %dma_start3A = tpu.memref_slice %arg7[%add3A] : memref<161280xi32, #tpu.memory_space<hbm>> -> memref<96xi32, #tpu.memory_space<hbm>>
        %dma_start3A_49 = tpu.memref_slice %arg7[%add3A] : memref<161280xi32, #tpu.memory_space<hbm>> -> memref<96xi32, #tpu.memory_space<hbm>>
        tpu.enqueue_dma source(%dma_start3A_49 : memref<96xi32, #tpu.memory_space<hbm>>) target(%arg11 : memref<96xi32, #tpu.memory_space<vmem>>) target_semaphore(%run_scoped3A : memref<!tpu.dma_semaphore, #tpu.memory_space<semaphore_mem>>)
        %dma_wait3A = tpu.memref_slice %arg7[%add3A] : memref<161280xi32, #tpu.memory_space<hbm>> -> memref<96xi32, #tpu.memory_space<hbm>>
        %dma_wait3A_50 = tpu.memref_slice %arg7[%add3A] : memref<161280xi32, #tpu.memory_space<hbm>> -> memref<96xi32, #tpu.memory_space<hbm>>
        tpu.wait_dma2 semaphore(%run_scoped3A : memref<!tpu.dma_semaphore, #tpu.memory_space<semaphore_mem>>) src(%dma_wait3A_50 : memref<96xi32, #tpu.memory_space<hbm>>) dst(%arg11 : memref<96xi32, #tpu.memory_space<vmem>>)
        tpu.yield
      }) : () -> ()
      "tpu.region"() ({
        %run_scoped3A = tpu.sem_alloc : memref<!tpu.dma_semaphore, #tpu.memory_space<semaphore_mem>>
        %dma_start3A = tpu.memref_slice %arg8[%add3A] : memref<161280xi32, #tpu.memory_space<hbm>> -> memref<96xi32, #tpu.memory_space<hbm>>
        %dma_start3A_49 = tpu.memref_slice %arg8[%add3A] : memref<161280xi32, #tpu.memory_space<hbm>> -> memref<96xi32, #tpu.memory_space<hbm>>
        tpu.enqueue_dma source(%dma_start3A_49 : memref<96xi32, #tpu.memory_space<hbm>>) target(%arg12 : memref<96xi32, #tpu.memory_space<vmem>>) target_semaphore(%run_scoped3A : memref<!tpu.dma_semaphore, #tpu.memory_space<semaphore_mem>>)
        %dma_wait3A = tpu.memref_slice %arg8[%add3A] : memref<161280xi32, #tpu.memory_space<hbm>> -> memref<96xi32, #tpu.memory_space<hbm>>
        %dma_wait3A_50 = tpu.memref_slice %arg8[%add3A] : memref<161280xi32, #tpu.memory_space<hbm>> -> memref<96xi32, #tpu.memory_space<hbm>>
        tpu.wait_dma2 semaphore(%run_scoped3A : memref<!tpu.dma_semaphore, #tpu.memory_space<semaphore_mem>>) src(%dma_wait3A_50 : memref<96xi32, #tpu.memory_space<hbm>>) dst(%arg12 : memref<96xi32, #tpu.memory_space<vmem>>)
        tpu.yield
      }) : () -> ()
      "tpu.region"() ({
        %run_scoped3A = tpu.sem_alloc : memref<!tpu.dma_semaphore, #tpu.memory_space<semaphore_mem>>
        %dma_start3A = arith.constant 0 : i32
        %dma_start3A_49 = tpu.memref_slice %arg13[%dma_start3A] : memref<112xf32, #tpu.memory_space<vmem>> -> memref<96xf32, #tpu.memory_space<vmem>>
        %dma_start3A_50 = tpu.memref_slice %arg6[%add3A] : memref<161280xf32, #tpu.memory_space<hbm>> -> memref<96xf32, #tpu.memory_space<hbm>>
        %dma_start3A_51 = arith.constant 0 : i32
        %dma_start3A_52 = tpu.memref_slice %arg13[%dma_start3A_51] : memref<112xf32, #tpu.memory_space<vmem>> -> memref<96xf32, #tpu.memory_space<vmem>>
        %dma_start3A_53 = tpu.memref_slice %arg6[%add3A] : memref<161280xf32, #tpu.memory_space<hbm>> -> memref<96xf32, #tpu.memory_space<hbm>>
        tpu.enqueue_dma source(%dma_start3A_53 : memref<96xf32, #tpu.memory_space<hbm>>) target(%dma_start3A_52 : memref<96xf32, #tpu.memory_space<vmem>>) target_semaphore(%run_scoped3A : memref<!tpu.dma_semaphore, #tpu.memory_space<semaphore_mem>>)
        %dma_wait3A = arith.constant 0 : i32
        %dma_wait3A_54 = tpu.memref_slice %arg13[%dma_wait3A] : memref<112xf32, #tpu.memory_space<vmem>> -> memref<96xf32, #tpu.memory_space<vmem>>
        %dma_wait3A_55 = tpu.memref_slice %arg6[%add3A] : memref<161280xf32, #tpu.memory_space<hbm>> -> memref<96xf32, #tpu.memory_space<hbm>>
        %dma_wait3A_56 = arith.constant 0 : i32
        %dma_wait3A_57 = tpu.memref_slice %arg13[%dma_wait3A_56] : memref<112xf32, #tpu.memory_space<vmem>> -> memref<96xf32, #tpu.memory_space<vmem>>
        %dma_wait3A_58 = tpu.memref_slice %arg6[%add3A] : memref<161280xf32, #tpu.memory_space<hbm>> -> memref<96xf32, #tpu.memory_space<hbm>>
        tpu.wait_dma2 semaphore(%run_scoped3A : memref<!tpu.dma_semaphore, #tpu.memory_space<semaphore_mem>>) src(%dma_wait3A_58 : memref<96xf32, #tpu.memory_space<hbm>>) dst(%dma_wait3A_57 : memref<96xf32, #tpu.memory_space<vmem>>)
        tpu.yield
      }) : () -> ()
      %eq3A_33 = arith.constant 0 : i32
      %eq3A_34 = arith.cmpi eq, %arg0, %eq3A_33 : i32
      %convert_element_type3A_35 = arith.extui %eq3A_34 : i1 to i32
      %cond3A_36 = arith.constant 0 : i32
      %cond3A_37 = arith.cmpi ne, %convert_element_type3A_35, %cond3A_36 : i32
      scf.if %cond3A_37 {
        "tpu.region"() ({
          %run_scoped3A = tpu.sem_alloc : memref<!tpu.dma_semaphore, #tpu.memory_space<semaphore_mem>>
          %dma_start3A_53 = arith.constant 0 : i32
          %dma_start3A_54 = tpu.memref_slice %arg4[%add3A, %dma_start3A_53] : memref<161280x128xf32, #tpu.memory_space<hbm>> -> memref<96x128xf32, #tpu.memory_space<hbm>>
          %dma_start3A_55 = arith.constant 0 : i32
          %dma_start3A_56 = tpu.memref_slice %arg4[%add3A, %dma_start3A_55] : memref<161280x128xf32, #tpu.memory_space<hbm>> -> memref<96x128xf32, #tpu.memory_space<hbm>>
          tpu.enqueue_dma source(%dma_start3A_56 : memref<96x128xf32, #tpu.memory_space<hbm>>) target(%arg15 : memref<96x128xf32, #tpu.memory_space<vmem>>) target_semaphore(%run_scoped3A : memref<!tpu.dma_semaphore, #tpu.memory_space<semaphore_mem>>)
          %dma_wait3A_57 = arith.constant 0 : i32
          %dma_wait3A_58 = tpu.memref_slice %arg4[%add3A, %dma_wait3A_57] : memref<161280x128xf32, #tpu.memory_space<hbm>> -> memref<96x128xf32, #tpu.memory_space<hbm>>
          %dma_wait3A_59 = arith.constant 0 : i32
          %dma_wait3A_60 = tpu.memref_slice %arg4[%add3A, %dma_wait3A_59] : memref<161280x128xf32, #tpu.memory_space<hbm>> -> memref<96x128xf32, #tpu.memory_space<hbm>>
          tpu.wait_dma2 semaphore(%run_scoped3A : memref<!tpu.dma_semaphore, #tpu.memory_space<semaphore_mem>>) src(%dma_wait3A_60 : memref<96x128xf32, #tpu.memory_space<hbm>>) dst(%arg15 : memref<96x128xf32, #tpu.memory_space<vmem>>)
          tpu.yield
        }) : () -> ()
        %dma_start3A = arith.constant 0 : i32
        %dma_start3A_49 = arith.constant 0 : i32
        %dma_start3A_50 = tpu.memref_slice %arg2[%dma_start3A, %dma_start3A_49] : memref<10000x144xf32, #tpu.memory_space<hbm>> -> memref<10000x144xf32, #tpu.memory_space<hbm>>
        tpu.enqueue_indirect_dma source(%dma_start3A_50 : memref<10000x144xf32, #tpu.memory_space<hbm>>) target(%arg14 : memref<96x144xf32, #tpu.memory_space<vmem>>) offsets(%arg11 : memref<96xi32, #tpu.memory_space<vmem>>) semaphore(%arg17 : memref<!tpu.dma_semaphore, #tpu.memory_space<semaphore_mem>>)
        %dma_wait3A = arith.constant 0 : i32
        %dma_wait3A_51 = arith.constant 0 : i32
        %dma_wait3A_52 = tpu.memref_slice %arg2[%dma_wait3A, %dma_wait3A_51] : memref<10000x144xf32, #tpu.memory_space<hbm>> -> memref<10000x144xf32, #tpu.memory_space<hbm>>
        tpu.wait_indirect_dma semaphore(%arg17 : memref<!tpu.dma_semaphore, #tpu.memory_space<semaphore_mem>>) src(%dma_wait3A_52 : memref<10000x144xf32, #tpu.memory_space<hbm>>) dst(%arg14 : memref<96x144xf32, #tpu.memory_space<vmem>>)
      } else {
      }
      %eq3A_38 = arith.constant 1 : i32
      %eq3A_39 = arith.cmpi eq, %arg0, %eq3A_38 : i32
      %convert_element_type3A_40 = arith.extui %eq3A_39 : i1 to i32
      %cond3A_41 = arith.constant 0 : i32
      %cond3A_42 = arith.cmpi ne, %convert_element_type3A_40, %cond3A_41 : i32
      scf.if %cond3A_42 {
        "tpu.region"() ({
          %run_scoped3A = tpu.sem_alloc : memref<!tpu.dma_semaphore, #tpu.memory_space<semaphore_mem>>
          %dma_start3A_53 = arith.constant 0 : i32
          %dma_start3A_54 = tpu.memref_slice %arg5[%add3A, %dma_start3A_53] : memref<161280x128xf32, #tpu.memory_space<hbm>> -> memref<96x128xf32, #tpu.memory_space<hbm>>
          %dma_start3A_55 = arith.constant 0 : i32
          %dma_start3A_56 = tpu.memref_slice %arg5[%add3A, %dma_start3A_55] : memref<161280x128xf32, #tpu.memory_space<hbm>> -> memref<96x128xf32, #tpu.memory_space<hbm>>
          tpu.enqueue_dma source(%dma_start3A_56 : memref<96x128xf32, #tpu.memory_space<hbm>>) target(%arg15 : memref<96x128xf32, #tpu.memory_space<vmem>>) target_semaphore(%run_scoped3A : memref<!tpu.dma_semaphore, #tpu.memory_space<semaphore_mem>>)
          %dma_wait3A_57 = arith.constant 0 : i32
          %dma_wait3A_58 = tpu.memref_slice %arg5[%add3A, %dma_wait3A_57] : memref<161280x128xf32, #tpu.memory_space<hbm>> -> memref<96x128xf32, #tpu.memory_space<hbm>>
          %dma_wait3A_59 = arith.constant 0 : i32
          %dma_wait3A_60 = tpu.memref_slice %arg5[%add3A, %dma_wait3A_59] : memref<161280x128xf32, #tpu.memory_space<hbm>> -> memref<96x128xf32, #tpu.memory_space<hbm>>
          tpu.wait_dma2 semaphore(%run_scoped3A : memref<!tpu.dma_semaphore, #tpu.memory_space<semaphore_mem>>) src(%dma_wait3A_60 : memref<96x128xf32, #tpu.memory_space<hbm>>) dst(%arg15 : memref<96x128xf32, #tpu.memory_space<vmem>>)
          tpu.yield
        }) : () -> ()
        %dma_start3A = arith.constant 0 : i32
        %dma_start3A_49 = arith.constant 0 : i32
        %dma_start3A_50 = tpu.memref_slice %arg3[%dma_start3A, %dma_start3A_49] : memref<10000x144xf32, #tpu.memory_space<hbm>> -> memref<10000x144xf32, #tpu.memory_space<hbm>>
        tpu.enqueue_indirect_dma source(%dma_start3A_50 : memref<10000x144xf32, #tpu.memory_space<hbm>>) target(%arg14 : memref<96x144xf32, #tpu.memory_space<vmem>>) offsets(%arg11 : memref<96xi32, #tpu.memory_space<vmem>>) semaphore(%arg17 : memref<!tpu.dma_semaphore, #tpu.memory_space<semaphore_mem>>)
        %dma_wait3A = arith.constant 0 : i32
        %dma_wait3A_51 = arith.constant 0 : i32
        %dma_wait3A_52 = tpu.memref_slice %arg3[%dma_wait3A, %dma_wait3A_51] : memref<10000x144xf32, #tpu.memory_space<hbm>> -> memref<10000x144xf32, #tpu.memory_space<hbm>>
        tpu.wait_indirect_dma semaphore(%arg17 : memref<!tpu.dma_semaphore, #tpu.memory_space<semaphore_mem>>) src(%dma_wait3A_52 : memref<10000x144xf32, #tpu.memory_space<hbm>>) dst(%arg14 : memref<96x144xf32, #tpu.memory_space<vmem>>)
      } else {
      }
      %scan3A_43 = arith.constant 0 : i32
      %scan3A_44 = arith.constant 0 : i32
      %scan3A_45 = arith.constant 96 : i32
      %scan3A_46 = arith.addi %scan3A_44, %scan3A_45 : i32
      %scan3A_47 = arith.constant 1 : i32
      scf.for %scan3A_49 = %scan3A_44 to %scan3A_46 step %scan3A_47  : i32 {
        %get3A = arith.index_cast %scan3A_49 : i32 to index
        %get3A_50 = tpu.vector_load %arg13[%get3A] {strides = array<i32>} : memref<112xf32, #tpu.memory_space<vmem>>, vector<16xf32>,
        %slice3A = vector.extract_strided_slice %get3A_50 {offsets = [0], sizes = [1], strides = [1]} : vector<16xf32> to vector<1xf32>
        %squeeze3A = vector.extract %slice3A[0] : f32 from vector<1xf32>
        %get3A_51 = arith.index_cast %scan3A_49 : i32 to index
        %get3A_52 = arith.constant 0 : index
        %get3A_53 = tpu.vector_load %arg14[%get3A_51, %get3A_52] {strides = array<i32>} : memref<96x144xf32, #tpu.memory_space<vmem>>, vector<16xf32>,
        %get3A_54 = arith.index_cast %scan3A_49 : i32 to index
        %get3A_55 = arith.constant 0 : index
        %get3A_56 = tpu.vector_load %arg15[%get3A_54, %get3A_55] {strides = array<i32>} : memref<96x128xf32, #tpu.memory_space<vmem>>, vector<16xf32>,
        %add3A_57 = arith.addf %get3A_53, %get3A_56 : vector<16xf32>
        %max3A = arith.constant 0.000000e+00 : f32
        %max3A_58 = vector.broadcast %max3A : f32 to vector<16xf32>
        %max3A_59 = arith.maximumf %add3A_57, %max3A_58 : vector<16xf32>
        %mul3A_60 = vector.broadcast %squeeze3A : f32 to vector<16xf32>
        %mul3A_61 = arith.mulf %max3A_59, %mul3A_60 : vector<16xf32>
        %swap3A = arith.index_cast %scan3A_49 : i32 to index
        %swap3A_62 = arith.constant 0 : index
        %swap3A_63 = tpu.vector_load %arg16[%swap3A, %swap3A_62] {strides = array<i32>} : memref<96x128xf32, #tpu.memory_space<vmem>>, vector<16xf32>,
        tpu.vector_store %arg16[%swap3A, %swap3A_62], %mul3A_61 {strides = array<i32>} : memref<96x128xf32, #tpu.memory_space<vmem>>, vector<16xf32>,
        %get3A_64 = arith.index_cast %scan3A_49 : i32 to index
        %get3A_65 = arith.constant 16 : index
        %get3A_66 = tpu.vector_load %arg14[%get3A_64, %get3A_65] {strides = array<i32>} : memref<96x144xf32, #tpu.memory_space<vmem>>, vector<16xf32>,
        %get3A_67 = arith.index_cast %scan3A_49 : i32 to index
        %get3A_68 = arith.constant 16 : index
        %get3A_69 = tpu.vector_load %arg15[%get3A_67, %get3A_68] {strides = array<i32>} : memref<96x128xf32, #tpu.memory_space<vmem>>, vector<16xf32>,
        %add3A_70 = arith.addf %get3A_66, %get3A_69 : vector<16xf32>
        %max3A_71 = arith.constant 0.000000e+00 : f32
        %max3A_72 = vector.broadcast %max3A_71 : f32 to vector<16xf32>
        %max3A_73 = arith.maximumf %add3A_70, %max3A_72 : vector<16xf32>
        %mul3A_74 = vector.broadcast %squeeze3A : f32 to vector<16xf32>
        %mul3A_75 = arith.mulf %max3A_73, %mul3A_74 : vector<16xf32>
        %swap3A_76 = arith.index_cast %scan3A_49 : i32 to index
        %swap3A_77 = arith.constant 16 : index
        %swap3A_78 = tpu.vector_load %arg16[%swap3A_76, %swap3A_77] {strides = array<i32>} : memref<96x128xf32, #tpu.memory_space<vmem>>, vector<16xf32>,
        tpu.vector_store %arg16[%swap3A_76, %swap3A_77], %mul3A_75 {strides = array<i32>} : memref<96x128xf32, #tpu.memory_space<vmem>>, vector<16xf32>,
        %get3A_79 = arith.index_cast %scan3A_49 : i32 to index
        %get3A_80 = arith.constant 32 : index
        %get3A_81 = tpu.vector_load %arg14[%get3A_79, %get3A_80] {strides = array<i32>} : memref<96x144xf32, #tpu.memory_space<vmem>>, vector<16xf32>,
        %get3A_82 = arith.index_cast %scan3A_49 : i32 to index
        %get3A_83 = arith.constant 32 : index
        %get3A_84 = tpu.vector_load %arg15[%get3A_82, %get3A_83] {strides = array<i32>} : memref<96x128xf32, #tpu.memory_space<vmem>>, vector<16xf32>,
        %add3A_85 = arith.addf %get3A_81, %get3A_84 : vector<16xf32>
        %max3A_86 = arith.constant 0.000000e+00 : f32
        %max3A_87 = vector.broadcast %max3A_86 : f32 to vector<16xf32>
        %max3A_88 = arith.maximumf %add3A_85, %max3A_87 : vector<16xf32>
        %mul3A_89 = vector.broadcast %squeeze3A : f32 to vector<16xf32>
        %mul3A_90 = arith.mulf %max3A_88, %mul3A_89 : vector<16xf32>
        %swap3A_91 = arith.index_cast %scan3A_49 : i32 to index
        %swap3A_92 = arith.constant 32 : index
        %swap3A_93 = tpu.vector_load %arg16[%swap3A_91, %swap3A_92] {strides = array<i32>} : memref<96x128xf32, #tpu.memory_space<vmem>>, vector<16xf32>,
        tpu.vector_store %arg16[%swap3A_91, %swap3A_92], %mul3A_90 {strides = array<i32>} : memref<96x128xf32, #tpu.memory_space<vmem>>, vector<16xf32>,
        %get3A_94 = arith.index_cast %scan3A_49 : i32 to index
        %get3A_95 = arith.constant 48 : index
        %get3A_96 = tpu.vector_load %arg14[%get3A_94, %get3A_95] {strides = array<i32>} : memref<96x144xf32, #tpu.memory_space<vmem>>, vector<16xf32>,
        %get3A_97 = arith.index_cast %scan3A_49 : i32 to index
        %get3A_98 = arith.constant 48 : index
        %get3A_99 = tpu.vector_load %arg15[%get3A_97, %get3A_98] {strides = array<i32>} : memref<96x128xf32, #tpu.memory_space<vmem>>, vector<16xf32>,
        %add3A_100 = arith.addf %get3A_96, %get3A_99 : vector<16xf32>
        %max3A_101 = arith.constant 0.000000e+00 : f32
        %max3A_102 = vector.broadcast %max3A_101 : f32 to vector<16xf32>
        %max3A_103 = arith.maximumf %add3A_100, %max3A_102 : vector<16xf32>
        %mul3A_104 = vector.broadcast %squeeze3A : f32 to vector<16xf32>
        %mul3A_105 = arith.mulf %max3A_103, %mul3A_104 : vector<16xf32>
        %swap3A_106 = arith.index_cast %scan3A_49 : i32 to index
        %swap3A_107 = arith.constant 48 : index
        %swap3A_108 = tpu.vector_load %arg16[%swap3A_106, %swap3A_107] {strides = array<i32>} : memref<96x128xf32, #tpu.memory_space<vmem>>, vector<16xf32>,
        tpu.vector_store %arg16[%swap3A_106, %swap3A_107], %mul3A_105 {strides = array<i32>} : memref<96x128xf32, #tpu.memory_space<vmem>>, vector<16xf32>,
        %get3A_109 = arith.index_cast %scan3A_49 : i32 to index
        %get3A_110 = arith.constant 64 : index
        %get3A_111 = tpu.vector_load %arg14[%get3A_109, %get3A_110] {strides = array<i32>} : memref<96x144xf32, #tpu.memory_space<vmem>>, vector<16xf32>,
        %get3A_112 = arith.index_cast %scan3A_49 : i32 to index
        %get3A_113 = arith.constant 64 : index
        %get3A_114 = tpu.vector_load %arg15[%get3A_112, %get3A_113] {strides = array<i32>} : memref<96x128xf32, #tpu.memory_space<vmem>>, vector<16xf32>,
        %add3A_115 = arith.addf %get3A_111, %get3A_114 : vector<16xf32>
        %max3A_116 = arith.constant 0.000000e+00 : f32
        %max3A_117 = vector.broadcast %max3A_116 : f32 to vector<16xf32>
        %max3A_118 = arith.maximumf %add3A_115, %max3A_117 : vector<16xf32>
        %mul3A_119 = vector.broadcast %squeeze3A : f32 to vector<16xf32>
        %mul3A_120 = arith.mulf %max3A_118, %mul3A_119 : vector<16xf32>
        %swap3A_121 = arith.index_cast %scan3A_49 : i32 to index
        %swap3A_122 = arith.constant 64 : index
        %swap3A_123 = tpu.vector_load %arg16[%swap3A_121, %swap3A_122] {strides = array<i32>} : memref<96x128xf32, #tpu.memory_space<vmem>>, vector<16xf32>,
        tpu.vector_store %arg16[%swap3A_121, %swap3A_122], %mul3A_120 {strides = array<i32>} : memref<96x128xf32, #tpu.memory_space<vmem>>, vector<16xf32>,
        %get3A_124 = arith.index_cast %scan3A_49 : i32 to index
        %get3A_125 = arith.constant 80 : index
        %get3A_126 = tpu.vector_load %arg14[%get3A_124, %get3A_125] {strides = array<i32>} : memref<96x144xf32, #tpu.memory_space<vmem>>, vector<16xf32>,
        %get3A_127 = arith.index_cast %scan3A_49 : i32 to index
        %get3A_128 = arith.constant 80 : index
        %get3A_129 = tpu.vector_load %arg15[%get3A_127, %get3A_128] {strides = array<i32>} : memref<96x128xf32, #tpu.memory_space<vmem>>, vector<16xf32>,
        %add3A_130 = arith.addf %get3A_126, %get3A_129 : vector<16xf32>
        %max3A_131 = arith.constant 0.000000e+00 : f32
        %max3A_132 = vector.broadcast %max3A_131 : f32 to vector<16xf32>
        %max3A_133 = arith.maximumf %add3A_130, %max3A_132 : vector<16xf32>
        %mul3A_134 = vector.broadcast %squeeze3A : f32 to vector<16xf32>
        %mul3A_135 = arith.mulf %max3A_133, %mul3A_134 : vector<16xf32>
        %swap3A_136 = arith.index_cast %scan3A_49 : i32 to index
        %swap3A_137 = arith.constant 80 : index
        %swap3A_138 = tpu.vector_load %arg16[%swap3A_136, %swap3A_137] {strides = array<i32>} : memref<96x128xf32, #tpu.memory_space<vmem>>, vector<16xf32>,
        tpu.vector_store %arg16[%swap3A_136, %swap3A_137], %mul3A_135 {strides = array<i32>} : memref<96x128xf32, #tpu.memory_space<vmem>>, vector<16xf32>,
        %get3A_139 = arith.index_cast %scan3A_49 : i32 to index
        %get3A_140 = arith.constant 96 : index
        %get3A_141 = tpu.vector_load %arg14[%get3A_139, %get3A_140] {strides = array<i32>} : memref<96x144xf32, #tpu.memory_space<vmem>>, vector<16xf32>,
        %get3A_142 = arith.index_cast %scan3A_49 : i32 to index
        %get3A_143 = arith.constant 96 : index
        %get3A_144 = tpu.vector_load %arg15[%get3A_142, %get3A_143] {strides = array<i32>} : memref<96x128xf32, #tpu.memory_space<vmem>>, vector<16xf32>,
        %add3A_145 = arith.addf %get3A_141, %get3A_144 : vector<16xf32>
        %max3A_146 = arith.constant 0.000000e+00 : f32
        %max3A_147 = vector.broadcast %max3A_146 : f32 to vector<16xf32>
        %max3A_148 = arith.maximumf %add3A_145, %max3A_147 : vector<16xf32>
        %mul3A_149 = vector.broadcast %squeeze3A : f32 to vector<16xf32>
        %mul3A_150 = arith.mulf %max3A_148, %mul3A_149 : vector<16xf32>
        %swap3A_151 = arith.index_cast %scan3A_49 : i32 to index
        %swap3A_152 = arith.constant 96 : index
        %swap3A_153 = tpu.vector_load %arg16[%swap3A_151, %swap3A_152] {strides = array<i32>} : memref<96x128xf32, #tpu.memory_space<vmem>>, vector<16xf32>,
        tpu.vector_store %arg16[%swap3A_151, %swap3A_152], %mul3A_150 {strides = array<i32>} : memref<96x128xf32, #tpu.memory_space<vmem>>, vector<16xf32>,
        %get3A_154 = arith.index_cast %scan3A_49 : i32 to index
        %get3A_155 = arith.constant 112 : index
        %get3A_156 = tpu.vector_load %arg14[%get3A_154, %get3A_155] {strides = array<i32>} : memref<96x144xf32, #tpu.memory_space<vmem>>, vector<16xf32>,
        %get3A_157 = arith.index_cast %scan3A_49 : i32 to index
        %get3A_158 = arith.constant 112 : index
        %get3A_159 = tpu.vector_load %arg15[%get3A_157, %get3A_158] {strides = array<i32>} : memref<96x128xf32, #tpu.memory_space<vmem>>, vector<16xf32>,
        %add3A_160 = arith.addf %get3A_156, %get3A_159 : vector<16xf32>
        %max3A_161 = arith.constant 0.000000e+00 : f32
        %max3A_162 = vector.broadcast %max3A_161 : f32 to vector<16xf32>
        %max3A_163 = arith.maximumf %add3A_160, %max3A_162 : vector<16xf32>
        %mul3A_164 = vector.broadcast %squeeze3A : f32 to vector<16xf32>
        %mul3A_165 = arith.mulf %max3A_163, %mul3A_164 : vector<16xf32>
        %swap3A_166 = arith.index_cast %scan3A_49 : i32 to index
        %swap3A_167 = arith.constant 112 : index
        %swap3A_168 = tpu.vector_load %arg16[%swap3A_166, %swap3A_167] {strides = array<i32>} : memref<96x128xf32, #tpu.memory_space<vmem>>, vector<16xf32>,
        tpu.vector_store %arg16[%swap3A_166, %swap3A_167], %mul3A_165 {strides = array<i32>} : memref<96x128xf32, #tpu.memory_space<vmem>>, vector<16xf32>,
      }
      %scan3A_48 = arith.constant 96 : i32
      "tpu.region"() ({
        %run_scoped3A = tpu.sem_alloc : memref<!tpu.dma_semaphore, #tpu.memory_space<semaphore_mem>>
        %dma_start3A = arith.constant 0 : i32
        %dma_start3A_49 = arith.constant 0 : i32
        %dma_start3A_50 = tpu.memref_slice %arg10[%dma_start3A, %dma_start3A_49] : memref<10000x128xf32, #tpu.memory_space<vmem_shared>> -> memref<10000x128xf32, #tpu.memory_space<vmem_shared>>
        tpu.enqueue_indirect_dma source(%arg16 : memref<96x128xf32, #tpu.memory_space<vmem>>) target(%dma_start3A_50 : memref<10000x128xf32, #tpu.memory_space<vmem_shared>>) offsets(%arg12 : memref<96xi32, #tpu.memory_space<vmem>>) semaphore(%run_scoped3A : memref<!tpu.dma_semaphore, #tpu.memory_space<semaphore_mem>>) {add = true}
        %dma_wait3A = arith.constant 0 : i32
        %dma_wait3A_51 = arith.constant 0 : i32
        %dma_wait3A_52 = tpu.memref_slice %arg10[%dma_wait3A, %dma_wait3A_51] : memref<10000x128xf32, #tpu.memory_space<vmem_shared>> -> memref<10000x128xf32, #tpu.memory_space<vmem_shared>>
        tpu.wait_indirect_dma semaphore(%run_scoped3A : memref<!tpu.dma_semaphore, #tpu.memory_space<semaphore_mem>>) src(%arg16 : memref<96x128xf32, #tpu.memory_space<vmem>>) dst(%dma_wait3A_52 : memref<10000x128xf32, #tpu.memory_space<vmem_shared>>)
        tpu.yield
      }) : () -> ()
    }
    %scan3A_19 = arith.constant 105 : i32
    %barrier3A_20 = arith.constant 0 : index
    tpu.barrier barrier_id(%barrier3A_20)
    %mul3A_21 = arith.constant 624 : i32
    %mul3A_22 = arith.muli %arg1, %mul3A_21 : i32
    %mul3A_23 = arith.constant 624 : i32
    %mul3A_24 = arith.muli %arg1, %mul3A_23 : i32
    "tpu.region"() ({
      %run_scoped3A = tpu.sem_alloc : memref<!tpu.dma_semaphore, #tpu.memory_space<semaphore_mem>>
      %dma_start3A = arith.constant 0 : i32
      %dma_start3A_30 = tpu.memref_slice %arg9[%arg0, %mul3A_24, %dma_start3A] : memref<2x10000x128xf32, #tpu.memory_space<hbm>> -> memref<1x624x128xf32, #tpu.memory_space<hbm>>
      %dma_start3A_31 = tpu.memref_squeeze %dma_start3A_30 : memref<1x624x128xf32, #tpu.memory_space<hbm>> -> memref<624x128xf32, #tpu.memory_space<hbm>>
      %dma_start3A_32 = arith.constant 0 : i32
      %dma_start3A_33 = tpu.memref_slice %arg10[%mul3A_22, %dma_start3A_32] : memref<10000x128xf32, #tpu.memory_space<vmem_shared>> -> memref<624x128xf32, #tpu.memory_space<vmem_shared>>
      tpu.enqueue_dma source(%dma_start3A_33 : memref<624x128xf32, #tpu.memory_space<vmem_shared>>) target(%dma_start3A_31 : memref<624x128xf32, #tpu.memory_space<hbm>>) target_semaphore(%run_scoped3A : memref<!tpu.dma_semaphore, #tpu.memory_space<semaphore_mem>>)
      %dma_wait3A = arith.constant 0 : i32
      %dma_wait3A_34 = tpu.memref_slice %arg9[%arg0, %mul3A_24, %dma_wait3A] : memref<2x10000x128xf32, #tpu.memory_space<hbm>> -> memref<1x624x128xf32, #tpu.memory_space<hbm>>
      %dma_wait3A_35 = tpu.memref_squeeze %dma_wait3A_34 : memref<1x624x128xf32, #tpu.memory_space<hbm>> -> memref<624x128xf32, #tpu.memory_space<hbm>>
      %dma_wait3A_36 = arith.constant 0 : i32
      %dma_wait3A_37 = tpu.memref_slice %arg10[%mul3A_22, %dma_wait3A_36] : memref<10000x128xf32, #tpu.memory_space<vmem_shared>> -> memref<624x128xf32, #tpu.memory_space<vmem_shared>>
      tpu.wait_dma2 semaphore(%run_scoped3A : memref<!tpu.dma_semaphore, #tpu.memory_space<semaphore_mem>>) src(%dma_wait3A_37 : memref<624x128xf32, #tpu.memory_space<vmem_shared>>) dst(%dma_wait3A_35 : memref<624x128xf32, #tpu.memory_space<hbm>>)
      tpu.yield
    }) : () -> ()
    %eq3A_25 = arith.constant 15 : i32
    %eq3A_26 = arith.cmpi eq, %arg1, %eq3A_25 : i32
    %convert_element_type3A_27 = arith.extui %eq3A_26 : i1 to i32
    %cond3A_28 = arith.constant 0 : i32
    %cond3A_29 = arith.cmpi ne, %convert_element_type3A_27, %cond3A_28 : i32
    scf.if %cond3A_29 {
      "tpu.region"() ({
        %run_scoped3A = tpu.sem_alloc : memref<!tpu.dma_semaphore, #tpu.memory_space<semaphore_mem>>
        %dma_start3A = arith.constant 9984 : i32
        %dma_start3A_30 = arith.constant 0 : i32
        %dma_start3A_31 = tpu.memref_slice %arg9[%arg0, %dma_start3A, %dma_start3A_30] : memref<2x10000x128xf32, #tpu.memory_space<hbm>> -> memref<1x16x128xf32, #tpu.memory_space<hbm>>
        %dma_start3A_32 = tpu.memref_squeeze %dma_start3A_31 : memref<1x16x128xf32, #tpu.memory_space<hbm>> -> memref<16x128xf32, #tpu.memory_space<hbm>>
        %dma_start3A_33 = arith.constant 9984 : i32
        %dma_start3A_34 = arith.constant 0 : i32
        %dma_start3A_35 = tpu.memref_slice %arg10[%dma_start3A_33, %dma_start3A_34] : memref<10000x128xf32, #tpu.memory_space<vmem_shared>> -> memref<16x128xf32, #tpu.memory_space<vmem_shared>>
        tpu.enqueue_dma source(%dma_start3A_35 : memref<16x128xf32, #tpu.memory_space<vmem_shared>>) target(%dma_start3A_32 : memref<16x128xf32, #tpu.memory_space<hbm>>) target_semaphore(%run_scoped3A : memref<!tpu.dma_semaphore, #tpu.memory_space<semaphore_mem>>)
        %dma_wait3A = arith.constant 9984 : i32
        %dma_wait3A_36 = arith.constant 0 : i32
        %dma_wait3A_37 = tpu.memref_slice %arg9[%arg0, %dma_wait3A, %dma_wait3A_36] : memref<2x10000x128xf32, #tpu.memory_space<hbm>> -> memref<1x16x128xf32, #tpu.memory_space<hbm>>
        %dma_wait3A_38 = tpu.memref_squeeze %dma_wait3A_37 : memref<1x16x128xf32, #tpu.memory_space<hbm>> -> memref<16x128xf32, #tpu.memory_space<hbm>>
        %dma_wait3A_39 = arith.constant 9984 : i32
        %dma_wait3A_40 = arith.constant 0 : i32
        %dma_wait3A_41 = tpu.memref_slice %arg10[%dma_wait3A_39, %dma_wait3A_40] : memref<10000x128xf32, #tpu.memory_space<vmem_shared>> -> memref<16x128xf32, #tpu.memory_space<vmem_shared>>
        tpu.wait_dma2 semaphore(%run_scoped3A : memref<!tpu.dma_semaphore, #tpu.memory_space<semaphore_mem>>) src(%dma_wait3A_41 : memref<16x128xf32, #tpu.memory_space<vmem_shared>>) dst(%dma_wait3A_38 : memref<16x128xf32, #tpu.memory_space<hbm>>)
        tpu.yield
      }) : () -> ()
    } else {
    }
    return
  }
}

#map = affine_map<(d0, d1) -> (0, 0)>
#map1 = affine_map<(d0, d1) -> (0)>
#map2 = affine_map<(d0, d1) -> (0, 0, 0)>
module attributes {stable_mosaic.version = 14 : i64} {
  func.func @_sc_edge_body(%arg0: i32, %arg1: i32, %arg2: memref<10000x144xf32, #tpu.memory_space<hbm>>, %arg3: memref<10000x144xf32, #tpu.memory_space<hbm>>, %arg4: memref<161280x128xf32, #tpu.memory_space<hbm>>, %arg5: memref<161280x128xf32, #tpu.memory_space<hbm>>, %arg6: memref<161280xf32, #tpu.memory_space<hbm>>, %arg7: memref<161280xi32, #tpu.memory_space<hbm>>, %arg8: memref<161280xi32, #tpu.memory_space<hbm>>, %arg9: memref<2x10000x128xf32, #tpu.memory_space<hbm>>, %arg10: memref<10000x128xf32, #tpu.memory_space<vmem_shared>>, %arg11: memref<96xi32, #tpu.memory_space<vmem>>, %arg12: memref<96xi32, #tpu.memory_space<vmem>>, %arg13: memref<112xf32, #tpu.memory_space<vmem>>, %arg14: memref<96x144xf32, #tpu.memory_space<vmem>>, %arg15: memref<96x128xf32, #tpu.memory_space<vmem>>, %arg16: memref<96x128xf32, #tpu.memory_space<vmem>>, %arg17: memref<!tpu.dma_semaphore, #tpu.memory_space<semaphore_mem>>) attributes {dimension_semantics = [#tpu.dimension_semantics<core_parallel>, #tpu.dimension_semantics<subcore_parallel>], iteration_bounds = array<i64: 2, 16>, scalar_prefetch = 0 : i64, scratch_operands = 8 : i64, tpu.core_type = #tpu.core_type<sc_vector_subcore>, window_params = [{transform_indices = #map}, {transform_indices = #map}, {transform_indices = #map}, {transform_indices = #map}, {transform_indices = #map1}, {transform_indices = #map1}, {transform_indices = #map1}, {transform_indices = #map2}]} {
    %scan3A = arith.constant 0 : i32
    %scan3A_0 = arith.constant 0 : i32
    %scan3A_1 = arith.constant 96 : i32
    %scan3A_2 = arith.addi %scan3A_0, %scan3A_1 : i32
    %scan3A_3 = arith.constant 1 : i32
    scf.for %scan3A_30 = %scan3A_0 to %scan3A_2 step %scan3A_3  : i32 {
      %broadcast_in_dim3A = arith.constant 0.000000e+00 : f32
      %broadcast_in_dim3A_31 = vector.broadcast %broadcast_in_dim3A : f32 to vector<16xf32>
      %swap3A = arith.index_cast %scan3A_30 : i32 to index
      %swap3A_32 = arith.constant 0 : index
      %swap3A_33 = tpu.vector_load %arg16[%swap3A, %swap3A_32] {strides = array<i32>} : memref<96x128xf32, #tpu.memory_space<vmem>>, vector<16xf32>,
      tpu.vector_store %arg16[%swap3A, %swap3A_32], %broadcast_in_dim3A_31 {strides = array<i32>} : memref<96x128xf32, #tpu.memory_space<vmem>>, vector<16xf32>,
      %broadcast_in_dim3A_34 = arith.constant 0.000000e+00 : f32
      %broadcast_in_dim3A_35 = vector.broadcast %broadcast_in_dim3A_34 : f32 to vector<16xf32>
      %swap3A_36 = arith.index_cast %scan3A_30 : i32 to index
      %swap3A_37 = arith.constant 16 : index
      %swap3A_38 = tpu.vector_load %arg16[%swap3A_36, %swap3A_37] {strides = array<i32>} : memref<96x128xf32, #tpu.memory_space<vmem>>, vector<16xf32>,
      tpu.vector_store %arg16[%swap3A_36, %swap3A_37], %broadcast_in_dim3A_35 {strides = array<i32>} : memref<96x128xf32, #tpu.memory_space<vmem>>, vector<16xf32>,
      %broadcast_in_dim3A_39 = arith.constant 0.000000e+00 : f32
      %broadcast_in_dim3A_40 = vector.broadcast %broadcast_in_dim3A_39 : f32 to vector<16xf32>
      %swap3A_41 = arith.index_cast %scan3A_30 : i32 to index
      %swap3A_42 = arith.constant 32 : index
      %swap3A_43 = tpu.vector_load %arg16[%swap3A_41, %swap3A_42] {strides = array<i32>} : memref<96x128xf32, #tpu.memory_space<vmem>>, vector<16xf32>,
      tpu.vector_store %arg16[%swap3A_41, %swap3A_42], %broadcast_in_dim3A_40 {strides = array<i32>} : memref<96x128xf32, #tpu.memory_space<vmem>>, vector<16xf32>,
      %broadcast_in_dim3A_44 = arith.constant 0.000000e+00 : f32
      %broadcast_in_dim3A_45 = vector.broadcast %broadcast_in_dim3A_44 : f32 to vector<16xf32>
      %swap3A_46 = arith.index_cast %scan3A_30 : i32 to index
      %swap3A_47 = arith.constant 48 : index
      %swap3A_48 = tpu.vector_load %arg16[%swap3A_46, %swap3A_47] {strides = array<i32>} : memref<96x128xf32, #tpu.memory_space<vmem>>, vector<16xf32>,
      tpu.vector_store %arg16[%swap3A_46, %swap3A_47], %broadcast_in_dim3A_45 {strides = array<i32>} : memref<96x128xf32, #tpu.memory_space<vmem>>, vector<16xf32>,
      %broadcast_in_dim3A_49 = arith.constant 0.000000e+00 : f32
      %broadcast_in_dim3A_50 = vector.broadcast %broadcast_in_dim3A_49 : f32 to vector<16xf32>
      %swap3A_51 = arith.index_cast %scan3A_30 : i32 to index
      %swap3A_52 = arith.constant 64 : index
      %swap3A_53 = tpu.vector_load %arg16[%swap3A_51, %swap3A_52] {strides = array<i32>} : memref<96x128xf32, #tpu.memory_space<vmem>>, vector<16xf32>,
      tpu.vector_store %arg16[%swap3A_51, %swap3A_52], %broadcast_in_dim3A_50 {strides = array<i32>} : memref<96x128xf32, #tpu.memory_space<vmem>>, vector<16xf32>,
      %broadcast_in_dim3A_54 = arith.constant 0.000000e+00 : f32
      %broadcast_in_dim3A_55 = vector.broadcast %broadcast_in_dim3A_54 : f32 to vector<16xf32>
      %swap3A_56 = arith.index_cast %scan3A_30 : i32 to index
      %swap3A_57 = arith.constant 80 : index
      %swap3A_58 = tpu.vector_load %arg16[%swap3A_56, %swap3A_57] {strides = array<i32>} : memref<96x128xf32, #tpu.memory_space<vmem>>, vector<16xf32>,
      tpu.vector_store %arg16[%swap3A_56, %swap3A_57], %broadcast_in_dim3A_55 {strides = array<i32>} : memref<96x128xf32, #tpu.memory_space<vmem>>, vector<16xf32>,
      %broadcast_in_dim3A_59 = arith.constant 0.000000e+00 : f32
      %broadcast_in_dim3A_60 = vector.broadcast %broadcast_in_dim3A_59 : f32 to vector<16xf32>
      %swap3A_61 = arith.index_cast %scan3A_30 : i32 to index
      %swap3A_62 = arith.constant 96 : index
      %swap3A_63 = tpu.vector_load %arg16[%swap3A_61, %swap3A_62] {strides = array<i32>} : memref<96x128xf32, #tpu.memory_space<vmem>>, vector<16xf32>,
      tpu.vector_store %arg16[%swap3A_61, %swap3A_62], %broadcast_in_dim3A_60 {strides = array<i32>} : memref<96x128xf32, #tpu.memory_space<vmem>>, vector<16xf32>,
      %broadcast_in_dim3A_64 = arith.constant 0.000000e+00 : f32
      %broadcast_in_dim3A_65 = vector.broadcast %broadcast_in_dim3A_64 : f32 to vector<16xf32>
      %swap3A_66 = arith.index_cast %scan3A_30 : i32 to index
      %swap3A_67 = arith.constant 112 : index
      %swap3A_68 = tpu.vector_load %arg16[%swap3A_66, %swap3A_67] {strides = array<i32>} : memref<96x128xf32, #tpu.memory_space<vmem>>, vector<16xf32>,
      tpu.vector_store %arg16[%swap3A_66, %swap3A_67], %broadcast_in_dim3A_65 {strides = array<i32>} : memref<96x128xf32, #tpu.memory_space<vmem>>, vector<16xf32>,
    }
    %scan3A_4 = arith.constant 96 : i32
    %scan3A_5 = arith.constant 0 : i32
    %scan3A_6 = arith.constant 0 : i32
    %scan3A_7 = arith.constant 39 : i32
    %scan3A_8 = arith.addi %scan3A_6, %scan3A_7 : i32
    %scan3A_9 = arith.constant 1 : i32
    scf.for %scan3A_30 = %scan3A_6 to %scan3A_8 step %scan3A_9  : i32 {
      %mul3A_31 = arith.constant 624 : i32
      %mul3A_32 = arith.muli %arg1, %mul3A_31 : i32
      %mul3A_33 = arith.constant 16 : i32
      %mul3A_34 = arith.muli %scan3A_30, %mul3A_33 : i32
      %add3A = arith.addi %mul3A_32, %mul3A_34 : i32
      "tpu.region"() ({
        %run_scoped3A = tpu.sem_alloc : memref<!tpu.dma_semaphore, #tpu.memory_space<semaphore_mem>>
        %dma_start3A = arith.constant 0 : i32
        %dma_start3A_35 = arith.constant 0 : i32
        %dma_start3A_36 = tpu.memref_slice %arg16[%dma_start3A, %dma_start3A_35] : memref<96x128xf32, #tpu.memory_space<vmem>> -> memref<16x128xf32, #tpu.memory_space<vmem>>
        %dma_start3A_37 = arith.constant 0 : i32
        %dma_start3A_38 = tpu.memref_slice %arg10[%add3A, %dma_start3A_37] : memref<10000x128xf32, #tpu.memory_space<vmem_shared>> -> memref<16x128xf32, #tpu.memory_space<vmem_shared>>
        %dma_start3A_39 = arith.constant 0 : i32
        %dma_start3A_40 = tpu.memref_slice %arg10[%add3A, %dma_start3A_39] : memref<10000x128xf32, #tpu.memory_space<vmem_shared>> -> memref<16x128xf32, #tpu.memory_space<vmem_shared>>
        %dma_start3A_41 = arith.constant 0 : i32
        %dma_start3A_42 = arith.constant 0 : i32
        %dma_start3A_43 = tpu.memref_slice %arg16[%dma_start3A_41, %dma_start3A_42] : memref<96x128xf32, #tpu.memory_space<vmem>> -> memref<16x128xf32, #tpu.memory_space<vmem>>
        tpu.enqueue_dma source(%dma_start3A_43 : memref<16x128xf32, #tpu.memory_space<vmem>>) target(%dma_start3A_40 : memref<16x128xf32, #tpu.memory_space<vmem_shared>>) target_semaphore(%run_scoped3A : memref<!tpu.dma_semaphore, #tpu.memory_space<semaphore_mem>>)
        %dma_wait3A = arith.constant 0 : i32
        %dma_wait3A_44 = arith.constant 0 : i32
        %dma_wait3A_45 = tpu.memref_slice %arg16[%dma_wait3A, %dma_wait3A_44] : memref<96x128xf32, #tpu.memory_space<vmem>> -> memref<16x128xf32, #tpu.memory_space<vmem>>
        %dma_wait3A_46 = arith.constant 0 : i32
        %dma_wait3A_47 = tpu.memref_slice %arg10[%add3A, %dma_wait3A_46] : memref<10000x128xf32, #tpu.memory_space<vmem_shared>> -> memref<16x128xf32, #tpu.memory_space<vmem_shared>>
        %dma_wait3A_48 = arith.constant 0 : i32
        %dma_wait3A_49 = tpu.memref_slice %arg10[%add3A, %dma_wait3A_48] : memref<10000x128xf32, #tpu.memory_space<vmem_shared>> -> memref<16x128xf32, #tpu.memory_space<vmem_shared>>
        %dma_wait3A_50 = arith.constant 0 : i32
        %dma_wait3A_51 = arith.constant 0 : i32
        %dma_wait3A_52 = tpu.memref_slice %arg16[%dma_wait3A_50, %dma_wait3A_51] : memref<96x128xf32, #tpu.memory_space<vmem>> -> memref<16x128xf32, #tpu.memory_space<vmem>>
        tpu.wait_dma2 semaphore(%run_scoped3A : memref<!tpu.dma_semaphore, #tpu.memory_space<semaphore_mem>>) src(%dma_wait3A_52 : memref<16x128xf32, #tpu.memory_space<vmem>>) dst(%dma_wait3A_49 : memref<16x128xf32, #tpu.memory_space<vmem_shared>>)
        tpu.yield
      }) : () -> ()
    }
    %scan3A_10 = arith.constant 39 : i32
    %eq3A = arith.constant 15 : i32
    %eq3A_11 = arith.cmpi eq, %arg1, %eq3A : i32
    %convert_element_type3A = arith.extui %eq3A_11 : i1 to i32
    %cond3A = arith.constant 0 : i32
    %cond3A_12 = arith.cmpi ne, %convert_element_type3A, %cond3A : i32
    scf.if %cond3A_12 {
      "tpu.region"() ({
        %run_scoped3A = tpu.sem_alloc : memref<!tpu.dma_semaphore, #tpu.memory_space<semaphore_mem>>
        %dma_start3A = arith.constant 0 : i32
        %dma_start3A_30 = arith.constant 0 : i32
        %dma_start3A_31 = tpu.memref_slice %arg16[%dma_start3A, %dma_start3A_30] : memref<96x128xf32, #tpu.memory_space<vmem>> -> memref<16x128xf32, #tpu.memory_space<vmem>>
        %dma_start3A_32 = arith.constant 9984 : i32
        %dma_start3A_33 = arith.constant 0 : i32
        %dma_start3A_34 = tpu.memref_slice %arg10[%dma_start3A_32, %dma_start3A_33] : memref<10000x128xf32, #tpu.memory_space<vmem_shared>> -> memref<16x128xf32, #tpu.memory_space<vmem_shared>>
        %dma_start3A_35 = arith.constant 9984 : i32
        %dma_start3A_36 = arith.constant 0 : i32
        %dma_start3A_37 = tpu.memref_slice %arg10[%dma_start3A_35, %dma_start3A_36] : memref<10000x128xf32, #tpu.memory_space<vmem_shared>> -> memref<16x128xf32, #tpu.memory_space<vmem_shared>>
        %dma_start3A_38 = arith.constant 0 : i32
        %dma_start3A_39 = arith.constant 0 : i32
        %dma_start3A_40 = tpu.memref_slice %arg16[%dma_start3A_38, %dma_start3A_39] : memref<96x128xf32, #tpu.memory_space<vmem>> -> memref<16x128xf32, #tpu.memory_space<vmem>>
        tpu.enqueue_dma source(%dma_start3A_40 : memref<16x128xf32, #tpu.memory_space<vmem>>) target(%dma_start3A_37 : memref<16x128xf32, #tpu.memory_space<vmem_shared>>) target_semaphore(%run_scoped3A : memref<!tpu.dma_semaphore, #tpu.memory_space<semaphore_mem>>)
        %dma_wait3A = arith.constant 0 : i32
        %dma_wait3A_41 = arith.constant 0 : i32
        %dma_wait3A_42 = tpu.memref_slice %arg16[%dma_wait3A, %dma_wait3A_41] : memref<96x128xf32, #tpu.memory_space<vmem>> -> memref<16x128xf32, #tpu.memory_space<vmem>>
        %dma_wait3A_43 = arith.constant 9984 : i32
        %dma_wait3A_44 = arith.constant 0 : i32
        %dma_wait3A_45 = tpu.memref_slice %arg10[%dma_wait3A_43, %dma_wait3A_44] : memref<10000x128xf32, #tpu.memory_space<vmem_shared>> -> memref<16x128xf32, #tpu.memory_space<vmem_shared>>
        %dma_wait3A_46 = arith.constant 9984 : i32
        %dma_wait3A_47 = arith.constant 0 : i32
        %dma_wait3A_48 = tpu.memref_slice %arg10[%dma_wait3A_46, %dma_wait3A_47] : memref<10000x128xf32, #tpu.memory_space<vmem_shared>> -> memref<16x128xf32, #tpu.memory_space<vmem_shared>>
        %dma_wait3A_49 = arith.constant 0 : i32
        %dma_wait3A_50 = arith.constant 0 : i32
        %dma_wait3A_51 = tpu.memref_slice %arg16[%dma_wait3A_49, %dma_wait3A_50] : memref<96x128xf32, #tpu.memory_space<vmem>> -> memref<16x128xf32, #tpu.memory_space<vmem>>
        tpu.wait_dma2 semaphore(%run_scoped3A : memref<!tpu.dma_semaphore, #tpu.memory_space<semaphore_mem>>) src(%dma_wait3A_51 : memref<16x128xf32, #tpu.memory_space<vmem>>) dst(%dma_wait3A_48 : memref<16x128xf32, #tpu.memory_space<vmem_shared>>)
        tpu.yield
      }) : () -> ()
    } else {
    }
    %barrier3A = arith.constant 0 : index
    tpu.barrier barrier_id(%barrier3A)
    %mul3A = arith.constant 10080 : i32
    %mul3A_13 = arith.muli %arg1, %mul3A : i32
    %scan3A_14 = arith.constant 0 : i32
    %scan3A_15 = arith.constant 0 : i32
    %scan3A_16 = arith.constant 105 : i32
    %scan3A_17 = arith.addi %scan3A_15, %scan3A_16 : i32
    %scan3A_18 = arith.constant 1 : i32
    scf.for %scan3A_30 = %scan3A_15 to %scan3A_17 step %scan3A_18  : i32 {
      %mul3A_31 = arith.constant 96 : i32
      %mul3A_32 = arith.muli %scan3A_30, %mul3A_31 : i32
      %add3A = arith.addi %mul3A_13, %mul3A_32 : i32
      "tpu.region"() ({
        %run_scoped3A = tpu.sem_alloc : memref<!tpu.dma_semaphore, #tpu.memory_space<semaphore_mem>>
        %dma_start3A = tpu.memref_slice %arg7[%add3A] : memref<161280xi32, #tpu.memory_space<hbm>> -> memref<96xi32, #tpu.memory_space<hbm>>
        %dma_start3A_49 = tpu.memref_slice %arg7[%add3A] : memref<161280xi32, #tpu.memory_space<hbm>> -> memref<96xi32, #tpu.memory_space<hbm>>
        tpu.enqueue_dma source(%dma_start3A_49 : memref<96xi32, #tpu.memory_space<hbm>>) target(%arg11 : memref<96xi32, #tpu.memory_space<vmem>>) target_semaphore(%run_scoped3A : memref<!tpu.dma_semaphore, #tpu.memory_space<semaphore_mem>>)
        %dma_wait3A = tpu.memref_slice %arg7[%add3A] : memref<161280xi32, #tpu.memory_space<hbm>> -> memref<96xi32, #tpu.memory_space<hbm>>
        %dma_wait3A_50 = tpu.memref_slice %arg7[%add3A] : memref<161280xi32, #tpu.memory_space<hbm>> -> memref<96xi32, #tpu.memory_space<hbm>>
        tpu.wait_dma2 semaphore(%run_scoped3A : memref<!tpu.dma_semaphore, #tpu.memory_space<semaphore_mem>>) src(%dma_wait3A_50 : memref<96xi32, #tpu.memory_space<hbm>>) dst(%arg11 : memref<96xi32, #tpu.memory_space<vmem>>)
        tpu.yield
      }) : () -> ()
      "tpu.region"() ({
        %run_scoped3A = tpu.sem_alloc : memref<!tpu.dma_semaphore, #tpu.memory_space<semaphore_mem>>
        %dma_start3A = tpu.memref_slice %arg8[%add3A] : memref<161280xi32, #tpu.memory_space<hbm>> -> memref<96xi32, #tpu.memory_space<hbm>>
        %dma_start3A_49 = tpu.memref_slice %arg8[%add3A] : memref<161280xi32, #tpu.memory_space<hbm>> -> memref<96xi32, #tpu.memory_space<hbm>>
        tpu.enqueue_dma source(%dma_start3A_49 : memref<96xi32, #tpu.memory_space<hbm>>) target(%arg12 : memref<96xi32, #tpu.memory_space<vmem>>) target_semaphore(%run_scoped3A : memref<!tpu.dma_semaphore, #tpu.memory_space<semaphore_mem>>)
        %dma_wait3A = tpu.memref_slice %arg8[%add3A] : memref<161280xi32, #tpu.memory_space<hbm>> -> memref<96xi32, #tpu.memory_space<hbm>>
        %dma_wait3A_50 = tpu.memref_slice %arg8[%add3A] : memref<161280xi32, #tpu.memory_space<hbm>> -> memref<96xi32, #tpu.memory_space<hbm>>
        tpu.wait_dma2 semaphore(%run_scoped3A : memref<!tpu.dma_semaphore, #tpu.memory_space<semaphore_mem>>) src(%dma_wait3A_50 : memref<96xi32, #tpu.memory_space<hbm>>) dst(%arg12 : memref<96xi32, #tpu.memory_space<vmem>>)
        tpu.yield
      }) : () -> ()
      "tpu.region"() ({
        %run_scoped3A = tpu.sem_alloc : memref<!tpu.dma_semaphore, #tpu.memory_space<semaphore_mem>>
        %dma_start3A = arith.constant 0 : i32
        %dma_start3A_49 = tpu.memref_slice %arg13[%dma_start3A] : memref<112xf32, #tpu.memory_space<vmem>> -> memref<96xf32, #tpu.memory_space<vmem>>
        %dma_start3A_50 = tpu.memref_slice %arg6[%add3A] : memref<161280xf32, #tpu.memory_space<hbm>> -> memref<96xf32, #tpu.memory_space<hbm>>
        %dma_start3A_51 = arith.constant 0 : i32
        %dma_start3A_52 = tpu.memref_slice %arg13[%dma_start3A_51] : memref<112xf32, #tpu.memory_space<vmem>> -> memref<96xf32, #tpu.memory_space<vmem>>
        %dma_start3A_53 = tpu.memref_slice %arg6[%add3A] : memref<161280xf32, #tpu.memory_space<hbm>> -> memref<96xf32, #tpu.memory_space<hbm>>
        tpu.enqueue_dma source(%dma_start3A_53 : memref<96xf32, #tpu.memory_space<hbm>>) target(%dma_start3A_52 : memref<96xf32, #tpu.memory_space<vmem>>) target_semaphore(%run_scoped3A : memref<!tpu.dma_semaphore, #tpu.memory_space<semaphore_mem>>)
        %dma_wait3A = arith.constant 0 : i32
        %dma_wait3A_54 = tpu.memref_slice %arg13[%dma_wait3A] : memref<112xf32, #tpu.memory_space<vmem>> -> memref<96xf32, #tpu.memory_space<vmem>>
        %dma_wait3A_55 = tpu.memref_slice %arg6[%add3A] : memref<161280xf32, #tpu.memory_space<hbm>> -> memref<96xf32, #tpu.memory_space<hbm>>
        %dma_wait3A_56 = arith.constant 0 : i32
        %dma_wait3A_57 = tpu.memref_slice %arg13[%dma_wait3A_56] : memref<112xf32, #tpu.memory_space<vmem>> -> memref<96xf32, #tpu.memory_space<vmem>>
        %dma_wait3A_58 = tpu.memref_slice %arg6[%add3A] : memref<161280xf32, #tpu.memory_space<hbm>> -> memref<96xf32, #tpu.memory_space<hbm>>
        tpu.wait_dma2 semaphore(%run_scoped3A : memref<!tpu.dma_semaphore, #tpu.memory_space<semaphore_mem>>) src(%dma_wait3A_58 : memref<96xf32, #tpu.memory_space<hbm>>) dst(%dma_wait3A_57 : memref<96xf32, #tpu.memory_space<vmem>>)
        tpu.yield
      }) : () -> ()
      %eq3A_33 = arith.constant 0 : i32
      %eq3A_34 = arith.cmpi eq, %arg0, %eq3A_33 : i32
      %convert_element_type3A_35 = arith.extui %eq3A_34 : i1 to i32
      %cond3A_36 = arith.constant 0 : i32
      %cond3A_37 = arith.cmpi ne, %convert_element_type3A_35, %cond3A_36 : i32
      scf.if %cond3A_37 {
        "tpu.region"() ({
          %run_scoped3A = tpu.sem_alloc : memref<!tpu.dma_semaphore, #tpu.memory_space<semaphore_mem>>
          %dma_start3A_53 = arith.constant 0 : i32
          %dma_start3A_54 = tpu.memref_slice %arg4[%add3A, %dma_start3A_53] : memref<161280x128xf32, #tpu.memory_space<hbm>> -> memref<96x128xf32, #tpu.memory_space<hbm>>
          %dma_start3A_55 = arith.constant 0 : i32
          %dma_start3A_56 = tpu.memref_slice %arg4[%add3A, %dma_start3A_55] : memref<161280x128xf32, #tpu.memory_space<hbm>> -> memref<96x128xf32, #tpu.memory_space<hbm>>
          tpu.enqueue_dma source(%dma_start3A_56 : memref<96x128xf32, #tpu.memory_space<hbm>>) target(%arg15 : memref<96x128xf32, #tpu.memory_space<vmem>>) target_semaphore(%run_scoped3A : memref<!tpu.dma_semaphore, #tpu.memory_space<semaphore_mem>>)
          %dma_wait3A_57 = arith.constant 0 : i32
          %dma_wait3A_58 = tpu.memref_slice %arg4[%add3A, %dma_wait3A_57] : memref<161280x128xf32, #tpu.memory_space<hbm>> -> memref<96x128xf32, #tpu.memory_space<hbm>>
          %dma_wait3A_59 = arith.constant 0 : i32
          %dma_wait3A_60 = tpu.memref_slice %arg4[%add3A, %dma_wait3A_59] : memref<161280x128xf32, #tpu.memory_space<hbm>> -> memref<96x128xf32, #tpu.memory_space<hbm>>
          tpu.wait_dma2 semaphore(%run_scoped3A : memref<!tpu.dma_semaphore, #tpu.memory_space<semaphore_mem>>) src(%dma_wait3A_60 : memref<96x128xf32, #tpu.memory_space<hbm>>) dst(%arg15 : memref<96x128xf32, #tpu.memory_space<vmem>>)
          tpu.yield
        }) : () -> ()
        %dma_start3A = arith.constant 0 : i32
        %dma_start3A_49 = arith.constant 0 : i32
        %dma_start3A_50 = tpu.memref_slice %arg2[%dma_start3A, %dma_start3A_49] : memref<10000x144xf32, #tpu.memory_space<hbm>> -> memref<10000x144xf32, #tpu.memory_space<hbm>>
        tpu.enqueue_indirect_dma source(%dma_start3A_50 : memref<10000x144xf32, #tpu.memory_space<hbm>>) target(%arg14 : memref<96x144xf32, #tpu.memory_space<vmem>>) offsets(%arg11 : memref<96xi32, #tpu.memory_space<vmem>>) semaphore(%arg17 : memref<!tpu.dma_semaphore, #tpu.memory_space<semaphore_mem>>)
        %dma_wait3A = arith.constant 0 : i32
        %dma_wait3A_51 = arith.constant 0 : i32
        %dma_wait3A_52 = tpu.memref_slice %arg2[%dma_wait3A, %dma_wait3A_51] : memref<10000x144xf32, #tpu.memory_space<hbm>> -> memref<10000x144xf32, #tpu.memory_space<hbm>>
        tpu.wait_indirect_dma semaphore(%arg17 : memref<!tpu.dma_semaphore, #tpu.memory_space<semaphore_mem>>) src(%dma_wait3A_52 : memref<10000x144xf32, #tpu.memory_space<hbm>>) dst(%arg14 : memref<96x144xf32, #tpu.memory_space<vmem>>)
      } else {
      }
      %eq3A_38 = arith.constant 1 : i32
      %eq3A_39 = arith.cmpi eq, %arg0, %eq3A_38 : i32
      %convert_element_type3A_40 = arith.extui %eq3A_39 : i1 to i32
      %cond3A_41 = arith.constant 0 : i32
      %cond3A_42 = arith.cmpi ne, %convert_element_type3A_40, %cond3A_41 : i32
      scf.if %cond3A_42 {
        "tpu.region"() ({
          %run_scoped3A = tpu.sem_alloc : memref<!tpu.dma_semaphore, #tpu.memory_space<semaphore_mem>>
          %dma_start3A_53 = arith.constant 0 : i32
          %dma_start3A_54 = tpu.memref_slice %arg5[%add3A, %dma_start3A_53] : memref<161280x128xf32, #tpu.memory_space<hbm>> -> memref<96x128xf32, #tpu.memory_space<hbm>>
          %dma_start3A_55 = arith.constant 0 : i32
          %dma_start3A_56 = tpu.memref_slice %arg5[%add3A, %dma_start3A_55] : memref<161280x128xf32, #tpu.memory_space<hbm>> -> memref<96x128xf32, #tpu.memory_space<hbm>>
          tpu.enqueue_dma source(%dma_start3A_56 : memref<96x128xf32, #tpu.memory_space<hbm>>) target(%arg15 : memref<96x128xf32, #tpu.memory_space<vmem>>) target_semaphore(%run_scoped3A : memref<!tpu.dma_semaphore, #tpu.memory_space<semaphore_mem>>)
          %dma_wait3A_57 = arith.constant 0 : i32
          %dma_wait3A_58 = tpu.memref_slice %arg5[%add3A, %dma_wait3A_57] : memref<161280x128xf32, #tpu.memory_space<hbm>> -> memref<96x128xf32, #tpu.memory_space<hbm>>
          %dma_wait3A_59 = arith.constant 0 : i32
          %dma_wait3A_60 = tpu.memref_slice %arg5[%add3A, %dma_wait3A_59] : memref<161280x128xf32, #tpu.memory_space<hbm>> -> memref<96x128xf32, #tpu.memory_space<hbm>>
          tpu.wait_dma2 semaphore(%run_scoped3A : memref<!tpu.dma_semaphore, #tpu.memory_space<semaphore_mem>>) src(%dma_wait3A_60 : memref<96x128xf32, #tpu.memory_space<hbm>>) dst(%arg15 : memref<96x128xf32, #tpu.memory_space<vmem>>)
          tpu.yield
        }) : () -> ()
        %dma_start3A = arith.constant 0 : i32
        %dma_start3A_49 = arith.constant 0 : i32
        %dma_start3A_50 = tpu.memref_slice %arg3[%dma_start3A, %dma_start3A_49] : memref<10000x144xf32, #tpu.memory_space<hbm>> -> memref<10000x144xf32, #tpu.memory_space<hbm>>
        tpu.enqueue_indirect_dma source(%dma_start3A_50 : memref<10000x144xf32, #tpu.memory_space<hbm>>) target(%arg14 : memref<96x144xf32, #tpu.memory_space<vmem>>) offsets(%arg11 : memref<96xi32, #tpu.memory_space<vmem>>) semaphore(%arg17 : memref<!tpu.dma_semaphore, #tpu.memory_space<semaphore_mem>>)
        %dma_wait3A = arith.constant 0 : i32
        %dma_wait3A_51 = arith.constant 0 : i32
        %dma_wait3A_52 = tpu.memref_slice %arg3[%dma_wait3A, %dma_wait3A_51] : memref<10000x144xf32, #tpu.memory_space<hbm>> -> memref<10000x144xf32, #tpu.memory_space<hbm>>
        tpu.wait_indirect_dma semaphore(%arg17 : memref<!tpu.dma_semaphore, #tpu.memory_space<semaphore_mem>>) src(%dma_wait3A_52 : memref<10000x144xf32, #tpu.memory_space<hbm>>) dst(%arg14 : memref<96x144xf32, #tpu.memory_space<vmem>>)
      } else {
      }
      %scan3A_43 = arith.constant 0 : i32
      %scan3A_44 = arith.constant 0 : i32
      %scan3A_45 = arith.constant 96 : i32
      %scan3A_46 = arith.addi %scan3A_44, %scan3A_45 : i32
      %scan3A_47 = arith.constant 1 : i32
      scf.for %scan3A_49 = %scan3A_44 to %scan3A_46 step %scan3A_47  : i32 {
        %get3A = arith.index_cast %scan3A_49 : i32 to index
        %get3A_50 = tpu.vector_load %arg13[%get3A] {strides = array<i32>} : memref<112xf32, #tpu.memory_space<vmem>>, vector<16xf32>,
        %slice3A = vector.extract_strided_slice %get3A_50 {offsets = [0], sizes = [1], strides = [1]} : vector<16xf32> to vector<1xf32>
        %squeeze3A = vector.extract %slice3A[0] : f32 from vector<1xf32>
        %get3A_51 = arith.index_cast %scan3A_49 : i32 to index
        %get3A_52 = arith.constant 0 : index
        %get3A_53 = tpu.vector_load %arg14[%get3A_51, %get3A_52] {strides = array<i32>} : memref<96x144xf32, #tpu.memory_space<vmem>>, vector<16xf32>,
        %get3A_54 = arith.index_cast %scan3A_49 : i32 to index
        %get3A_55 = arith.constant 0 : index
        %get3A_56 = tpu.vector_load %arg15[%get3A_54, %get3A_55] {strides = array<i32>} : memref<96x128xf32, #tpu.memory_space<vmem>>, vector<16xf32>,
        %add3A_57 = arith.addf %get3A_53, %get3A_56 : vector<16xf32>
        %max3A = arith.constant 0.000000e+00 : f32
        %max3A_58 = vector.broadcast %max3A : f32 to vector<16xf32>
        %max3A_59 = arith.maximumf %add3A_57, %max3A_58 : vector<16xf32>
        %mul3A_60 = vector.broadcast %squeeze3A : f32 to vector<16xf32>
        %mul3A_61 = arith.mulf %max3A_59, %mul3A_60 : vector<16xf32>
        %swap3A = arith.index_cast %scan3A_49 : i32 to index
        %swap3A_62 = arith.constant 0 : index
        %swap3A_63 = tpu.vector_load %arg16[%swap3A, %swap3A_62] {strides = array<i32>} : memref<96x128xf32, #tpu.memory_space<vmem>>, vector<16xf32>,
        tpu.vector_store %arg16[%swap3A, %swap3A_62], %mul3A_61 {strides = array<i32>} : memref<96x128xf32, #tpu.memory_space<vmem>>, vector<16xf32>,
        %get3A_64 = arith.index_cast %scan3A_49 : i32 to index
        %get3A_65 = arith.constant 16 : index
        %get3A_66 = tpu.vector_load %arg14[%get3A_64, %get3A_65] {strides = array<i32>} : memref<96x144xf32, #tpu.memory_space<vmem>>, vector<16xf32>,
        %get3A_67 = arith.index_cast %scan3A_49 : i32 to index
        %get3A_68 = arith.constant 16 : index
        %get3A_69 = tpu.vector_load %arg15[%get3A_67, %get3A_68] {strides = array<i32>} : memref<96x128xf32, #tpu.memory_space<vmem>>, vector<16xf32>,
        %add3A_70 = arith.addf %get3A_66, %get3A_69 : vector<16xf32>
        %max3A_71 = arith.constant 0.000000e+00 : f32
        %max3A_72 = vector.broadcast %max3A_71 : f32 to vector<16xf32>
        %max3A_73 = arith.maximumf %add3A_70, %max3A_72 : vector<16xf32>
        %mul3A_74 = vector.broadcast %squeeze3A : f32 to vector<16xf32>
        %mul3A_75 = arith.mulf %max3A_73, %mul3A_74 : vector<16xf32>
        %swap3A_76 = arith.index_cast %scan3A_49 : i32 to index
        %swap3A_77 = arith.constant 16 : index
        %swap3A_78 = tpu.vector_load %arg16[%swap3A_76, %swap3A_77] {strides = array<i32>} : memref<96x128xf32, #tpu.memory_space<vmem>>, vector<16xf32>,
        tpu.vector_store %arg16[%swap3A_76, %swap3A_77], %mul3A_75 {strides = array<i32>} : memref<96x128xf32, #tpu.memory_space<vmem>>, vector<16xf32>,
        %get3A_79 = arith.index_cast %scan3A_49 : i32 to index
        %get3A_80 = arith.constant 32 : index
        %get3A_81 = tpu.vector_load %arg14[%get3A_79, %get3A_80] {strides = array<i32>} : memref<96x144xf32, #tpu.memory_space<vmem>>, vector<16xf32>,
        %get3A_82 = arith.index_cast %scan3A_49 : i32 to index
        %get3A_83 = arith.constant 32 : index
        %get3A_84 = tpu.vector_load %arg15[%get3A_82, %get3A_83] {strides = array<i32>} : memref<96x128xf32, #tpu.memory_space<vmem>>, vector<16xf32>,
        %add3A_85 = arith.addf %get3A_81, %get3A_84 : vector<16xf32>
        %max3A_86 = arith.constant 0.000000e+00 : f32
        %max3A_87 = vector.broadcast %max3A_86 : f32 to vector<16xf32>
        %max3A_88 = arith.maximumf %add3A_85, %max3A_87 : vector<16xf32>
        %mul3A_89 = vector.broadcast %squeeze3A : f32 to vector<16xf32>
        %mul3A_90 = arith.mulf %max3A_88, %mul3A_89 : vector<16xf32>
        %swap3A_91 = arith.index_cast %scan3A_49 : i32 to index
        %swap3A_92 = arith.constant 32 : index
        %swap3A_93 = tpu.vector_load %arg16[%swap3A_91, %swap3A_92] {strides = array<i32>} : memref<96x128xf32, #tpu.memory_space<vmem>>, vector<16xf32>,
        tpu.vector_store %arg16[%swap3A_91, %swap3A_92], %mul3A_90 {strides = array<i32>} : memref<96x128xf32, #tpu.memory_space<vmem>>, vector<16xf32>,
        %get3A_94 = arith.index_cast %scan3A_49 : i32 to index
        %get3A_95 = arith.constant 48 : index
        %get3A_96 = tpu.vector_load %arg14[%get3A_94, %get3A_95] {strides = array<i32>} : memref<96x144xf32, #tpu.memory_space<vmem>>, vector<16xf32>,
        %get3A_97 = arith.index_cast %scan3A_49 : i32 to index
        %get3A_98 = arith.constant 48 : index
        %get3A_99 = tpu.vector_load %arg15[%get3A_97, %get3A_98] {strides = array<i32>} : memref<96x128xf32, #tpu.memory_space<vmem>>, vector<16xf32>,
        %add3A_100 = arith.addf %get3A_96, %get3A_99 : vector<16xf32>
        %max3A_101 = arith.constant 0.000000e+00 : f32
        %max3A_102 = vector.broadcast %max3A_101 : f32 to vector<16xf32>
        %max3A_103 = arith.maximumf %add3A_100, %max3A_102 : vector<16xf32>
        %mul3A_104 = vector.broadcast %squeeze3A : f32 to vector<16xf32>
        %mul3A_105 = arith.mulf %max3A_103, %mul3A_104 : vector<16xf32>
        %swap3A_106 = arith.index_cast %scan3A_49 : i32 to index
        %swap3A_107 = arith.constant 48 : index
        %swap3A_108 = tpu.vector_load %arg16[%swap3A_106, %swap3A_107] {strides = array<i32>} : memref<96x128xf32, #tpu.memory_space<vmem>>, vector<16xf32>,
        tpu.vector_store %arg16[%swap3A_106, %swap3A_107], %mul3A_105 {strides = array<i32>} : memref<96x128xf32, #tpu.memory_space<vmem>>, vector<16xf32>,
        %get3A_109 = arith.index_cast %scan3A_49 : i32 to index
        %get3A_110 = arith.constant 64 : index
        %get3A_111 = tpu.vector_load %arg14[%get3A_109, %get3A_110] {strides = array<i32>} : memref<96x144xf32, #tpu.memory_space<vmem>>, vector<16xf32>,
        %get3A_112 = arith.index_cast %scan3A_49 : i32 to index
        %get3A_113 = arith.constant 64 : index
        %get3A_114 = tpu.vector_load %arg15[%get3A_112, %get3A_113] {strides = array<i32>} : memref<96x128xf32, #tpu.memory_space<vmem>>, vector<16xf32>,
        %add3A_115 = arith.addf %get3A_111, %get3A_114 : vector<16xf32>
        %max3A_116 = arith.constant 0.000000e+00 : f32
        %max3A_117 = vector.broadcast %max3A_116 : f32 to vector<16xf32>
        %max3A_118 = arith.maximumf %add3A_115, %max3A_117 : vector<16xf32>
        %mul3A_119 = vector.broadcast %squeeze3A : f32 to vector<16xf32>
        %mul3A_120 = arith.mulf %max3A_118, %mul3A_119 : vector<16xf32>
        %swap3A_121 = arith.index_cast %scan3A_49 : i32 to index
        %swap3A_122 = arith.constant 64 : index
        %swap3A_123 = tpu.vector_load %arg16[%swap3A_121, %swap3A_122] {strides = array<i32>} : memref<96x128xf32, #tpu.memory_space<vmem>>, vector<16xf32>,
        tpu.vector_store %arg16[%swap3A_121, %swap3A_122], %mul3A_120 {strides = array<i32>} : memref<96x128xf32, #tpu.memory_space<vmem>>, vector<16xf32>,
        %get3A_124 = arith.index_cast %scan3A_49 : i32 to index
        %get3A_125 = arith.constant 80 : index
        %get3A_126 = tpu.vector_load %arg14[%get3A_124, %get3A_125] {strides = array<i32>} : memref<96x144xf32, #tpu.memory_space<vmem>>, vector<16xf32>,
        %get3A_127 = arith.index_cast %scan3A_49 : i32 to index
        %get3A_128 = arith.constant 80 : index
        %get3A_129 = tpu.vector_load %arg15[%get3A_127, %get3A_128] {strides = array<i32>} : memref<96x128xf32, #tpu.memory_space<vmem>>, vector<16xf32>,
        %add3A_130 = arith.addf %get3A_126, %get3A_129 : vector<16xf32>
        %max3A_131 = arith.constant 0.000000e+00 : f32
        %max3A_132 = vector.broadcast %max3A_131 : f32 to vector<16xf32>
        %max3A_133 = arith.maximumf %add3A_130, %max3A_132 : vector<16xf32>
        %mul3A_134 = vector.broadcast %squeeze3A : f32 to vector<16xf32>
        %mul3A_135 = arith.mulf %max3A_133, %mul3A_134 : vector<16xf32>
        %swap3A_136 = arith.index_cast %scan3A_49 : i32 to index
        %swap3A_137 = arith.constant 80 : index
        %swap3A_138 = tpu.vector_load %arg16[%swap3A_136, %swap3A_137] {strides = array<i32>} : memref<96x128xf32, #tpu.memory_space<vmem>>, vector<16xf32>,
        tpu.vector_store %arg16[%swap3A_136, %swap3A_137], %mul3A_135 {strides = array<i32>} : memref<96x128xf32, #tpu.memory_space<vmem>>, vector<16xf32>,
        %get3A_139 = arith.index_cast %scan3A_49 : i32 to index
        %get3A_140 = arith.constant 96 : index
        %get3A_141 = tpu.vector_load %arg14[%get3A_139, %get3A_140] {strides = array<i32>} : memref<96x144xf32, #tpu.memory_space<vmem>>, vector<16xf32>,
        %get3A_142 = arith.index_cast %scan3A_49 : i32 to index
        %get3A_143 = arith.constant 96 : index
        %get3A_144 = tpu.vector_load %arg15[%get3A_142, %get3A_143] {strides = array<i32>} : memref<96x128xf32, #tpu.memory_space<vmem>>, vector<16xf32>,
        %add3A_145 = arith.addf %get3A_141, %get3A_144 : vector<16xf32>
        %max3A_146 = arith.constant 0.000000e+00 : f32
        %max3A_147 = vector.broadcast %max3A_146 : f32 to vector<16xf32>
        %max3A_148 = arith.maximumf %add3A_145, %max3A_147 : vector<16xf32>
        %mul3A_149 = vector.broadcast %squeeze3A : f32 to vector<16xf32>
        %mul3A_150 = arith.mulf %max3A_148, %mul3A_149 : vector<16xf32>
        %swap3A_151 = arith.index_cast %scan3A_49 : i32 to index
        %swap3A_152 = arith.constant 96 : index
        %swap3A_153 = tpu.vector_load %arg16[%swap3A_151, %swap3A_152] {strides = array<i32>} : memref<96x128xf32, #tpu.memory_space<vmem>>, vector<16xf32>,
        tpu.vector_store %arg16[%swap3A_151, %swap3A_152], %mul3A_150 {strides = array<i32>} : memref<96x128xf32, #tpu.memory_space<vmem>>, vector<16xf32>,
        %get3A_154 = arith.index_cast %scan3A_49 : i32 to index
        %get3A_155 = arith.constant 112 : index
        %get3A_156 = tpu.vector_load %arg14[%get3A_154, %get3A_155] {strides = array<i32>} : memref<96x144xf32, #tpu.memory_space<vmem>>, vector<16xf32>,
        %get3A_157 = arith.index_cast %scan3A_49 : i32 to index
        %get3A_158 = arith.constant 112 : index
        %get3A_159 = tpu.vector_load %arg15[%get3A_157, %get3A_158] {strides = array<i32>} : memref<96x128xf32, #tpu.memory_space<vmem>>, vector<16xf32>,
        %add3A_160 = arith.addf %get3A_156, %get3A_159 : vector<16xf32>
        %max3A_161 = arith.constant 0.000000e+00 : f32
        %max3A_162 = vector.broadcast %max3A_161 : f32 to vector<16xf32>
        %max3A_163 = arith.maximumf %add3A_160, %max3A_162 : vector<16xf32>
        %mul3A_164 = vector.broadcast %squeeze3A : f32 to vector<16xf32>
        %mul3A_165 = arith.mulf %max3A_163, %mul3A_164 : vector<16xf32>
        %swap3A_166 = arith.index_cast %scan3A_49 : i32 to index
        %swap3A_167 = arith.constant 112 : index
        %swap3A_168 = tpu.vector_load %arg16[%swap3A_166, %swap3A_167] {strides = array<i32>} : memref<96x128xf32, #tpu.memory_space<vmem>>, vector<16xf32>,
        tpu.vector_store %arg16[%swap3A_166, %swap3A_167], %mul3A_165 {strides = array<i32>} : memref<96x128xf32, #tpu.memory_space<vmem>>, vector<16xf32>,
      }
      %scan3A_48 = arith.constant 96 : i32
      "tpu.region"() ({
        %run_scoped3A = tpu.sem_alloc : memref<!tpu.dma_semaphore, #tpu.memory_space<semaphore_mem>>
        %dma_start3A = arith.constant 0 : i32
        %dma_start3A_49 = arith.constant 0 : i32
        %dma_start3A_50 = tpu.memref_slice %arg10[%dma_start3A, %dma_start3A_49] : memref<10000x128xf32, #tpu.memory_space<vmem_shared>> -> memref<10000x128xf32, #tpu.memory_space<vmem_shared>>
        tpu.enqueue_indirect_dma source(%arg16 : memref<96x128xf32, #tpu.memory_space<vmem>>) target(%dma_start3A_50 : memref<10000x128xf32, #tpu.memory_space<vmem_shared>>) offsets(%arg12 : memref<96xi32, #tpu.memory_space<vmem>>) semaphore(%run_scoped3A : memref<!tpu.dma_semaphore, #tpu.memory_space<semaphore_mem>>) {add = true}
        %dma_wait3A = arith.constant 0 : i32
        %dma_wait3A_51 = arith.constant 0 : i32
        %dma_wait3A_52 = tpu.memref_slice %arg10[%dma_wait3A, %dma_wait3A_51] : memref<10000x128xf32, #tpu.memory_space<vmem_shared>> -> memref<10000x128xf32, #tpu.memory_space<vmem_shared>>
        tpu.wait_indirect_dma semaphore(%run_scoped3A : memref<!tpu.dma_semaphore, #tpu.memory_space<semaphore_mem>>) src(%arg16 : memref<96x128xf32, #tpu.memory_space<vmem>>) dst(%dma_wait3A_52 : memref<10000x128xf32, #tpu.memory_space<vmem_shared>>)
        tpu.yield
      }) : () -> ()
    }
    %scan3A_19 = arith.constant 105 : i32
    %barrier3A_20 = arith.constant 0 : index
    tpu.barrier barrier_id(%barrier3A_20)
    %mul3A_21 = arith.constant 624 : i32
    %mul3A_22 = arith.muli %arg1, %mul3A_21 : i32
    %mul3A_23 = arith.constant 624 : i32
    %mul3A_24 = arith.muli %arg1, %mul3A_23 : i32
    "tpu.region"() ({
      %run_scoped3A = tpu.sem_alloc : memref<!tpu.dma_semaphore, #tpu.memory_space<semaphore_mem>>
      %dma_start3A = arith.constant 0 : i32
      %dma_start3A_30 = tpu.memref_slice %arg9[%arg0, %mul3A_24, %dma_start3A] : memref<2x10000x128xf32, #tpu.memory_space<hbm>> -> memref<1x624x128xf32, #tpu.memory_space<hbm>>
      %dma_start3A_31 = tpu.memref_squeeze %dma_start3A_30 : memref<1x624x128xf32, #tpu.memory_space<hbm>> -> memref<624x128xf32, #tpu.memory_space<hbm>>
      %dma_start3A_32 = arith.constant 0 : i32
      %dma_start3A_33 = tpu.memref_slice %arg10[%mul3A_22, %dma_start3A_32] : memref<10000x128xf32, #tpu.memory_space<vmem_shared>> -> memref<624x128xf32, #tpu.memory_space<vmem_shared>>
      tpu.enqueue_dma source(%dma_start3A_33 : memref<624x128xf32, #tpu.memory_space<vmem_shared>>) target(%dma_start3A_31 : memref<624x128xf32, #tpu.memory_space<hbm>>) target_semaphore(%run_scoped3A : memref<!tpu.dma_semaphore, #tpu.memory_space<semaphore_mem>>)
      %dma_wait3A = arith.constant 0 : i32
      %dma_wait3A_34 = tpu.memref_slice %arg9[%arg0, %mul3A_24, %dma_wait3A] : memref<2x10000x128xf32, #tpu.memory_space<hbm>> -> memref<1x624x128xf32, #tpu.memory_space<hbm>>
      %dma_wait3A_35 = tpu.memref_squeeze %dma_wait3A_34 : memref<1x624x128xf32, #tpu.memory_space<hbm>> -> memref<624x128xf32, #tpu.memory_space<hbm>>
      %dma_wait3A_36 = arith.constant 0 : i32
      %dma_wait3A_37 = tpu.memref_slice %arg10[%mul3A_22, %dma_wait3A_36] : memref<10000x128xf32, #tpu.memory_space<vmem_shared>> -> memref<624x128xf32, #tpu.memory_space<vmem_shared>>
      tpu.wait_dma2 semaphore(%run_scoped3A : memref<!tpu.dma_semaphore, #tpu.memory_space<semaphore_mem>>) src(%dma_wait3A_37 : memref<624x128xf32, #tpu.memory_space<vmem_shared>>) dst(%dma_wait3A_35 : memref<624x128xf32, #tpu.memory_space<hbm>>)
      tpu.yield
    }) : () -> ()
    %eq3A_25 = arith.constant 15 : i32
    %eq3A_26 = arith.cmpi eq, %arg1, %eq3A_25 : i32
    %convert_element_type3A_27 = arith.extui %eq3A_26 : i1 to i32
    %cond3A_28 = arith.constant 0 : i32
    %cond3A_29 = arith.cmpi ne, %convert_element_type3A_27, %cond3A_28 : i32
    scf.if %cond3A_29 {
      "tpu.region"() ({
        %run_scoped3A = tpu.sem_alloc : memref<!tpu.dma_semaphore, #tpu.memory_space<semaphore_mem>>
        %dma_start3A = arith.constant 9984 : i32
        %dma_start3A_30 = arith.constant 0 : i32
        %dma_start3A_31 = tpu.memref_slice %arg9[%arg0, %dma_start3A, %dma_start3A_30] : memref<2x10000x128xf32, #tpu.memory_space<hbm>> -> memref<1x16x128xf32, #tpu.memory_space<hbm>>
        %dma_start3A_32 = tpu.memref_squeeze %dma_start3A_31 : memref<1x16x128xf32, #tpu.memory_space<hbm>> -> memref<16x128xf32, #tpu.memory_space<hbm>>
        %dma_start3A_33 = arith.constant 9984 : i32
        %dma_start3A_34 = arith.constant 0 : i32
        %dma_start3A_35 = tpu.memref_slice %arg10[%dma_start3A_33, %dma_start3A_34] : memref<10000x128xf32, #tpu.memory_space<vmem_shared>> -> memref<16x128xf32, #tpu.memory_space<vmem_shared>>
        tpu.enqueue_dma source(%dma_start3A_35 : memref<16x128xf32, #tpu.memory_space<vmem_shared>>) target(%dma_start3A_32 : memref<16x128xf32, #tpu.memory_space<hbm>>) target_semaphore(%run_scoped3A : memref<!tpu.dma_semaphore, #tpu.memory_space<semaphore_mem>>)
        %dma_wait3A = arith.constant 9984 : i32
        %dma_wait3A_36 = arith.constant 0 : i32
        %dma_wait3A_37 = tpu.memref_slice %arg9[%arg0, %dma_wait3A, %dma_wait3A_36] : memref<2x10000x128xf32, #tpu.memory_space<hbm>> -> memref<1x16x128xf32, #tpu.memory_space<hbm>>
        %dma_wait3A_38 = tpu.memref_squeeze %dma_wait3A_37 : memref<1x16x128xf32, #tpu.memory_space<hbm>> -> memref<16x128xf32, #tpu.memory_space<hbm>>
        %dma_wait3A_39 = arith.constant 9984 : i32
        %dma_wait3A_40 = arith.constant 0 : i32
        %dma_wait3A_41 = tpu.memref_slice %arg10[%dma_wait3A_39, %dma_wait3A_40] : memref<10000x128xf32, #tpu.memory_space<vmem_shared>> -> memref<16x128xf32, #tpu.memory_space<vmem_shared>>
        tpu.wait_dma2 semaphore(%run_scoped3A : memref<!tpu.dma_semaphore, #tpu.memory_space<semaphore_mem>>) src(%dma_wait3A_41 : memref<16x128xf32, #tpu.memory_space<vmem_shared>>) dst(%dma_wait3A_38 : memref<16x128xf32, #tpu.memory_space<hbm>>)
        tpu.yield
      }) : () -> ()
    } else {
    }
    return
  }
}

module attributes {stable_mosaic.version = 14 : i64} {
  func.func @_edge_prep_body(%arg0: i32, %arg1: memref<1024x16xf32, #tpu.memory_space<vmem>>, %arg2: memref<16x256xf32, #tpu.memory_space<vmem>>, %arg3: memref<1x256xf32, #tpu.memory_space<vmem>>, %arg4: memref<256x128xf32, #tpu.memory_space<vmem>>, %arg5: memref<256x128xf32, #tpu.memory_space<vmem>>, %arg6: memref<1x256xf32, #tpu.memory_space<vmem>>, %arg7: memref<256x1xf32, #tpu.memory_space<vmem>>, %arg8: memref<1x1xf32, #tpu.memory_space<vmem>>, %arg9: memref<256x128xf32, #tpu.memory_space<vmem>>, %arg10: memref<256x128xf32, #tpu.memory_space<vmem>>, %arg11: memref<1x256xf32, #tpu.memory_space<vmem>>, %arg12: memref<256x1xf32, #tpu.memory_space<vmem>>, %arg13: memref<1x1xf32, #tpu.memory_space<vmem>>, %arg14: memref<1024x128xf32, #tpu.memory_space<vmem>>, %arg15: memref<1024x128xf32, #tpu.memory_space<vmem>>, %arg16: memref<1024x1xf32, #tpu.memory_space<vmem>>, %arg17: memref<1024x128xf32, #tpu.memory_space<vmem>>, %arg18: memref<1024x128xf32, #tpu.memory_space<vmem>>, %arg19: memref<1024x1xf32, #tpu.memory_space<vmem>>) attributes {dimension_semantics = [#tpu.dimension_semantics<arbitrary>], iteration_bounds = array<i64: 158>, scalar_prefetch = 0 : i64, scratch_operands = 0 : i64, tpu.core_type = #tpu.core_type<tc>, window_params = [{transform_indices = @transform_0, window_bounds = array<i64: 1024, 16>}, {pipeline_mode = #tpu.pipeline_mode<synchronous>, transform_indices = @transform_1, window_bounds = array<i64: 16, 256>}, {pipeline_mode = #tpu.pipeline_mode<synchronous>, transform_indices = @transform_2, window_bounds = array<i64: 1, 256>}, {pipeline_mode = #tpu.pipeline_mode<synchronous>, transform_indices = @transform_3, window_bounds = array<i64: 256, 128>}, {pipeline_mode = #tpu.pipeline_mode<synchronous>, transform_indices = @transform_4, window_bounds = array<i64: 256, 128>}, {pipeline_mode = #tpu.pipeline_mode<synchronous>, transform_indices = @transform_5, window_bounds = array<i64: 1, 256>}, {pipeline_mode = #tpu.pipeline_mode<synchronous>, transform_indices = @transform_6, window_bounds = array<i64: 256, 1>}, {pipeline_mode = #tpu.pipeline_mode<synchronous>, transform_indices = @transform_7, window_bounds = array<i64: 1, 1>}, {pipeline_mode = #tpu.pipeline_mode<synchronous>, transform_indices = @transform_8, window_bounds = array<i64: 256, 128>}, {pipeline_mode = #tpu.pipeline_mode<synchronous>, transform_indices = @transform_9, window_bounds = array<i64: 256, 128>}, {pipeline_mode = #tpu.pipeline_mode<synchronous>, transform_indices = @transform_10, window_bounds = array<i64: 1, 256>}, {pipeline_mode = #tpu.pipeline_mode<synchronous>, transform_indices = @transform_11, window_bounds = array<i64: 256, 1>}, {pipeline_mode = #tpu.pipeline_mode<synchronous>, transform_indices = @transform_12, window_bounds = array<i64: 1, 1>}, {transform_indices = @transform_13, window_bounds = array<i64: 1024, 128>}, {transform_indices = @transform_14, window_bounds = array<i64: 1024, 128>}, {transform_indices = @transform_15, window_bounds = array<i64: 1024, 1>}, {transform_indices = @transform_16, window_bounds = array<i64: 1024, 128>}, {transform_indices = @transform_17, window_bounds = array<i64: 1024, 128>}, {transform_indices = @transform_18, window_bounds = array<i64: 1024, 1>}]} {
    %get3A = arith.constant 0 : index
    %get3A_0 = arith.constant 0 : index
    %get3A_1 = vector.load %arg1[%get3A, %get3A_0] : memref<1024x16xf32, #tpu.memory_space<vmem>>, vector<1024x16xf32>
    %get3A_2 = arith.constant 0 : index
    %get3A_3 = arith.constant 0 : index
    %get3A_4 = vector.load %arg2[%get3A_2, %get3A_3] : memref<16x256xf32, #tpu.memory_space<vmem>>, vector<16x256xf32>
    %dot_general3A = arith.constant dense<0.000000e+00> : vector<1024x256xf32>
    %dot_general3A_5 = tpu.matmul %get3A_1, %get3A_4, %dot_general3A {dimension_numbers = #tpu.dot_dimension_numbers<[1], [0], [0], [1], [0, 0, 1, 1], [], []>, precision = #tpu.contract_precision<fp32>, transpose_lhs_hint = false} : vector<1024x16xf32>, vector<16x256xf32>, vector<1024x256xf32> -> vector<1024x256xf32>
    %get3A_6 = arith.constant 0 : index
    %get3A_7 = arith.constant 0 : index
    %get3A_8 = vector.load %arg3[%get3A_6, %get3A_7] : memref<1x256xf32, #tpu.memory_space<vmem>>, vector<1x256xf32>
    %add3A = vector.broadcast %get3A_8 : vector<1x256xf32> to vector<1024x256xf32>
    %add3A_9 = arith.addf %dot_general3A_5, %add3A : vector<1024x256xf32>
    %max3A = arith.constant 0.000000e+00 : f32
    %max3A_10 = vector.broadcast %max3A : f32 to vector<1024x256xf32>
    %max3A_11 = arith.maximumf %add3A_9, %max3A_10 : vector<1024x256xf32>
    %get3A_12 = arith.constant 0 : index
    %get3A_13 = arith.constant 0 : index
    %get3A_14 = vector.load %arg4[%get3A_12, %get3A_13] : memref<256x128xf32, #tpu.memory_space<vmem>>, vector<256x128xf32>
    %convert_element_type3A = arith.truncf %max3A_11 : vector<1024x256xf32> to vector<1024x256xbf16>
    %convert_element_type3A_15 = arith.truncf %get3A_14 : vector<256x128xf32> to vector<256x128xbf16>
    %dot_general3A_16 = arith.constant dense<0.000000e+00> : vector<1024x128xf32>
    %dot_general3A_17 = tpu.matmul %convert_element_type3A, %convert_element_type3A_15, %dot_general3A_16 {dimension_numbers = #tpu.dot_dimension_numbers<[1], [0], [0], [1], [0, 0, 1, 1], [], []>, transpose_lhs_hint = false} : vector<1024x256xbf16>, vector<256x128xbf16>, vector<1024x128xf32> -> vector<1024x128xf32>
    %get3A_18 = arith.constant 0 : index
    %get3A_19 = arith.constant 0 : index
    %get3A_20 = vector.load %arg6[%get3A_18, %get3A_19] : memref<1x256xf32, #tpu.memory_space<vmem>>, vector<1x128xf32>
    %add3A_21 = vector.broadcast %get3A_20 : vector<1x128xf32> to vector<1024x128xf32>
    %add3A_22 = arith.addf %dot_general3A_17, %add3A_21 : vector<1024x128xf32>
    %swap3A = arith.constant 0 : index
    %swap3A_23 = arith.constant 0 : index
    %swap3A_24 = vector.load %arg14[%swap3A, %swap3A_23] : memref<1024x128xf32, #tpu.memory_space<vmem>>, vector<1024x128xf32>
    tpu.vector_store %arg14[%swap3A, %swap3A_23], %add3A_22 {strides = array<i32>} : memref<1024x128xf32, #tpu.memory_space<vmem>>, vector<1024x128xf32>,
    %get3A_25 = arith.constant 0 : index
    %get3A_26 = arith.constant 0 : index
    %get3A_27 = vector.load %arg5[%get3A_25, %get3A_26] : memref<256x128xf32, #tpu.memory_space<vmem>>, vector<256x128xf32>
    %convert_element_type3A_28 = arith.truncf %max3A_11 : vector<1024x256xf32> to vector<1024x256xbf16>
    %convert_element_type3A_29 = arith.truncf %get3A_27 : vector<256x128xf32> to vector<256x128xbf16>
    %dot_general3A_30 = arith.constant dense<0.000000e+00> : vector<1024x128xf32>
    %dot_general3A_31 = tpu.matmul %convert_element_type3A_28, %convert_element_type3A_29, %dot_general3A_30 {dimension_numbers = #tpu.dot_dimension_numbers<[1], [0], [0], [1], [0, 0, 1, 1], [], []>, transpose_lhs_hint = false} : vector<1024x256xbf16>, vector<256x128xbf16>, vector<1024x128xf32> -> vector<1024x128xf32>
    %get3A_32 = arith.constant 0 : index
    %get3A_33 = arith.constant 128 : index
    %get3A_34 = vector.load %arg6[%get3A_32, %get3A_33] : memref<1x256xf32, #tpu.memory_space<vmem>>, vector<1x128xf32>
    %add3A_35 = vector.broadcast %get3A_34 : vector<1x128xf32> to vector<1024x128xf32>
    %add3A_36 = arith.addf %dot_general3A_31, %add3A_35 : vector<1024x128xf32>
    %swap3A_37 = arith.constant 0 : index
    %swap3A_38 = arith.constant 0 : index
    %swap3A_39 = vector.load %arg15[%swap3A_37, %swap3A_38] : memref<1024x128xf32, #tpu.memory_space<vmem>>, vector<1024x128xf32>
    tpu.vector_store %arg15[%swap3A_37, %swap3A_38], %add3A_36 {strides = array<i32>} : memref<1024x128xf32, #tpu.memory_space<vmem>>, vector<1024x128xf32>,
    %get3A_40 = arith.constant 0 : index
    %get3A_41 = arith.constant 0 : index
    %get3A_42 = vector.load %arg9[%get3A_40, %get3A_41] : memref<256x128xf32, #tpu.memory_space<vmem>>, vector<256x128xf32>
    %convert_element_type3A_43 = arith.truncf %max3A_11 : vector<1024x256xf32> to vector<1024x256xbf16>
    %convert_element_type3A_44 = arith.truncf %get3A_42 : vector<256x128xf32> to vector<256x128xbf16>
    %dot_general3A_45 = arith.constant dense<0.000000e+00> : vector<1024x128xf32>
    %dot_general3A_46 = tpu.matmul %convert_element_type3A_43, %convert_element_type3A_44, %dot_general3A_45 {dimension_numbers = #tpu.dot_dimension_numbers<[1], [0], [0], [1], [0, 0, 1, 1], [], []>, transpose_lhs_hint = false} : vector<1024x256xbf16>, vector<256x128xbf16>, vector<1024x128xf32> -> vector<1024x128xf32>
    %get3A_47 = arith.constant 0 : index
    %get3A_48 = arith.constant 0 : index
    %get3A_49 = vector.load %arg11[%get3A_47, %get3A_48] : memref<1x256xf32, #tpu.memory_space<vmem>>, vector<1x128xf32>
    %add3A_50 = vector.broadcast %get3A_49 : vector<1x128xf32> to vector<1024x128xf32>
    %add3A_51 = arith.addf %dot_general3A_46, %add3A_50 : vector<1024x128xf32>
    %swap3A_52 = arith.constant 0 : index
    %swap3A_53 = arith.constant 0 : index
    %swap3A_54 = vector.load %arg17[%swap3A_52, %swap3A_53] : memref<1024x128xf32, #tpu.memory_space<vmem>>, vector<1024x128xf32>
    tpu.vector_store %arg17[%swap3A_52, %swap3A_53], %add3A_51 {strides = array<i32>} : memref<1024x128xf32, #tpu.memory_space<vmem>>, vector<1024x128xf32>,
    %get3A_55 = arith.constant 0 : index
    %get3A_56 = arith.constant 0 : index
    %get3A_57 = vector.load %arg10[%get3A_55, %get3A_56] : memref<256x128xf32, #tpu.memory_space<vmem>>, vector<256x128xf32>
    %convert_element_type3A_58 = arith.truncf %max3A_11 : vector<1024x256xf32> to vector<1024x256xbf16>
    %convert_element_type3A_59 = arith.truncf %get3A_57 : vector<256x128xf32> to vector<256x128xbf16>
    %dot_general3A_60 = arith.constant dense<0.000000e+00> : vector<1024x128xf32>
    %dot_general3A_61 = tpu.matmul %convert_element_type3A_58, %convert_element_type3A_59, %dot_general3A_60 {dimension_numbers = #tpu.dot_dimension_numbers<[1], [0], [0], [1], [0, 0, 1, 1], [], []>, transpose_lhs_hint = false} : vector<1024x256xbf16>, vector<256x128xbf16>, vector<1024x128xf32> -> vector<1024x128xf32>
    %get3A_62 = arith.constant 0 : index
    %get3A_63 = arith.constant 128 : index
    %get3A_64 = vector.load %arg11[%get3A_62, %get3A_63] : memref<1x256xf32, #tpu.memory_space<vmem>>, vector<1x128xf32>
    %add3A_65 = vector.broadcast %get3A_64 : vector<1x128xf32> to vector<1024x128xf32>
    %add3A_66 = arith.addf %dot_general3A_61, %add3A_65 : vector<1024x128xf32>
    %swap3A_67 = arith.constant 0 : index
    %swap3A_68 = arith.constant 0 : index
    %swap3A_69 = vector.load %arg18[%swap3A_67, %swap3A_68] : memref<1024x128xf32, #tpu.memory_space<vmem>>, vector<1024x128xf32>
    tpu.vector_store %arg18[%swap3A_67, %swap3A_68], %add3A_66 {strides = array<i32>} : memref<1024x128xf32, #tpu.memory_space<vmem>>, vector<1024x128xf32>,
    %mul3A = arith.constant 1024 : i32
    %mul3A_70 = arith.muli %arg0, %mul3A : i32
    %iota3A = tpu.iota {dimensions = array<i32: 0>} : vector<1024x1xi32>
    %add3A_71 = vector.broadcast %mul3A_70 : i32 to vector<1024x1xi32>
    %add3A_72 = arith.addi %add3A_71, %iota3A : vector<1024x1xi32>
    %lt3A = arith.constant 160000 : i32
    %lt3A_73 = vector.broadcast %lt3A : i32 to vector<1024x1xi32>
    %lt3A_74 = arith.cmpi slt, %add3A_72, %lt3A_73 : vector<1024x1xi32>
    %get3A_75 = arith.constant 0 : index
    %get3A_76 = arith.constant 0 : index
    %get3A_77 = vector.load %arg7[%get3A_75, %get3A_76] : memref<256x1xf32, #tpu.memory_space<vmem>>, vector<256x1xf32>
    %convert_element_type3A_78 = arith.truncf %max3A_11 : vector<1024x256xf32> to vector<1024x256xbf16>
    %convert_element_type3A_79 = arith.truncf %get3A_77 : vector<256x1xf32> to vector<256x1xbf16>
    %dot_general3A_80 = arith.constant dense<0.000000e+00> : vector<1024x1xf32>
    %dot_general3A_81 = tpu.matmul %convert_element_type3A_78, %convert_element_type3A_79, %dot_general3A_80 {dimension_numbers = #tpu.dot_dimension_numbers<[1], [0], [0], [1], [0, 0, 1, 1], [], []>, transpose_lhs_hint = false} : vector<1024x256xbf16>, vector<256x1xbf16>, vector<1024x1xf32> -> vector<1024x1xf32>
    %get3A_82 = arith.constant 0 : index
    %get3A_83 = arith.constant 0 : index
    %get3A_84 = vector.load %arg8[%get3A_82, %get3A_83] : memref<1x1xf32, #tpu.memory_space<vmem>>, vector<1x1xf32>
    %add3A_85 = vector.broadcast %get3A_84 : vector<1x1xf32> to vector<1024x1xf32>
    %add3A_86 = arith.addf %dot_general3A_81, %add3A_85 : vector<1024x1xf32>
    %get3A_87 = arith.constant 0 : index
    %get3A_88 = arith.constant 0 : index
    %get3A_89 = vector.load %arg12[%get3A_87, %get3A_88] : memref<256x1xf32, #tpu.memory_space<vmem>>, vector<256x1xf32>
    %convert_element_type3A_90 = arith.truncf %max3A_11 : vector<1024x256xf32> to vector<1024x256xbf16>
    %convert_element_type3A_91 = arith.truncf %get3A_89 : vector<256x1xf32> to vector<256x1xbf16>
    %dot_general3A_92 = arith.constant dense<0.000000e+00> : vector<1024x1xf32>
    %dot_general3A_93 = tpu.matmul %convert_element_type3A_90, %convert_element_type3A_91, %dot_general3A_92 {dimension_numbers = #tpu.dot_dimension_numbers<[1], [0], [0], [1], [0, 0, 1, 1], [], []>, transpose_lhs_hint = false} : vector<1024x256xbf16>, vector<256x1xbf16>, vector<1024x1xf32> -> vector<1024x1xf32>
    %get3A_94 = arith.constant 0 : index
    %get3A_95 = arith.constant 0 : index
    %get3A_96 = vector.load %arg13[%get3A_94, %get3A_95] : memref<1x1xf32, #tpu.memory_space<vmem>>, vector<1x1xf32>
    %add3A_97 = vector.broadcast %get3A_96 : vector<1x1xf32> to vector<1024x1xf32>
    %add3A_98 = arith.addf %dot_general3A_93, %add3A_97 : vector<1024x1xf32>
    %jit3A = arith.constant -1.000000e+04 : f32
    %broadcast_in_dim3A = vector.broadcast %jit3A : f32 to vector<1024x1xf32>
    %select_n3A = arith.select %lt3A_74, %add3A_86, %broadcast_in_dim3A : vector<1024x1xi1>, vector<1024x1xf32>
    %swap3A_99 = arith.constant 0 : index
    %swap3A_100 = arith.constant 0 : index
    %swap3A_101 = vector.load %arg16[%swap3A_99, %swap3A_100] : memref<1024x1xf32, #tpu.memory_space<vmem>>, vector<1024x1xf32>
    tpu.vector_store %arg16[%swap3A_99, %swap3A_100], %select_n3A {strides = array<i32>} : memref<1024x1xf32, #tpu.memory_space<vmem>>, vector<1024x1xf32>,
    %jit3A_102 = arith.constant -1.000000e+04 : f32
    %broadcast_in_dim3A_103 = vector.broadcast %jit3A_102 : f32 to vector<1024x1xf32>
    %select_n3A_104 = arith.select %lt3A_74, %add3A_98, %broadcast_in_dim3A_103 : vector<1024x1xi1>, vector<1024x1xf32>
    %swap3A_105 = arith.constant 0 : index
    %swap3A_106 = arith.constant 0 : index
    %swap3A_107 = vector.load %arg19[%swap3A_105, %swap3A_106] : memref<1024x1xf32, #tpu.memory_space<vmem>>, vector<1024x1xf32>
    tpu.vector_store %arg19[%swap3A_105, %swap3A_106], %select_n3A_104 {strides = array<i32>} : memref<1024x1xf32, #tpu.memory_space<vmem>>, vector<1024x1xf32>,
    return
  }
  func.func @transform_0(%arg0: i32) -> (i32, i32) {
    %c0_i32 = arith.constant 0 : i32
    %c0_i32_0 = arith.constant 0 : i32
    return %arg0, %c0_i32 : i32, i32
  }
  func.func @transform_1(%arg0: i32) -> (i32, i32) {
    %c0_i32 = arith.constant 0 : i32
    %c0_i32_0 = arith.constant 0 : i32
    %c0_i32_1 = arith.constant 0 : i32
    return %c0_i32, %c0_i32_0 : i32, i32
  }
  func.func @transform_2(%arg0: i32) -> (i32, i32) {
    %c0_i32 = arith.constant 0 : i32
    %c0_i32_0 = arith.constant 0 : i32
    %c0_i32_1 = arith.constant 0 : i32
    return %c0_i32, %c0_i32_0 : i32, i32
  }
  func.func @transform_3(%arg0: i32) -> (i32, i32) {
    %c0_i32 = arith.constant 0 : i32
    %c0_i32_0 = arith.constant 0 : i32
    %c0_i32_1 = arith.constant 0 : i32
    return %c0_i32, %c0_i32_0 : i32, i32
  }
  func.func @transform_4(%arg0: i32) -> (i32, i32) {
    %c0_i32 = arith.constant 0 : i32
    %c0_i32_0 = arith.constant 0 : i32
    %c0_i32_1 = arith.constant 0 : i32
    return %c0_i32, %c0_i32_0 : i32, i32
  }
  func.func @transform_5(%arg0: i32) -> (i32, i32) {
    %c0_i32 = arith.constant 0 : i32
    %c0_i32_0 = arith.constant 0 : i32
    %c0_i32_1 = arith.constant 0 : i32
    return %c0_i32, %c0_i32_0 : i32, i32
  }
  func.func @transform_6(%arg0: i32) -> (i32, i32) {
    %c0_i32 = arith.constant 0 : i32
    %c0_i32_0 = arith.constant 0 : i32
    %c0_i32_1 = arith.constant 0 : i32
    return %c0_i32, %c0_i32_0 : i32, i32
  }
  func.func @transform_7(%arg0: i32) -> (i32, i32) {
    %c0_i32 = arith.constant 0 : i32
    %c0_i32_0 = arith.constant 0 : i32
    %c0_i32_1 = arith.constant 0 : i32
    return %c0_i32, %c0_i32_0 : i32, i32
  }
  func.func @transform_8(%arg0: i32) -> (i32, i32) {
    %c0_i32 = arith.constant 0 : i32
    %c0_i32_0 = arith.constant 0 : i32
    %c0_i32_1 = arith.constant 0 : i32
    return %c0_i32, %c0_i32_0 : i32, i32
  }
  func.func @transform_9(%arg0: i32) -> (i32, i32) {
    %c0_i32 = arith.constant 0 : i32
    %c0_i32_0 = arith.constant 0 : i32
    %c0_i32_1 = arith.constant 0 : i32
    return %c0_i32, %c0_i32_0 : i32, i32
  }
  func.func @transform_10(%arg0: i32) -> (i32, i32) {
    %c0_i32 = arith.constant 0 : i32
    %c0_i32_0 = arith.constant 0 : i32
    %c0_i32_1 = arith.constant 0 : i32
    return %c0_i32, %c0_i32_0 : i32, i32
  }
  func.func @transform_11(%arg0: i32) -> (i32, i32) {
    %c0_i32 = arith.constant 0 : i32
    %c0_i32_0 = arith.constant 0 : i32
    %c0_i32_1 = arith.constant 0 : i32
    return %c0_i32, %c0_i32_0 : i32, i32
  }
  func.func @transform_12(%arg0: i32) -> (i32, i32) {
    %c0_i32 = arith.constant 0 : i32
    %c0_i32_0 = arith.constant 0 : i32
    %c0_i32_1 = arith.constant 0 : i32
    return %c0_i32, %c0_i32_0 : i32, i32
  }
  func.func @transform_13(%arg0: i32) -> (i32, i32) {
    %c0_i32 = arith.constant 0 : i32
    %c0_i32_0 = arith.constant 0 : i32
    return %arg0, %c0_i32 : i32, i32
  }
  func.func @transform_14(%arg0: i32) -> (i32, i32) {
    %c0_i32 = arith.constant 0 : i32
    %c0_i32_0 = arith.constant 0 : i32
    return %arg0, %c0_i32 : i32, i32
  }
  func.func @transform_15(%arg0: i32) -> (i32, i32) {
    %c0_i32 = arith.constant 0 : i32
    %c0_i32_0 = arith.constant 0 : i32
    return %arg0, %c0_i32 : i32, i32
  }
  func.func @transform_16(%arg0: i32) -> (i32, i32) {
    %c0_i32 = arith.constant 0 : i32
    %c0_i32_0 = arith.constant 0 : i32
    return %arg0, %c0_i32 : i32, i32
  }
  func.func @transform_17(%arg0: i32) -> (i32, i32) {
    %c0_i32 = arith.constant 0 : i32
    %c0_i32_0 = arith.constant 0 : i32
    return %arg0, %c0_i32 : i32, i32
  }
  func.func @transform_18(%arg0: i32) -> (i32, i32) {
    %c0_i32 = arith.constant 0 : i32
    %c0_i32_0 = arith.constant 0 : i32
    return %arg0, %c0_i32 : i32, i32
  }
}

module attributes {stable_mosaic.version = 14 : i64} {
  func.func @_node_prep_body(%arg0: i32, %arg1: memref<1000x128xf32, #tpu.memory_space<vmem>>, %arg2: memref<128x256xf32, #tpu.memory_space<vmem>>, %arg3: memref<1x256xf32, #tpu.memory_space<vmem>>, %arg4: memref<256x128xf32, #tpu.memory_space<vmem>>, %arg5: memref<256x128xf32, #tpu.memory_space<vmem>>, %arg6: memref<256x1xf32, #tpu.memory_space<vmem>>, %arg7: memref<256x1xf32, #tpu.memory_space<vmem>>, %arg8: memref<1000x144xf32, #tpu.memory_space<vmem>>, %arg9: memref<1000x144xf32, #tpu.memory_space<vmem>>, %arg10: memref<1000x16xf32, #tpu.memory_space<vmem>>, %arg11: memref<1000x16xf32, #tpu.memory_space<vmem>>) attributes {dimension_semantics = [#tpu.dimension_semantics<arbitrary>], iteration_bounds = array<i64: 10>, scalar_prefetch = 0 : i64, scratch_operands = 0 : i64, tpu.core_type = #tpu.core_type<tc>, window_params = [{transform_indices = @transform_0, window_bounds = array<i64: 1000, 128>}, {pipeline_mode = #tpu.pipeline_mode<synchronous>, transform_indices = @transform_1, window_bounds = array<i64: 128, 256>}, {pipeline_mode = #tpu.pipeline_mode<synchronous>, transform_indices = @transform_2, window_bounds = array<i64: 1, 256>}, {pipeline_mode = #tpu.pipeline_mode<synchronous>, transform_indices = @transform_3, window_bounds = array<i64: 256, 128>}, {pipeline_mode = #tpu.pipeline_mode<synchronous>, transform_indices = @transform_4, window_bounds = array<i64: 256, 128>}, {pipeline_mode = #tpu.pipeline_mode<synchronous>, transform_indices = @transform_5, window_bounds = array<i64: 256, 1>}, {pipeline_mode = #tpu.pipeline_mode<synchronous>, transform_indices = @transform_6, window_bounds = array<i64: 256, 1>}, {transform_indices = @transform_7, window_bounds = array<i64: 1000, 144>}, {transform_indices = @transform_8, window_bounds = array<i64: 1000, 144>}, {transform_indices = @transform_9, window_bounds = array<i64: 1000, 16>}, {transform_indices = @transform_10, window_bounds = array<i64: 1000, 16>}]} {
    %get3A = arith.constant 0 : index
    %get3A_0 = arith.constant 0 : index
    %get3A_1 = vector.load %arg1[%get3A, %get3A_0] : memref<1000x128xf32, #tpu.memory_space<vmem>>, vector<1000x128xf32>
    %get3A_2 = arith.constant 0 : index
    %get3A_3 = arith.constant 0 : index
    %get3A_4 = vector.load %arg2[%get3A_2, %get3A_3] : memref<128x256xf32, #tpu.memory_space<vmem>>, vector<128x256xf32>
    %dot_general3A = arith.constant dense<0.000000e+00> : vector<1000x256xf32>
    %dot_general3A_5 = tpu.matmul %get3A_1, %get3A_4, %dot_general3A {dimension_numbers = #tpu.dot_dimension_numbers<[1], [0], [0], [1], [0, 0, 1, 1], [], []>, precision = #tpu.contract_precision<fp32>, transpose_lhs_hint = false} : vector<1000x128xf32>, vector<128x256xf32>, vector<1000x256xf32> -> vector<1000x256xf32>
    %get3A_6 = arith.constant 0 : index
    %get3A_7 = arith.constant 0 : index
    %get3A_8 = vector.load %arg3[%get3A_6, %get3A_7] : memref<1x256xf32, #tpu.memory_space<vmem>>, vector<1x256xf32>
    %add3A = vector.broadcast %get3A_8 : vector<1x256xf32> to vector<1000x256xf32>
    %add3A_9 = arith.addf %dot_general3A_5, %add3A : vector<1000x256xf32>
    %max3A = arith.constant 0.000000e+00 : f32
    %max3A_10 = vector.broadcast %max3A : f32 to vector<1000x256xf32>
    %max3A_11 = arith.maximumf %add3A_9, %max3A_10 : vector<1000x256xf32>
    %get3A_12 = arith.constant 0 : index
    %get3A_13 = arith.constant 0 : index
    %get3A_14 = vector.load %arg6[%get3A_12, %get3A_13] : memref<256x1xf32, #tpu.memory_space<vmem>>, vector<256x1xf32>
    %dot_general3A_15 = arith.constant dense<0.000000e+00> : vector<1000x1xf32>
    %dot_general3A_16 = tpu.matmul %max3A_11, %get3A_14, %dot_general3A_15 {dimension_numbers = #tpu.dot_dimension_numbers<[1], [0], [0], [1], [0, 0, 1, 1], [], []>, precision = #tpu.contract_precision<fp32>, transpose_lhs_hint = false} : vector<1000x256xf32>, vector<256x1xf32>, vector<1000x1xf32> -> vector<1000x1xf32>
    %get3A_17 = arith.constant 0 : index
    %get3A_18 = arith.constant 0 : index
    %get3A_19 = vector.load %arg7[%get3A_17, %get3A_18] : memref<256x1xf32, #tpu.memory_space<vmem>>, vector<256x1xf32>
    %dot_general3A_20 = arith.constant dense<0.000000e+00> : vector<1000x1xf32>
    %dot_general3A_21 = tpu.matmul %max3A_11, %get3A_19, %dot_general3A_20 {dimension_numbers = #tpu.dot_dimension_numbers<[1], [0], [0], [1], [0, 0, 1, 1], [], []>, precision = #tpu.contract_precision<fp32>, transpose_lhs_hint = false} : vector<1000x256xf32>, vector<256x1xf32>, vector<1000x1xf32> -> vector<1000x1xf32>
    %broadcast_in_dim3A = arith.constant 0.000000e+00 : f32
    %broadcast_in_dim3A_22 = vector.broadcast %broadcast_in_dim3A : f32 to vector<1000x15xf32>
    %get3A_23 = arith.constant 0 : index
    %get3A_24 = arith.constant 0 : index
    %get3A_25 = vector.load %arg4[%get3A_23, %get3A_24] : memref<256x128xf32, #tpu.memory_space<vmem>>, vector<256x128xf32>
    %dot_general3A_26 = arith.constant dense<0.000000e+00> : vector<1000x128xf32>
    %dot_general3A_27 = tpu.matmul %max3A_11, %get3A_25, %dot_general3A_26 {dimension_numbers = #tpu.dot_dimension_numbers<[1], [0], [0], [1], [0, 0, 1, 1], [], []>, precision = #tpu.contract_precision<fp32>, transpose_lhs_hint = false} : vector<1000x256xf32>, vector<256x128xf32>, vector<1000x128xf32> -> vector<1000x128xf32>
    %concatenate3A = tpu.concatenate %dot_general3A_27, %dot_general3A_16, %broadcast_in_dim3A_22 in 1 : vector<1000x128xf32>, vector<1000x1xf32>, vector<1000x15xf32> -> vector<1000x144xf32>
    %swap3A = arith.constant 0 : index
    %swap3A_28 = arith.constant 0 : index
    %swap3A_29 = vector.load %arg8[%swap3A, %swap3A_28] : memref<1000x144xf32, #tpu.memory_space<vmem>>, vector<1000x144xf32>
    tpu.vector_store %arg8[%swap3A, %swap3A_28], %concatenate3A {strides = array<i32>} : memref<1000x144xf32, #tpu.memory_space<vmem>>, vector<1000x144xf32>,
    %get3A_30 = arith.constant 0 : index
    %get3A_31 = arith.constant 0 : index
    %get3A_32 = vector.load %arg5[%get3A_30, %get3A_31] : memref<256x128xf32, #tpu.memory_space<vmem>>, vector<256x128xf32>
    %dot_general3A_33 = arith.constant dense<0.000000e+00> : vector<1000x128xf32>
    %dot_general3A_34 = tpu.matmul %max3A_11, %get3A_32, %dot_general3A_33 {dimension_numbers = #tpu.dot_dimension_numbers<[1], [0], [0], [1], [0, 0, 1, 1], [], []>, precision = #tpu.contract_precision<fp32>, transpose_lhs_hint = false} : vector<1000x256xf32>, vector<256x128xf32>, vector<1000x128xf32> -> vector<1000x128xf32>
    %concatenate3A_35 = tpu.concatenate %dot_general3A_34, %dot_general3A_16, %broadcast_in_dim3A_22 in 1 : vector<1000x128xf32>, vector<1000x1xf32>, vector<1000x15xf32> -> vector<1000x144xf32>
    %swap3A_36 = arith.constant 0 : index
    %swap3A_37 = arith.constant 0 : index
    %swap3A_38 = vector.load %arg9[%swap3A_36, %swap3A_37] : memref<1000x144xf32, #tpu.memory_space<vmem>>, vector<1000x144xf32>
    tpu.vector_store %arg9[%swap3A_36, %swap3A_37], %concatenate3A_35 {strides = array<i32>} : memref<1000x144xf32, #tpu.memory_space<vmem>>, vector<1000x144xf32>,
    %concatenate3A_39 = tpu.concatenate %dot_general3A_21, %broadcast_in_dim3A_22 in 1 : vector<1000x1xf32>, vector<1000x15xf32> -> vector<1000x16xf32>
    %swap3A_40 = arith.constant 0 : index
    %swap3A_41 = arith.constant 0 : index
    %swap3A_42 = vector.load %arg10[%swap3A_40, %swap3A_41] : memref<1000x16xf32, #tpu.memory_space<vmem>>, vector<1000x16xf32>
    tpu.vector_store %arg10[%swap3A_40, %swap3A_41], %concatenate3A_39 {strides = array<i32>} : memref<1000x16xf32, #tpu.memory_space<vmem>>, vector<1000x16xf32>,
    %concatenate3A_43 = tpu.concatenate %dot_general3A_16, %broadcast_in_dim3A_22 in 1 : vector<1000x1xf32>, vector<1000x15xf32> -> vector<1000x16xf32>
    %swap3A_44 = arith.constant 0 : index
    %swap3A_45 = arith.constant 0 : index
    %swap3A_46 = vector.load %arg11[%swap3A_44, %swap3A_45] : memref<1000x16xf32, #tpu.memory_space<vmem>>, vector<1000x16xf32>
    tpu.vector_store %arg11[%swap3A_44, %swap3A_45], %concatenate3A_43 {strides = array<i32>} : memref<1000x16xf32, #tpu.memory_space<vmem>>, vector<1000x16xf32>,
    return
  }
  func.func @transform_0(%arg0: i32) -> (i32, i32) {
    %c0_i32 = arith.constant 0 : i32
    %c0_i32_0 = arith.constant 0 : i32
    return %arg0, %c0_i32 : i32, i32
  }
  func.func @transform_1(%arg0: i32) -> (i32, i32) {
    %c0_i32 = arith.constant 0 : i32
    %c0_i32_0 = arith.constant 0 : i32
    %c0_i32_1 = arith.constant 0 : i32
    return %c0_i32, %c0_i32_0 : i32, i32
  }
  func.func @transform_2(%arg0: i32) -> (i32, i32) {
    %c0_i32 = arith.constant 0 : i32
    %c0_i32_0 = arith.constant 0 : i32
    %c0_i32_1 = arith.constant 0 : i32
    return %c0_i32, %c0_i32_0 : i32, i32
  }
  func.func @transform_3(%arg0: i32) -> (i32, i32) {
    %c0_i32 = arith.constant 0 : i32
    %c0_i32_0 = arith.constant 0 : i32
    %c0_i32_1 = arith.constant 0 : i32
    return %c0_i32, %c0_i32_0 : i32, i32
  }
  func.func @transform_4(%arg0: i32) -> (i32, i32) {
    %c0_i32 = arith.constant 0 : i32
    %c0_i32_0 = arith.constant 0 : i32
    %c0_i32_1 = arith.constant 0 : i32
    return %c0_i32, %c0_i32_0 : i32, i32
  }
  func.func @transform_5(%arg0: i32) -> (i32, i32) {
    %c0_i32 = arith.constant 0 : i32
    %c0_i32_0 = arith.constant 0 : i32
    %c0_i32_1 = arith.constant 0 : i32
    return %c0_i32, %c0_i32_0 : i32, i32
  }
  func.func @transform_6(%arg0: i32) -> (i32, i32) {
    %c0_i32 = arith.constant 0 : i32
    %c0_i32_0 = arith.constant 0 : i32
    %c0_i32_1 = arith.constant 0 : i32
    return %c0_i32, %c0_i32_0 : i32, i32
  }
  func.func @transform_7(%arg0: i32) -> (i32, i32) {
    %c0_i32 = arith.constant 0 : i32
    %c0_i32_0 = arith.constant 0 : i32
    return %arg0, %c0_i32 : i32, i32
  }
  func.func @transform_8(%arg0: i32) -> (i32, i32) {
    %c0_i32 = arith.constant 0 : i32
    %c0_i32_0 = arith.constant 0 : i32
    return %arg0, %c0_i32 : i32, i32
  }
  func.func @transform_9(%arg0: i32) -> (i32, i32) {
    %c0_i32 = arith.constant 0 : i32
    %c0_i32_0 = arith.constant 0 : i32
    return %arg0, %c0_i32 : i32, i32
  }
  func.func @transform_10(%arg0: i32) -> (i32, i32) {
    %c0_i32 = arith.constant 0 : i32
    %c0_i32_0 = arith.constant 0 : i32
    return %arg0, %c0_i32 : i32, i32
  }
}

module attributes {stable_mosaic.version = 14 : i64} {
  func.func @_sig_body(%arg0: i32, %arg1: memref<5040x1xf32, #tpu.memory_space<vmem>>, %arg2: memref<5040x1xf32, #tpu.memory_space<vmem>>) attributes {dimension_semantics = [#tpu.dimension_semantics<arbitrary>], iteration_bounds = array<i64: 32>, scalar_prefetch = 0 : i64, scratch_operands = 0 : i64, tpu.core_type = #tpu.core_type<tc>, window_params = [{transform_indices = @transform_0, window_bounds = array<i64: 5040, 1>}, {transform_indices = @transform_1, window_bounds = array<i64: 5040, 1>}]} {
    %get3A = arith.constant 0 : index
    %get3A_0 = arith.constant 0 : index
    %get3A_1 = vector.load %arg1[%get3A, %get3A_0] : memref<5040x1xf32, #tpu.memory_space<vmem>>, vector<5040x1xf32>
    %logistic3A = arith.negf %get3A_1 : vector<5040x1xf32>
    %logistic3A_2 = math.exp %logistic3A : vector<5040x1xf32>
    %logistic3A_3 = arith.constant 1.000000e+00 : f32
    %logistic3A_4 = vector.broadcast %logistic3A_3 : f32 to vector<5040x1xf32>
    %logistic3A_5 = arith.addf %logistic3A_4, %logistic3A_2 : vector<5040x1xf32>
    %logistic3A_6 = arith.divf %logistic3A_4, %logistic3A_5 : vector<5040x1xf32>
    %swap3A = arith.constant 0 : index
    %swap3A_7 = arith.constant 0 : index
    %swap3A_8 = vector.load %arg2[%swap3A, %swap3A_7] : memref<5040x1xf32, #tpu.memory_space<vmem>>, vector<5040x1xf32>
    tpu.vector_store %arg2[%swap3A, %swap3A_7], %logistic3A_6 {strides = array<i32>} : memref<5040x1xf32, #tpu.memory_space<vmem>>, vector<5040x1xf32>,
    return
  }
  func.func @transform_0(%arg0: i32) -> (i32, i32) {
    %c0_i32 = arith.constant 0 : i32
    %c0_i32_0 = arith.constant 0 : i32
    return %arg0, %c0_i32 : i32, i32
  }
  func.func @transform_1(%arg0: i32) -> (i32, i32) {
    %c0_i32 = arith.constant 0 : i32
    %c0_i32_0 = arith.constant 0 : i32
    return %arg0, %c0_i32 : i32, i32
  }
}

module attributes {stable_mosaic.version = 14 : i64} {
  func.func @_combine_body(%arg0: i32, %arg1: memref<2x1000x128xf32, #tpu.memory_space<vmem>>, %arg2: memref<1x256xf32, #tpu.memory_space<vmem>>, %arg3: memref<1x256xf32, #tpu.memory_space<vmem>>, %arg4: memref<256x128xf32, #tpu.memory_space<vmem>>, %arg5: memref<256x128xf32, #tpu.memory_space<vmem>>, %arg6: memref<256x1xf32, #tpu.memory_space<vmem>>, %arg7: memref<256x1xf32, #tpu.memory_space<vmem>>, %arg8: memref<1000x256xf32, #tpu.memory_space<vmem>>, %arg9: memref<1000x144xf32, #tpu.memory_space<vmem>>, %arg10: memref<1000x144xf32, #tpu.memory_space<vmem>>, %arg11: memref<1000x16xf32, #tpu.memory_space<vmem>>, %arg12: memref<1000x16xf32, #tpu.memory_space<vmem>>) attributes {dimension_semantics = [#tpu.dimension_semantics<arbitrary>], iteration_bounds = array<i64: 10>, scalar_prefetch = 0 : i64, scratch_operands = 0 : i64, tpu.core_type = #tpu.core_type<tc>, window_params = [{transform_indices = @transform_0, window_bounds = array<i64: 2, 1000, 128>}, {pipeline_mode = #tpu.pipeline_mode<synchronous>, transform_indices = @transform_1, window_bounds = array<i64: 1, 256>}, {pipeline_mode = #tpu.pipeline_mode<synchronous>, transform_indices = @transform_2, window_bounds = array<i64: 1, 256>}, {pipeline_mode = #tpu.pipeline_mode<synchronous>, transform_indices = @transform_3, window_bounds = array<i64: 256, 128>}, {pipeline_mode = #tpu.pipeline_mode<synchronous>, transform_indices = @transform_4, window_bounds = array<i64: 256, 128>}, {pipeline_mode = #tpu.pipeline_mode<synchronous>, transform_indices = @transform_5, window_bounds = array<i64: 256, 1>}, {pipeline_mode = #tpu.pipeline_mode<synchronous>, transform_indices = @transform_6, window_bounds = array<i64: 256, 1>}, {transform_indices = @transform_7, window_bounds = array<i64: 1000, 256>}, {transform_indices = @transform_8, window_bounds = array<i64: 1000, 144>}, {transform_indices = @transform_9, window_bounds = array<i64: 1000, 144>}, {transform_indices = @transform_10, window_bounds = array<i64: 1000, 16>}, {transform_indices = @transform_11, window_bounds = array<i64: 1000, 16>}]} {
    %get3A = arith.constant 0 : index
    %get3A_0 = arith.constant 0 : index
    %get3A_1 = arith.constant 0 : index
    %get3A_2 = vector.load %arg1[%get3A, %get3A_0, %get3A_1] : memref<2x1000x128xf32, #tpu.memory_space<vmem>>, vector<1x1000x128xf32>
    %get3A_3 = vector.shape_cast %get3A_2 : vector<1x1000x128xf32> to vector<1000x128xf32>
    %get3A_4 = arith.constant 1 : index
    %get3A_5 = arith.constant 0 : index
    %get3A_6 = arith.constant 0 : index
    %get3A_7 = vector.load %arg1[%get3A_4, %get3A_5, %get3A_6] : memref<2x1000x128xf32, #tpu.memory_space<vmem>>, vector<1x1000x128xf32>
    %get3A_8 = vector.shape_cast %get3A_7 : vector<1x1000x128xf32> to vector<1000x128xf32>
    %concatenate3A = tpu.concatenate %get3A_3, %get3A_8 in 1 : vector<1000x128xf32>, vector<1000x128xf32> -> vector<1000x256xf32>
    %reduce_sum3A = arith.constant dense<0.000000e+00> : vector<1000xf32>
    %reduce_sum3A_9 = vector.multi_reduction <add>, %concatenate3A, %reduce_sum3A [1] : vector<1000x256xf32> to vector<1000xf32>
    %broadcast_in_dim3A = vector.shape_cast %reduce_sum3A_9 : vector<1000xf32> to vector<1000x1xf32>
    %div3A = arith.constant 2.000000e+02 : f32
    %div3A_10 = vector.broadcast %div3A : f32 to vector<1000x1xf32>
    %div3A_11 = arith.divf %broadcast_in_dim3A, %div3A_10 : vector<1000x1xf32>
    %mul3A = arith.mulf %concatenate3A, %concatenate3A : vector<1000x256xf32>
    %reduce_sum3A_12 = arith.constant dense<0.000000e+00> : vector<1000xf32>
    %reduce_sum3A_13 = vector.multi_reduction <add>, %mul3A, %reduce_sum3A_12 [1] : vector<1000x256xf32> to vector<1000xf32>
    %broadcast_in_dim3A_14 = vector.shape_cast %reduce_sum3A_13 : vector<1000xf32> to vector<1000x1xf32>
    %div3A_15 = arith.constant 2.000000e+02 : f32
    %div3A_16 = vector.broadcast %div3A_15 : f32 to vector<1000x1xf32>
    %div3A_17 = arith.divf %broadcast_in_dim3A_14, %div3A_16 : vector<1000x1xf32>
    %mul3A_18 = arith.mulf %div3A_11, %div3A_11 : vector<1000x1xf32>
    %sub3A = arith.subf %div3A_17, %mul3A_18 : vector<1000x1xf32>
    %sub3A_19 = vector.broadcast %div3A_11 : vector<1000x1xf32> to vector<1000x256xf32>
    %sub3A_20 = arith.subf %concatenate3A, %sub3A_19 : vector<1000x256xf32>
    %add3A = arith.constant 9.99999974E-6 : f32
    %add3A_21 = vector.broadcast %add3A : f32 to vector<1000x1xf32>
    %add3A_22 = arith.addf %sub3A, %add3A_21 : vector<1000x1xf32>
    %sqrt3A = math.sqrt %add3A_22 : vector<1000x1xf32>
    %div3A_23 = vector.broadcast %sqrt3A : vector<1000x1xf32> to vector<1000x256xf32>
    %div3A_24 = arith.divf %sub3A_20, %div3A_23 : vector<1000x256xf32>
    %get3A_25 = arith.constant 0 : index
    %get3A_26 = arith.constant 0 : index
    %get3A_27 = vector.load %arg2[%get3A_25, %get3A_26] : memref<1x256xf32, #tpu.memory_space<vmem>>, vector<1x256xf32>
    %mul3A_28 = vector.broadcast %get3A_27 : vector<1x256xf32> to vector<1000x256xf32>
    %mul3A_29 = arith.mulf %div3A_24, %mul3A_28 : vector<1000x256xf32>
    %get3A_30 = arith.constant 0 : index
    %get3A_31 = arith.constant 0 : index
    %get3A_32 = vector.load %arg3[%get3A_30, %get3A_31] : memref<1x256xf32, #tpu.memory_space<vmem>>, vector<1x256xf32>
    %add3A_33 = vector.broadcast %get3A_32 : vector<1x256xf32> to vector<1000x256xf32>
    %add3A_34 = arith.addf %mul3A_29, %add3A_33 : vector<1000x256xf32>
    %max3A = arith.constant 0.000000e+00 : f32
    %max3A_35 = vector.broadcast %max3A : f32 to vector<1000x256xf32>
    %max3A_36 = arith.maximumf %add3A_34, %max3A_35 : vector<1000x256xf32>
    %swap3A = arith.constant 0 : index
    %swap3A_37 = arith.constant 0 : index
    %swap3A_38 = vector.load %arg8[%swap3A, %swap3A_37] : memref<1000x256xf32, #tpu.memory_space<vmem>>, vector<1000x256xf32>
    tpu.vector_store %arg8[%swap3A, %swap3A_37], %max3A_36 {strides = array<i32>} : memref<1000x256xf32, #tpu.memory_space<vmem>>, vector<1000x256xf32>,
    %get3A_39 = arith.constant 0 : index
    %get3A_40 = arith.constant 0 : index
    %get3A_41 = vector.load %arg6[%get3A_39, %get3A_40] : memref<256x1xf32, #tpu.memory_space<vmem>>, vector<256x1xf32>
    %dot_general3A = arith.constant dense<0.000000e+00> : vector<1000x1xf32>
    %dot_general3A_42 = tpu.matmul %max3A_36, %get3A_41, %dot_general3A {dimension_numbers = #tpu.dot_dimension_numbers<[1], [0], [0], [1], [0, 0, 1, 1], [], []>, precision = #tpu.contract_precision<fp32>, transpose_lhs_hint = false} : vector<1000x256xf32>, vector<256x1xf32>, vector<1000x1xf32> -> vector<1000x1xf32>
    %get3A_43 = arith.constant 0 : index
    %get3A_44 = arith.constant 0 : index
    %get3A_45 = vector.load %arg7[%get3A_43, %get3A_44] : memref<256x1xf32, #tpu.memory_space<vmem>>, vector<256x1xf32>
    %dot_general3A_46 = arith.constant dense<0.000000e+00> : vector<1000x1xf32>
    %dot_general3A_47 = tpu.matmul %max3A_36, %get3A_45, %dot_general3A_46 {dimension_numbers = #tpu.dot_dimension_numbers<[1], [0], [0], [1], [0, 0, 1, 1], [], []>, precision = #tpu.contract_precision<fp32>, transpose_lhs_hint = false} : vector<1000x256xf32>, vector<256x1xf32>, vector<1000x1xf32> -> vector<1000x1xf32>
    %broadcast_in_dim3A_48 = arith.constant 0.000000e+00 : f32
    %broadcast_in_dim3A_49 = vector.broadcast %broadcast_in_dim3A_48 : f32 to vector<1000x15xf32>
    %get3A_50 = arith.constant 0 : index
    %get3A_51 = arith.constant 0 : index
    %get3A_52 = vector.load %arg4[%get3A_50, %get3A_51] : memref<256x128xf32, #tpu.memory_space<vmem>>, vector<256x128xf32>
    %dot_general3A_53 = arith.constant dense<0.000000e+00> : vector<1000x128xf32>
    %dot_general3A_54 = tpu.matmul %max3A_36, %get3A_52, %dot_general3A_53 {dimension_numbers = #tpu.dot_dimension_numbers<[1], [0], [0], [1], [0, 0, 1, 1], [], []>, precision = #tpu.contract_precision<fp32>, transpose_lhs_hint = false} : vector<1000x256xf32>, vector<256x128xf32>, vector<1000x128xf32> -> vector<1000x128xf32>
    %concatenate3A_55 = tpu.concatenate %dot_general3A_54, %dot_general3A_42, %broadcast_in_dim3A_49 in 1 : vector<1000x128xf32>, vector<1000x1xf32>, vector<1000x15xf32> -> vector<1000x144xf32>
    %swap3A_56 = arith.constant 0 : index
    %swap3A_57 = arith.constant 0 : index
    %swap3A_58 = vector.load %arg9[%swap3A_56, %swap3A_57] : memref<1000x144xf32, #tpu.memory_space<vmem>>, vector<1000x144xf32>
    tpu.vector_store %arg9[%swap3A_56, %swap3A_57], %concatenate3A_55 {strides = array<i32>} : memref<1000x144xf32, #tpu.memory_space<vmem>>, vector<1000x144xf32>,
    %get3A_59 = arith.constant 0 : index
    %get3A_60 = arith.constant 0 : index
    %get3A_61 = vector.load %arg5[%get3A_59, %get3A_60] : memref<256x128xf32, #tpu.memory_space<vmem>>, vector<256x128xf32>
    %dot_general3A_62 = arith.constant dense<0.000000e+00> : vector<1000x128xf32>
    %dot_general3A_63 = tpu.matmul %max3A_36, %get3A_61, %dot_general3A_62 {dimension_numbers = #tpu.dot_dimension_numbers<[1], [0], [0], [1], [0, 0, 1, 1], [], []>, precision = #tpu.contract_precision<fp32>, transpose_lhs_hint = false} : vector<1000x256xf32>, vector<256x128xf32>, vector<1000x128xf32> -> vector<1000x128xf32>
    %concatenate3A_64 = tpu.concatenate %dot_general3A_63, %dot_general3A_42, %broadcast_in_dim3A_49 in 1 : vector<1000x128xf32>, vector<1000x1xf32>, vector<1000x15xf32> -> vector<1000x144xf32>
    %swap3A_65 = arith.constant 0 : index
    %swap3A_66 = arith.constant 0 : index
    %swap3A_67 = vector.load %arg10[%swap3A_65, %swap3A_66] : memref<1000x144xf32, #tpu.memory_space<vmem>>, vector<1000x144xf32>
    tpu.vector_store %arg10[%swap3A_65, %swap3A_66], %concatenate3A_64 {strides = array<i32>} : memref<1000x144xf32, #tpu.memory_space<vmem>>, vector<1000x144xf32>,
    %concatenate3A_68 = tpu.concatenate %dot_general3A_47, %broadcast_in_dim3A_49 in 1 : vector<1000x1xf32>, vector<1000x15xf32> -> vector<1000x16xf32>
    %swap3A_69 = arith.constant 0 : index
    %swap3A_70 = arith.constant 0 : index
    %swap3A_71 = vector.load %arg11[%swap3A_69, %swap3A_70] : memref<1000x16xf32, #tpu.memory_space<vmem>>, vector<1000x16xf32>
    tpu.vector_store %arg11[%swap3A_69, %swap3A_70], %concatenate3A_68 {strides = array<i32>} : memref<1000x16xf32, #tpu.memory_space<vmem>>, vector<1000x16xf32>,
    %concatenate3A_72 = tpu.concatenate %dot_general3A_42, %broadcast_in_dim3A_49 in 1 : vector<1000x1xf32>, vector<1000x15xf32> -> vector<1000x16xf32>
    %swap3A_73 = arith.constant 0 : index
    %swap3A_74 = arith.constant 0 : index
    %swap3A_75 = vector.load %arg12[%swap3A_73, %swap3A_74] : memref<1000x16xf32, #tpu.memory_space<vmem>>, vector<1000x16xf32>
    tpu.vector_store %arg12[%swap3A_73, %swap3A_74], %concatenate3A_72 {strides = array<i32>} : memref<1000x16xf32, #tpu.memory_space<vmem>>, vector<1000x16xf32>,
    return
  }
  func.func @transform_0(%arg0: i32) -> (i32, i32, i32) {
    %c0_i32 = arith.constant 0 : i32
    %c0_i32_0 = arith.constant 0 : i32
    %c0_i32_1 = arith.constant 0 : i32
    return %c0_i32, %arg0, %c0_i32_0 : i32, i32, i32
  }
  func.func @transform_1(%arg0: i32) -> (i32, i32) {
    %c0_i32 = arith.constant 0 : i32
    %c0_i32_0 = arith.constant 0 : i32
    %c0_i32_1 = arith.constant 0 : i32
    return %c0_i32, %c0_i32_0 : i32, i32
  }
  func.func @transform_2(%arg0: i32) -> (i32, i32) {
    %c0_i32 = arith.constant 0 : i32
    %c0_i32_0 = arith.constant 0 : i32
    %c0_i32_1 = arith.constant 0 : i32
    return %c0_i32, %c0_i32_0 : i32, i32
  }
  func.func @transform_3(%arg0: i32) -> (i32, i32) {
    %c0_i32 = arith.constant 0 : i32
    %c0_i32_0 = arith.constant 0 : i32
    %c0_i32_1 = arith.constant 0 : i32
    return %c0_i32, %c0_i32_0 : i32, i32
  }
  func.func @transform_4(%arg0: i32) -> (i32, i32) {
    %c0_i32 = arith.constant 0 : i32
    %c0_i32_0 = arith.constant 0 : i32
    %c0_i32_1 = arith.constant 0 : i32
    return %c0_i32, %c0_i32_0 : i32, i32
  }
  func.func @transform_5(%arg0: i32) -> (i32, i32) {
    %c0_i32 = arith.constant 0 : i32
    %c0_i32_0 = arith.constant 0 : i32
    %c0_i32_1 = arith.constant 0 : i32
    return %c0_i32, %c0_i32_0 : i32, i32
  }
  func.func @transform_6(%arg0: i32) -> (i32, i32) {
    %c0_i32 = arith.constant 0 : i32
    %c0_i32_0 = arith.constant 0 : i32
    %c0_i32_1 = arith.constant 0 : i32
    return %c0_i32, %c0_i32_0 : i32, i32
  }
  func.func @transform_7(%arg0: i32) -> (i32, i32) {
    %c0_i32 = arith.constant 0 : i32
    %c0_i32_0 = arith.constant 0 : i32
    return %arg0, %c0_i32 : i32, i32
  }
  func.func @transform_8(%arg0: i32) -> (i32, i32) {
    %c0_i32 = arith.constant 0 : i32
    %c0_i32_0 = arith.constant 0 : i32
    return %arg0, %c0_i32 : i32, i32
  }
  func.func @transform_9(%arg0: i32) -> (i32, i32) {
    %c0_i32 = arith.constant 0 : i32
    %c0_i32_0 = arith.constant 0 : i32
    return %arg0, %c0_i32 : i32, i32
  }
  func.func @transform_10(%arg0: i32) -> (i32, i32) {
    %c0_i32 = arith.constant 0 : i32
    %c0_i32_0 = arith.constant 0 : i32
    return %arg0, %c0_i32 : i32, i32
  }
  func.func @transform_11(%arg0: i32) -> (i32, i32) {
    %c0_i32 = arith.constant 0 : i32
    %c0_i32_0 = arith.constant 0 : i32
    return %arg0, %c0_i32 : i32, i32
  }
}

module attributes {stable_mosaic.version = 14 : i64} {
  func.func @_combine_body(%arg0: i32, %arg1: memref<2x1000x128xf32, #tpu.memory_space<vmem>>, %arg2: memref<1x256xf32, #tpu.memory_space<vmem>>, %arg3: memref<1x256xf32, #tpu.memory_space<vmem>>, %arg4: memref<256x128xf32, #tpu.memory_space<vmem>>, %arg5: memref<256x128xf32, #tpu.memory_space<vmem>>, %arg6: memref<256x1xf32, #tpu.memory_space<vmem>>, %arg7: memref<256x1xf32, #tpu.memory_space<vmem>>, %arg8: memref<1000x256xf32, #tpu.memory_space<vmem>>, %arg9: memref<1000x144xf32, #tpu.memory_space<vmem>>, %arg10: memref<1000x144xf32, #tpu.memory_space<vmem>>, %arg11: memref<1000x16xf32, #tpu.memory_space<vmem>>, %arg12: memref<1000x16xf32, #tpu.memory_space<vmem>>) attributes {dimension_semantics = [#tpu.dimension_semantics<arbitrary>], iteration_bounds = array<i64: 10>, scalar_prefetch = 0 : i64, scratch_operands = 0 : i64, tpu.core_type = #tpu.core_type<tc>, window_params = [{transform_indices = @transform_0, window_bounds = array<i64: 2, 1000, 128>}, {pipeline_mode = #tpu.pipeline_mode<synchronous>, transform_indices = @transform_1, window_bounds = array<i64: 1, 256>}, {pipeline_mode = #tpu.pipeline_mode<synchronous>, transform_indices = @transform_2, window_bounds = array<i64: 1, 256>}, {pipeline_mode = #tpu.pipeline_mode<synchronous>, transform_indices = @transform_3, window_bounds = array<i64: 256, 128>}, {pipeline_mode = #tpu.pipeline_mode<synchronous>, transform_indices = @transform_4, window_bounds = array<i64: 256, 128>}, {pipeline_mode = #tpu.pipeline_mode<synchronous>, transform_indices = @transform_5, window_bounds = array<i64: 256, 1>}, {pipeline_mode = #tpu.pipeline_mode<synchronous>, transform_indices = @transform_6, window_bounds = array<i64: 256, 1>}, {transform_indices = @transform_7, window_bounds = array<i64: 1000, 256>}, {transform_indices = @transform_8, window_bounds = array<i64: 1000, 144>}, {transform_indices = @transform_9, window_bounds = array<i64: 1000, 144>}, {transform_indices = @transform_10, window_bounds = array<i64: 1000, 16>}, {transform_indices = @transform_11, window_bounds = array<i64: 1000, 16>}]} {
    %get3A = arith.constant 0 : index
    %get3A_0 = arith.constant 0 : index
    %get3A_1 = arith.constant 0 : index
    %get3A_2 = vector.load %arg1[%get3A, %get3A_0, %get3A_1] : memref<2x1000x128xf32, #tpu.memory_space<vmem>>, vector<1x1000x128xf32>
    %get3A_3 = vector.shape_cast %get3A_2 : vector<1x1000x128xf32> to vector<1000x128xf32>
    %get3A_4 = arith.constant 1 : index
    %get3A_5 = arith.constant 0 : index
    %get3A_6 = arith.constant 0 : index
    %get3A_7 = vector.load %arg1[%get3A_4, %get3A_5, %get3A_6] : memref<2x1000x128xf32, #tpu.memory_space<vmem>>, vector<1x1000x128xf32>
    %get3A_8 = vector.shape_cast %get3A_7 : vector<1x1000x128xf32> to vector<1000x128xf32>
    %concatenate3A = tpu.concatenate %get3A_3, %get3A_8 in 1 : vector<1000x128xf32>, vector<1000x128xf32> -> vector<1000x256xf32>
    %reduce_sum3A = arith.constant dense<0.000000e+00> : vector<1000xf32>
    %reduce_sum3A_9 = vector.multi_reduction <add>, %concatenate3A, %reduce_sum3A [1] : vector<1000x256xf32> to vector<1000xf32>
    %broadcast_in_dim3A = vector.shape_cast %reduce_sum3A_9 : vector<1000xf32> to vector<1000x1xf32>
    %div3A = arith.constant 2.000000e+02 : f32
    %div3A_10 = vector.broadcast %div3A : f32 to vector<1000x1xf32>
    %div3A_11 = arith.divf %broadcast_in_dim3A, %div3A_10 : vector<1000x1xf32>
    %mul3A = arith.mulf %concatenate3A, %concatenate3A : vector<1000x256xf32>
    %reduce_sum3A_12 = arith.constant dense<0.000000e+00> : vector<1000xf32>
    %reduce_sum3A_13 = vector.multi_reduction <add>, %mul3A, %reduce_sum3A_12 [1] : vector<1000x256xf32> to vector<1000xf32>
    %broadcast_in_dim3A_14 = vector.shape_cast %reduce_sum3A_13 : vector<1000xf32> to vector<1000x1xf32>
    %div3A_15 = arith.constant 2.000000e+02 : f32
    %div3A_16 = vector.broadcast %div3A_15 : f32 to vector<1000x1xf32>
    %div3A_17 = arith.divf %broadcast_in_dim3A_14, %div3A_16 : vector<1000x1xf32>
    %mul3A_18 = arith.mulf %div3A_11, %div3A_11 : vector<1000x1xf32>
    %sub3A = arith.subf %div3A_17, %mul3A_18 : vector<1000x1xf32>
    %sub3A_19 = vector.broadcast %div3A_11 : vector<1000x1xf32> to vector<1000x256xf32>
    %sub3A_20 = arith.subf %concatenate3A, %sub3A_19 : vector<1000x256xf32>
    %add3A = arith.constant 9.99999974E-6 : f32
    %add3A_21 = vector.broadcast %add3A : f32 to vector<1000x1xf32>
    %add3A_22 = arith.addf %sub3A, %add3A_21 : vector<1000x1xf32>
    %sqrt3A = math.sqrt %add3A_22 : vector<1000x1xf32>
    %div3A_23 = vector.broadcast %sqrt3A : vector<1000x1xf32> to vector<1000x256xf32>
    %div3A_24 = arith.divf %sub3A_20, %div3A_23 : vector<1000x256xf32>
    %get3A_25 = arith.constant 0 : index
    %get3A_26 = arith.constant 0 : index
    %get3A_27 = vector.load %arg2[%get3A_25, %get3A_26] : memref<1x256xf32, #tpu.memory_space<vmem>>, vector<1x256xf32>
    %mul3A_28 = vector.broadcast %get3A_27 : vector<1x256xf32> to vector<1000x256xf32>
    %mul3A_29 = arith.mulf %div3A_24, %mul3A_28 : vector<1000x256xf32>
    %get3A_30 = arith.constant 0 : index
    %get3A_31 = arith.constant 0 : index
    %get3A_32 = vector.load %arg3[%get3A_30, %get3A_31] : memref<1x256xf32, #tpu.memory_space<vmem>>, vector<1x256xf32>
    %add3A_33 = vector.broadcast %get3A_32 : vector<1x256xf32> to vector<1000x256xf32>
    %add3A_34 = arith.addf %mul3A_29, %add3A_33 : vector<1000x256xf32>
    %max3A = arith.constant 0.000000e+00 : f32
    %max3A_35 = vector.broadcast %max3A : f32 to vector<1000x256xf32>
    %max3A_36 = arith.maximumf %add3A_34, %max3A_35 : vector<1000x256xf32>
    %swap3A = arith.constant 0 : index
    %swap3A_37 = arith.constant 0 : index
    %swap3A_38 = vector.load %arg8[%swap3A, %swap3A_37] : memref<1000x256xf32, #tpu.memory_space<vmem>>, vector<1000x256xf32>
    tpu.vector_store %arg8[%swap3A, %swap3A_37], %max3A_36 {strides = array<i32>} : memref<1000x256xf32, #tpu.memory_space<vmem>>, vector<1000x256xf32>,
    %get3A_39 = arith.constant 0 : index
    %get3A_40 = arith.constant 0 : index
    %get3A_41 = vector.load %arg6[%get3A_39, %get3A_40] : memref<256x1xf32, #tpu.memory_space<vmem>>, vector<256x1xf32>
    %dot_general3A = arith.constant dense<0.000000e+00> : vector<1000x1xf32>
    %dot_general3A_42 = tpu.matmul %max3A_36, %get3A_41, %dot_general3A {dimension_numbers = #tpu.dot_dimension_numbers<[1], [0], [0], [1], [0, 0, 1, 1], [], []>, precision = #tpu.contract_precision<fp32>, transpose_lhs_hint = false} : vector<1000x256xf32>, vector<256x1xf32>, vector<1000x1xf32> -> vector<1000x1xf32>
    %get3A_43 = arith.constant 0 : index
    %get3A_44 = arith.constant 0 : index
    %get3A_45 = vector.load %arg7[%get3A_43, %get3A_44] : memref<256x1xf32, #tpu.memory_space<vmem>>, vector<256x1xf32>
    %dot_general3A_46 = arith.constant dense<0.000000e+00> : vector<1000x1xf32>
    %dot_general3A_47 = tpu.matmul %max3A_36, %get3A_45, %dot_general3A_46 {dimension_numbers = #tpu.dot_dimension_numbers<[1], [0], [0], [1], [0, 0, 1, 1], [], []>, precision = #tpu.contract_precision<fp32>, transpose_lhs_hint = false} : vector<1000x256xf32>, vector<256x1xf32>, vector<1000x1xf32> -> vector<1000x1xf32>
    %broadcast_in_dim3A_48 = arith.constant 0.000000e+00 : f32
    %broadcast_in_dim3A_49 = vector.broadcast %broadcast_in_dim3A_48 : f32 to vector<1000x15xf32>
    %get3A_50 = arith.constant 0 : index
    %get3A_51 = arith.constant 0 : index
    %get3A_52 = vector.load %arg4[%get3A_50, %get3A_51] : memref<256x128xf32, #tpu.memory_space<vmem>>, vector<256x128xf32>
    %dot_general3A_53 = arith.constant dense<0.000000e+00> : vector<1000x128xf32>
    %dot_general3A_54 = tpu.matmul %max3A_36, %get3A_52, %dot_general3A_53 {dimension_numbers = #tpu.dot_dimension_numbers<[1], [0], [0], [1], [0, 0, 1, 1], [], []>, precision = #tpu.contract_precision<fp32>, transpose_lhs_hint = false} : vector<1000x256xf32>, vector<256x128xf32>, vector<1000x128xf32> -> vector<1000x128xf32>
    %concatenate3A_55 = tpu.concatenate %dot_general3A_54, %dot_general3A_42, %broadcast_in_dim3A_49 in 1 : vector<1000x128xf32>, vector<1000x1xf32>, vector<1000x15xf32> -> vector<1000x144xf32>
    %swap3A_56 = arith.constant 0 : index
    %swap3A_57 = arith.constant 0 : index
    %swap3A_58 = vector.load %arg9[%swap3A_56, %swap3A_57] : memref<1000x144xf32, #tpu.memory_space<vmem>>, vector<1000x144xf32>
    tpu.vector_store %arg9[%swap3A_56, %swap3A_57], %concatenate3A_55 {strides = array<i32>} : memref<1000x144xf32, #tpu.memory_space<vmem>>, vector<1000x144xf32>,
    %get3A_59 = arith.constant 0 : index
    %get3A_60 = arith.constant 0 : index
    %get3A_61 = vector.load %arg5[%get3A_59, %get3A_60] : memref<256x128xf32, #tpu.memory_space<vmem>>, vector<256x128xf32>
    %dot_general3A_62 = arith.constant dense<0.000000e+00> : vector<1000x128xf32>
    %dot_general3A_63 = tpu.matmul %max3A_36, %get3A_61, %dot_general3A_62 {dimension_numbers = #tpu.dot_dimension_numbers<[1], [0], [0], [1], [0, 0, 1, 1], [], []>, precision = #tpu.contract_precision<fp32>, transpose_lhs_hint = false} : vector<1000x256xf32>, vector<256x128xf32>, vector<1000x128xf32> -> vector<1000x128xf32>
    %concatenate3A_64 = tpu.concatenate %dot_general3A_63, %dot_general3A_42, %broadcast_in_dim3A_49 in 1 : vector<1000x128xf32>, vector<1000x1xf32>, vector<1000x15xf32> -> vector<1000x144xf32>
    %swap3A_65 = arith.constant 0 : index
    %swap3A_66 = arith.constant 0 : index
    %swap3A_67 = vector.load %arg10[%swap3A_65, %swap3A_66] : memref<1000x144xf32, #tpu.memory_space<vmem>>, vector<1000x144xf32>
    tpu.vector_store %arg10[%swap3A_65, %swap3A_66], %concatenate3A_64 {strides = array<i32>} : memref<1000x144xf32, #tpu.memory_space<vmem>>, vector<1000x144xf32>,
    %concatenate3A_68 = tpu.concatenate %dot_general3A_47, %broadcast_in_dim3A_49 in 1 : vector<1000x1xf32>, vector<1000x15xf32> -> vector<1000x16xf32>
    %swap3A_69 = arith.constant 0 : index
    %swap3A_70 = arith.constant 0 : index
    %swap3A_71 = vector.load %arg11[%swap3A_69, %swap3A_70] : memref<1000x16xf32, #tpu.memory_space<vmem>>, vector<1000x16xf32>
    tpu.vector_store %arg11[%swap3A_69, %swap3A_70], %concatenate3A_68 {strides = array<i32>} : memref<1000x16xf32, #tpu.memory_space<vmem>>, vector<1000x16xf32>,
    %concatenate3A_72 = tpu.concatenate %dot_general3A_42, %broadcast_in_dim3A_49 in 1 : vector<1000x1xf32>, vector<1000x15xf32> -> vector<1000x16xf32>
    %swap3A_73 = arith.constant 0 : index
    %swap3A_74 = arith.constant 0 : index
    %swap3A_75 = vector.load %arg12[%swap3A_73, %swap3A_74] : memref<1000x16xf32, #tpu.memory_space<vmem>>, vector<1000x16xf32>
    tpu.vector_store %arg12[%swap3A_73, %swap3A_74], %concatenate3A_72 {strides = array<i32>} : memref<1000x16xf32, #tpu.memory_space<vmem>>, vector<1000x16xf32>,
    return
  }
  func.func @transform_0(%arg0: i32) -> (i32, i32, i32) {
    %c0_i32 = arith.constant 0 : i32
    %c0_i32_0 = arith.constant 0 : i32
    %c0_i32_1 = arith.constant 0 : i32
    return %c0_i32, %arg0, %c0_i32_0 : i32, i32, i32
  }
  func.func @transform_1(%arg0: i32) -> (i32, i32) {
    %c0_i32 = arith.constant 0 : i32
    %c0_i32_0 = arith.constant 0 : i32
    %c0_i32_1 = arith.constant 0 : i32
    return %c0_i32, %c0_i32_0 : i32, i32
  }
  func.func @transform_2(%arg0: i32) -> (i32, i32) {
    %c0_i32 = arith.constant 0 : i32
    %c0_i32_0 = arith.constant 0 : i32
    %c0_i32_1 = arith.constant 0 : i32
    return %c0_i32, %c0_i32_0 : i32, i32
  }
  func.func @transform_3(%arg0: i32) -> (i32, i32) {
    %c0_i32 = arith.constant 0 : i32
    %c0_i32_0 = arith.constant 0 : i32
    %c0_i32_1 = arith.constant 0 : i32
    return %c0_i32, %c0_i32_0 : i32, i32
  }
  func.func @transform_4(%arg0: i32) -> (i32, i32) {
    %c0_i32 = arith.constant 0 : i32
    %c0_i32_0 = arith.constant 0 : i32
    %c0_i32_1 = arith.constant 0 : i32
    return %c0_i32, %c0_i32_0 : i32, i32
  }
  func.func @transform_5(%arg0: i32) -> (i32, i32) {
    %c0_i32 = arith.constant 0 : i32
    %c0_i32_0 = arith.constant 0 : i32
    %c0_i32_1 = arith.constant 0 : i32
    return %c0_i32, %c0_i32_0 : i32, i32
  }
  func.func @transform_6(%arg0: i32) -> (i32, i32) {
    %c0_i32 = arith.constant 0 : i32
    %c0_i32_0 = arith.constant 0 : i32
    %c0_i32_1 = arith.constant 0 : i32
    return %c0_i32, %c0_i32_0 : i32, i32
  }
  func.func @transform_7(%arg0: i32) -> (i32, i32) {
    %c0_i32 = arith.constant 0 : i32
    %c0_i32_0 = arith.constant 0 : i32
    return %arg0, %c0_i32 : i32, i32
  }
  func.func @transform_8(%arg0: i32) -> (i32, i32) {
    %c0_i32 = arith.constant 0 : i32
    %c0_i32_0 = arith.constant 0 : i32
    return %arg0, %c0_i32 : i32, i32
  }
  func.func @transform_9(%arg0: i32) -> (i32, i32) {
    %c0_i32 = arith.constant 0 : i32
    %c0_i32_0 = arith.constant 0 : i32
    return %arg0, %c0_i32 : i32, i32
  }
  func.func @transform_10(%arg0: i32) -> (i32, i32) {
    %c0_i32 = arith.constant 0 : i32
    %c0_i32_0 = arith.constant 0 : i32
    return %arg0, %c0_i32 : i32, i32
  }
  func.func @transform_11(%arg0: i32) -> (i32, i32) {
    %c0_i32 = arith.constant 0 : i32
    %c0_i32_0 = arith.constant 0 : i32
    return %arg0, %c0_i32 : i32, i32
  }
}

module attributes {stable_mosaic.version = 14 : i64} {
  func.func @_seg_mean_body(%arg0: i32, %arg1: memref<1000x256xf32, #tpu.memory_space<vmem>>, %arg2: memref<1x1x1000xi32, #tpu.memory_space<vmem>>, %arg3: memref<64x256xf32, #tpu.memory_space<vmem>>, %arg4: memref<64x1xf32, #tpu.memory_space<vmem>>) attributes {dimension_semantics = [#tpu.dimension_semantics<arbitrary>], iteration_bounds = array<i64: 10>, scalar_prefetch = 0 : i64, scratch_operands = 0 : i64, tpu.core_type = #tpu.core_type<tc>, window_params = [{transform_indices = @transform_0, window_bounds = array<i64: 1000, 256>}, {transform_indices = @transform_1, window_bounds = array<i64: 1, 1, 1000>}, {pipeline_mode = #tpu.pipeline_mode<synchronous>, transform_indices = @transform_2, window_bounds = array<i64: 64, 256>}, {pipeline_mode = #tpu.pipeline_mode<synchronous>, transform_indices = @transform_3, window_bounds = array<i64: 64, 1>}]} {
    %eq3A = arith.constant 0 : i32
    %eq3A_0 = arith.cmpi eq, %arg0, %eq3A : i32
    %convert_element_type3A = arith.extui %eq3A_0 : i1 to i32
    %cond3A = arith.constant 0 : i32
    %cond3A_1 = arith.cmpi ne, %convert_element_type3A, %cond3A : i32
    scf.if %cond3A_1 {
      %broadcast_in_dim3A_28 = arith.constant 0.000000e+00 : f32
      %broadcast_in_dim3A_29 = vector.broadcast %broadcast_in_dim3A_28 : f32 to vector<64x256xf32>
      %swap3A_30 = arith.constant 0 : index
      %swap3A_31 = arith.constant 0 : index
      %swap3A_32 = vector.load %arg3[%swap3A_30, %swap3A_31] : memref<64x256xf32, #tpu.memory_space<vmem>>, vector<64x256xf32>
      tpu.vector_store %arg3[%swap3A_30, %swap3A_31], %broadcast_in_dim3A_29 {strides = array<i32>} : memref<64x256xf32, #tpu.memory_space<vmem>>, vector<64x256xf32>,
      %broadcast_in_dim3A_33 = arith.constant 0.000000e+00 : f32
      %broadcast_in_dim3A_34 = vector.broadcast %broadcast_in_dim3A_33 : f32 to vector<64x1xf32>
      %swap3A_35 = arith.constant 0 : index
      %swap3A_36 = arith.constant 0 : index
      %swap3A_37 = vector.load %arg4[%swap3A_35, %swap3A_36] : memref<64x1xf32, #tpu.memory_space<vmem>>, vector<64x1xf32>
      tpu.vector_store %arg4[%swap3A_35, %swap3A_36], %broadcast_in_dim3A_34 {strides = array<i32>} : memref<64x1xf32, #tpu.memory_space<vmem>>, vector<64x1xf32>,
    } else {
    }
    %get3A = arith.constant 0 : index
    %get3A_2 = arith.constant 0 : index
    %get3A_3 = arith.constant 0 : index
    %get3A_4 = vector.load %arg2[%get3A, %get3A_2, %get3A_3] : memref<1x1x1000xi32, #tpu.memory_space<vmem>>, vector<1x1x1000xi32>
    %get3A_5 = vector.shape_cast %get3A_4 : vector<1x1x1000xi32> to vector<1x1000xi32>
    %iota3A = tpu.iota {dimensions = array<i32: 0>} : vector<64x1000xi32>
    %eq3A_6 = vector.broadcast %get3A_5 : vector<1x1000xi32> to vector<64x1000xi32>
    %eq3A_7 = arith.cmpi eq, %eq3A_6, %iota3A : vector<64x1000xi32>
    %jit3A = arith.constant 1.000000e+00 : f32
    %jit3A_8 = arith.constant 0.000000e+00 : f32
    %broadcast_in_dim3A = vector.broadcast %jit3A : f32 to vector<64x1000xf32>
    %broadcast_in_dim3A_9 = vector.broadcast %jit3A_8 : f32 to vector<64x1000xf32>
    %select_n3A = arith.select %eq3A_7, %broadcast_in_dim3A, %broadcast_in_dim3A_9 : vector<64x1000xi1>, vector<64x1000xf32>
    %get3A_10 = arith.constant 0 : index
    %get3A_11 = arith.constant 0 : index
    %get3A_12 = vector.load %arg3[%get3A_10, %get3A_11] : memref<64x256xf32, #tpu.memory_space<vmem>>, vector<64x256xf32>
    %get3A_13 = arith.constant 0 : index
    %get3A_14 = arith.constant 0 : index
    %get3A_15 = vector.load %arg1[%get3A_13, %get3A_14] : memref<1000x256xf32, #tpu.memory_space<vmem>>, vector<1000x256xf32>
    %dot_general3A = arith.constant dense<0.000000e+00> : vector<64x256xf32>
    %dot_general3A_16 = tpu.matmul %select_n3A, %get3A_15, %dot_general3A {dimension_numbers = #tpu.dot_dimension_numbers<[1], [0], [0], [1], [0, 0, 1, 1], [], []>, precision = #tpu.contract_precision<fp32>, transpose_lhs_hint = false} : vector<64x1000xf32>, vector<1000x256xf32>, vector<64x256xf32> -> vector<64x256xf32>
    %add3A = arith.addf %get3A_12, %dot_general3A_16 : vector<64x256xf32>
    %swap3A = arith.constant 0 : index
    %swap3A_17 = arith.constant 0 : index
    %swap3A_18 = vector.load %arg3[%swap3A, %swap3A_17] : memref<64x256xf32, #tpu.memory_space<vmem>>, vector<64x256xf32>
    tpu.vector_store %arg3[%swap3A, %swap3A_17], %add3A {strides = array<i32>} : memref<64x256xf32, #tpu.memory_space<vmem>>, vector<64x256xf32>,
    %get3A_19 = arith.constant 0 : index
    %get3A_20 = arith.constant 0 : index
    %get3A_21 = vector.load %arg4[%get3A_19, %get3A_20] : memref<64x1xf32, #tpu.memory_space<vmem>>, vector<64x1xf32>
    %reduce_sum3A = arith.constant dense<0.000000e+00> : vector<64xf32>
    %reduce_sum3A_22 = vector.multi_reduction <add>, %select_n3A, %reduce_sum3A [1] : vector<64x1000xf32> to vector<64xf32>
    %broadcast_in_dim3A_23 = vector.shape_cast %reduce_sum3A_22 : vector<64xf32> to vector<64x1xf32>
    %add3A_24 = arith.addf %get3A_21, %broadcast_in_dim3A_23 : vector<64x1xf32>
    %swap3A_25 = arith.constant 0 : index
    %swap3A_26 = arith.constant 0 : index
    %swap3A_27 = vector.load %arg4[%swap3A_25, %swap3A_26] : memref<64x1xf32, #tpu.memory_space<vmem>>, vector<64x1xf32>
    tpu.vector_store %arg4[%swap3A_25, %swap3A_26], %add3A_24 {strides = array<i32>} : memref<64x1xf32, #tpu.memory_space<vmem>>, vector<64x1xf32>,
    return
  }
  func.func @transform_0(%arg0: i32) -> (i32, i32) {
    %c0_i32 = arith.constant 0 : i32
    %c0_i32_0 = arith.constant 0 : i32
    return %arg0, %c0_i32 : i32, i32
  }
  func.func @transform_1(%arg0: i32) -> (i32, i32, i32) {
    %c0_i32 = arith.constant 0 : i32
    %c0_i32_0 = arith.constant 0 : i32
    %c0_i32_1 = arith.constant 0 : i32
    return %arg0, %c0_i32, %c0_i32_0 : i32, i32, i32
  }
  func.func @transform_2(%arg0: i32) -> (i32, i32) {
    %c0_i32 = arith.constant 0 : i32
    %c0_i32_0 = arith.constant 0 : i32
    %c0_i32_1 = arith.constant 0 : i32
    return %c0_i32, %c0_i32_0 : i32, i32
  }
  func.func @transform_3(%arg0: i32) -> (i32, i32) {
    %c0_i32 = arith.constant 0 : i32
    %c0_i32_0 = arith.constant 0 : i32
    %c0_i32_1 = arith.constant 0 : i32
    return %c0_i32, %c0_i32_0 : i32, i32
  }
}

module attributes {stable_mosaic.version = 14 : i64} {
  func.func @_div_body(%arg0: memref<64x256xf32, #tpu.memory_space<vmem>>, %arg1: memref<64x1xf32, #tpu.memory_space<vmem>>, %arg2: memref<64x256xf32, #tpu.memory_space<vmem>>) attributes {dimension_semantics = [], scalar_prefetch = 0 : i64, scratch_operands = 0 : i64, tpu.core_type = #tpu.core_type<tc>} {
    %get3A = arith.constant 0 : index
    %get3A_0 = arith.constant 0 : index
    %get3A_1 = vector.load %arg0[%get3A, %get3A_0] : memref<64x256xf32, #tpu.memory_space<vmem>>, vector<64x256xf32>
    %get3A_2 = arith.constant 0 : index
    %get3A_3 = arith.constant 0 : index
    %get3A_4 = vector.load %arg1[%get3A_2, %get3A_3] : memref<64x1xf32, #tpu.memory_space<vmem>>, vector<64x1xf32>
    %max3A = arith.constant 1.000000e+00 : f32
    %max3A_5 = vector.broadcast %max3A : f32 to vector<64x1xf32>
    %max3A_6 = arith.maximumf %get3A_4, %max3A_5 : vector<64x1xf32>
    %div3A = vector.broadcast %max3A_6 : vector<64x1xf32> to vector<64x256xf32>
    %div3A_7 = arith.divf %get3A_1, %div3A : vector<64x256xf32>
    %swap3A = arith.constant 0 : index
    %swap3A_8 = arith.constant 0 : index
    %swap3A_9 = vector.load %arg2[%swap3A, %swap3A_8] : memref<64x256xf32, #tpu.memory_space<vmem>>, vector<64x256xf32>
    tpu.vector_store %arg2[%swap3A, %swap3A_8], %div3A_7 {strides = array<i32>} : memref<64x256xf32, #tpu.memory_space<vmem>>, vector<64x256xf32>,
    return
  }
}

module attributes {stable_mosaic.version = 14 : i64} {
  func.func @_ro_context_body(%arg0: i32, %arg1: memref<1000x256xf32, #tpu.memory_space<vmem>>, %arg2: memref<1000x1xi32, #tpu.memory_space<vmem>>, %arg3: memref<1x1x1000xi32, #tpu.memory_space<vmem>>, %arg4: memref<64x256xf32, #tpu.memory_space<vmem>>, %arg5: memref<256x1xf32, #tpu.memory_space<vmem>>, %arg6: memref<1x1xf32, #tpu.memory_space<vmem>>, %arg7: memref<64x256xf32, #tpu.memory_space<vmem>>) attributes {dimension_semantics = [#tpu.dimension_semantics<arbitrary>], iteration_bounds = array<i64: 10>, scalar_prefetch = 0 : i64, scratch_operands = 0 : i64, tpu.core_type = #tpu.core_type<tc>, window_params = [{transform_indices = @transform_0, window_bounds = array<i64: 1000, 256>}, {transform_indices = @transform_1, window_bounds = array<i64: 1000, 1>}, {transform_indices = @transform_2, window_bounds = array<i64: 1, 1, 1000>}, {pipeline_mode = #tpu.pipeline_mode<synchronous>, transform_indices = @transform_3, window_bounds = array<i64: 64, 256>}, {pipeline_mode = #tpu.pipeline_mode<synchronous>, transform_indices = @transform_4, window_bounds = array<i64: 256, 1>}, {pipeline_mode = #tpu.pipeline_mode<synchronous>, transform_indices = @transform_5, window_bounds = array<i64: 1, 1>}, {pipeline_mode = #tpu.pipeline_mode<synchronous>, transform_indices = @transform_6, window_bounds = array<i64: 64, 256>}]} {
    %eq3A = arith.constant 0 : i32
    %eq3A_0 = arith.cmpi eq, %arg0, %eq3A : i32
    %convert_element_type3A = arith.extui %eq3A_0 : i1 to i32
    %cond3A = arith.constant 0 : i32
    %cond3A_1 = arith.cmpi ne, %convert_element_type3A, %cond3A : i32
    scf.if %cond3A_1 {
      %broadcast_in_dim3A_54 = arith.constant 0.000000e+00 : f32
      %broadcast_in_dim3A_55 = vector.broadcast %broadcast_in_dim3A_54 : f32 to vector<64x256xf32>
      %swap3A_56 = arith.constant 0 : index
      %swap3A_57 = arith.constant 0 : index
      %swap3A_58 = vector.load %arg7[%swap3A_56, %swap3A_57] : memref<64x256xf32, #tpu.memory_space<vmem>>, vector<64x256xf32>
      tpu.vector_store %arg7[%swap3A_56, %swap3A_57], %broadcast_in_dim3A_55 {strides = array<i32>} : memref<64x256xf32, #tpu.memory_space<vmem>>, vector<64x256xf32>,
    } else {
    }
    %get3A = arith.constant 0 : index
    %get3A_2 = arith.constant 0 : index
    %get3A_3 = vector.load %arg1[%get3A, %get3A_2] : memref<1000x256xf32, #tpu.memory_space<vmem>>, vector<1000x256xf32>
    %get3A_4 = arith.constant 0 : index
    %get3A_5 = arith.constant 0 : index
    %get3A_6 = vector.load %arg2[%get3A_4, %get3A_5] : memref<1000x1xi32, #tpu.memory_space<vmem>>, vector<1000x1xi32>
    %iota3A = tpu.iota {dimensions = array<i32: 1>} : vector<1000x64xi32>
    %eq3A_7 = vector.broadcast %get3A_6 : vector<1000x1xi32> to vector<1000x64xi32>
    %eq3A_8 = arith.cmpi eq, %eq3A_7, %iota3A : vector<1000x64xi32>
    %jit3A = arith.constant 1.000000e+00 : f32
    %jit3A_9 = arith.constant 0.000000e+00 : f32
    %broadcast_in_dim3A = vector.broadcast %jit3A : f32 to vector<1000x64xf32>
    %broadcast_in_dim3A_10 = vector.broadcast %jit3A_9 : f32 to vector<1000x64xf32>
    %select_n3A = arith.select %eq3A_8, %broadcast_in_dim3A, %broadcast_in_dim3A_10 : vector<1000x64xi1>, vector<1000x64xf32>
    %get3A_11 = arith.constant 0 : index
    %get3A_12 = arith.constant 0 : index
    %get3A_13 = arith.constant 0 : index
    %get3A_14 = vector.load %arg3[%get3A_11, %get3A_12, %get3A_13] : memref<1x1x1000xi32, #tpu.memory_space<vmem>>, vector<1x1x1000xi32>
    %get3A_15 = vector.shape_cast %get3A_14 : vector<1x1x1000xi32> to vector<1x1000xi32>
    %iota3A_16 = tpu.iota {dimensions = array<i32: 0>} : vector<64x1000xi32>
    %eq3A_17 = vector.broadcast %get3A_15 : vector<1x1000xi32> to vector<64x1000xi32>
    %eq3A_18 = arith.cmpi eq, %eq3A_17, %iota3A_16 : vector<64x1000xi32>
    %jit3A_19 = arith.constant 1.000000e+00 : f32
    %jit3A_20 = arith.constant 0.000000e+00 : f32
    %broadcast_in_dim3A_21 = vector.broadcast %jit3A_19 : f32 to vector<64x1000xf32>
    %broadcast_in_dim3A_22 = vector.broadcast %jit3A_20 : f32 to vector<64x1000xf32>
    %select_n3A_23 = arith.select %eq3A_18, %broadcast_in_dim3A_21, %broadcast_in_dim3A_22 : vector<64x1000xi1>, vector<64x1000xf32>
    %get3A_24 = arith.constant 0 : index
    %get3A_25 = arith.constant 0 : index
    %get3A_26 = vector.load %arg4[%get3A_24, %get3A_25] : memref<64x256xf32, #tpu.memory_space<vmem>>, vector<64x256xf32>
    %dot_general3A = arith.constant dense<0.000000e+00> : vector<1000x256xf32>
    %dot_general3A_27 = tpu.matmul %select_n3A, %get3A_26, %dot_general3A {dimension_numbers = #tpu.dot_dimension_numbers<[1], [0], [0], [1], [0, 0, 1, 1], [], []>, precision = #tpu.contract_precision<fp32>, transpose_lhs_hint = false} : vector<1000x64xf32>, vector<64x256xf32>, vector<1000x256xf32> -> vector<1000x256xf32>
    %mul3A = arith.mulf %get3A_3, %dot_general3A_27 : vector<1000x256xf32>
    %get3A_28 = arith.constant 0 : index
    %get3A_29 = arith.constant 0 : index
    %get3A_30 = vector.load %arg5[%get3A_28, %get3A_29] : memref<256x1xf32, #tpu.memory_space<vmem>>, vector<256x1xf32>
    %dot_general3A_31 = arith.constant dense<0.000000e+00> : vector<1000x1xf32>
    %dot_general3A_32 = tpu.matmul %mul3A, %get3A_30, %dot_general3A_31 {dimension_numbers = #tpu.dot_dimension_numbers<[1], [0], [0], [1], [0, 0, 1, 1], [], []>, precision = #tpu.contract_precision<fp32>, transpose_lhs_hint = false} : vector<1000x256xf32>, vector<256x1xf32>, vector<1000x1xf32> -> vector<1000x1xf32>
    %get3A_33 = arith.constant 0 : index
    %get3A_34 = arith.constant 0 : index
    %get3A_35 = vector.load %arg6[%get3A_33, %get3A_34] : memref<1x1xf32, #tpu.memory_space<vmem>>, vector<1x1xf32>
    %add3A = vector.broadcast %get3A_35 : vector<1x1xf32> to vector<1000x1xf32>
    %add3A_36 = arith.addf %dot_general3A_32, %add3A : vector<1000x1xf32>
    %neg3A = arith.constant 0.000000e+00 : f32
    %neg3A_37 = vector.broadcast %neg3A : f32 to vector<1000x1xf32>
    %neg3A_38 = arith.subf %neg3A_37, %add3A_36 : vector<1000x1xf32>
    %exp3A = math.exp %neg3A_38 : vector<1000x1xf32>
    %add3A_39 = arith.constant 1.000000e+00 : f32
    %add3A_40 = vector.broadcast %add3A_39 : f32 to vector<1000x1xf32>
    %add3A_41 = arith.addf %add3A_40, %exp3A : vector<1000x1xf32>
    %div3A = arith.constant 1.000000e+00 : f32
    %div3A_42 = vector.broadcast %div3A : f32 to vector<1000x1xf32>
    %div3A_43 = arith.divf %div3A_42, %add3A_41 : vector<1000x1xf32>
    %get3A_44 = arith.constant 0 : index
    %get3A_45 = arith.constant 0 : index
    %get3A_46 = vector.load %arg7[%get3A_44, %get3A_45] : memref<64x256xf32, #tpu.memory_space<vmem>>, vector<64x256xf32>
    %mul3A_47 = vector.broadcast %div3A_43 : vector<1000x1xf32> to vector<1000x256xf32>
    %mul3A_48 = arith.mulf %mul3A_47, %get3A_3 : vector<1000x256xf32>
    %dot_general3A_49 = arith.constant dense<0.000000e+00> : vector<64x256xf32>
    %dot_general3A_50 = tpu.matmul %select_n3A_23, %mul3A_48, %dot_general3A_49 {dimension_numbers = #tpu.dot_dimension_numbers<[1], [0], [0], [1], [0, 0, 1, 1], [], []>, precision = #tpu.contract_precision<fp32>, transpose_lhs_hint = false} : vector<64x1000xf32>, vector<1000x256xf32>, vector<64x256xf32> -> vector<64x256xf32>
    %add3A_51 = arith.addf %get3A_46, %dot_general3A_50 : vector<64x256xf32>
    %swap3A = arith.constant 0 : index
    %swap3A_52 = arith.constant 0 : index
    %swap3A_53 = vector.load %arg7[%swap3A, %swap3A_52] : memref<64x256xf32, #tpu.memory_space<vmem>>, vector<64x256xf32>
    tpu.vector_store %arg7[%swap3A, %swap3A_52], %add3A_51 {strides = array<i32>} : memref<64x256xf32, #tpu.memory_space<vmem>>, vector<64x256xf32>,
    return
  }
  func.func @transform_0(%arg0: i32) -> (i32, i32) {
    %c0_i32 = arith.constant 0 : i32
    %c0_i32_0 = arith.constant 0 : i32
    return %arg0, %c0_i32 : i32, i32
  }
  func.func @transform_1(%arg0: i32) -> (i32, i32) {
    %c0_i32 = arith.constant 0 : i32
    %c0_i32_0 = arith.constant 0 : i32
    return %arg0, %c0_i32 : i32, i32
  }
  func.func @transform_2(%arg0: i32) -> (i32, i32, i32) {
    %c0_i32 = arith.constant 0 : i32
    %c0_i32_0 = arith.constant 0 : i32
    %c0_i32_1 = arith.constant 0 : i32
    return %arg0, %c0_i32, %c0_i32_0 : i32, i32, i32
  }
  func.func @transform_3(%arg0: i32) -> (i32, i32) {
    %c0_i32 = arith.constant 0 : i32
    %c0_i32_0 = arith.constant 0 : i32
    %c0_i32_1 = arith.constant 0 : i32
    return %c0_i32, %c0_i32_0 : i32, i32
  }
  func.func @transform_4(%arg0: i32) -> (i32, i32) {
    %c0_i32 = arith.constant 0 : i32
    %c0_i32_0 = arith.constant 0 : i32
    %c0_i32_1 = arith.constant 0 : i32
    return %c0_i32, %c0_i32_0 : i32, i32
  }
  func.func @transform_5(%arg0: i32) -> (i32, i32) {
    %c0_i32 = arith.constant 0 : i32
    %c0_i32_0 = arith.constant 0 : i32
    %c0_i32_1 = arith.constant 0 : i32
    return %c0_i32, %c0_i32_0 : i32, i32
  }
  func.func @transform_6(%arg0: i32) -> (i32, i32) {
    %c0_i32 = arith.constant 0 : i32
    %c0_i32_0 = arith.constant 0 : i32
    %c0_i32_1 = arith.constant 0 : i32
    return %c0_i32, %c0_i32_0 : i32, i32
  }
}

module attributes {stable_mosaic.version = 14 : i64} {
  func.func @_gru_body(%arg0: memref<64x256xf32, #tpu.memory_space<vmem>>, %arg1: memref<64x256xf32, #tpu.memory_space<vmem>>, %arg2: memref<256x256xf32, #tpu.memory_space<vmem>>, %arg3: memref<256x256xf32, #tpu.memory_space<vmem>>, %arg4: memref<256x256xf32, #tpu.memory_space<vmem>>, %arg5: memref<1x256xf32, #tpu.memory_space<vmem>>, %arg6: memref<1x256xf32, #tpu.memory_space<vmem>>, %arg7: memref<1x256xf32, #tpu.memory_space<vmem>>, %arg8: memref<256x256xf32, #tpu.memory_space<vmem>>, %arg9: memref<256x256xf32, #tpu.memory_space<vmem>>, %arg10: memref<256x256xf32, #tpu.memory_space<vmem>>, %arg11: memref<1x256xf32, #tpu.memory_space<vmem>>, %arg12: memref<1x256xf32, #tpu.memory_space<vmem>>, %arg13: memref<1x256xf32, #tpu.memory_space<vmem>>, %arg14: memref<256x1xf32, #tpu.memory_space<vmem>>, %arg15: memref<1x1xf32, #tpu.memory_space<vmem>>, %arg16: memref<64x256xf32, #tpu.memory_space<vmem>>, %arg17: memref<64x1xf32, #tpu.memory_space<vmem>>) attributes {dimension_semantics = [], scalar_prefetch = 0 : i64, scratch_operands = 0 : i64, tpu.core_type = #tpu.core_type<tc>} {
    %get3A = arith.constant 0 : index
    %get3A_0 = arith.constant 0 : index
    %get3A_1 = vector.load %arg1[%get3A, %get3A_0] : memref<64x256xf32, #tpu.memory_space<vmem>>, vector<64x256xf32>
    %get3A_2 = arith.constant 0 : index
    %get3A_3 = arith.constant 0 : index
    %get3A_4 = vector.load %arg0[%get3A_2, %get3A_3] : memref<64x256xf32, #tpu.memory_space<vmem>>, vector<64x256xf32>
    %get3A_5 = arith.constant 0 : index
    %get3A_6 = arith.constant 0 : index
    %get3A_7 = vector.load %arg2[%get3A_5, %get3A_6] : memref<256x256xf32, #tpu.memory_space<vmem>>, vector<256x256xf32>
    %dot_general3A = arith.constant dense<0.000000e+00> : vector<64x256xf32>
    %dot_general3A_8 = tpu.matmul %get3A_4, %get3A_7, %dot_general3A {dimension_numbers = #tpu.dot_dimension_numbers<[1], [0], [0], [1], [0, 0, 1, 1], [], []>, precision = #tpu.contract_precision<fp32>, transpose_lhs_hint = false} : vector<64x256xf32>, vector<256x256xf32>, vector<64x256xf32> -> vector<64x256xf32>
    %get3A_9 = arith.constant 0 : index
    %get3A_10 = arith.constant 0 : index
    %get3A_11 = vector.load %arg5[%get3A_9, %get3A_10] : memref<1x256xf32, #tpu.memory_space<vmem>>, vector<1x256xf32>
    %add3A = vector.broadcast %get3A_11 : vector<1x256xf32> to vector<64x256xf32>
    %add3A_12 = arith.addf %dot_general3A_8, %add3A : vector<64x256xf32>
    %get3A_13 = arith.constant 0 : index
    %get3A_14 = arith.constant 0 : index
    %get3A_15 = vector.load %arg3[%get3A_13, %get3A_14] : memref<256x256xf32, #tpu.memory_space<vmem>>, vector<256x256xf32>
    %dot_general3A_16 = arith.constant dense<0.000000e+00> : vector<64x256xf32>
    %dot_general3A_17 = tpu.matmul %get3A_4, %get3A_15, %dot_general3A_16 {dimension_numbers = #tpu.dot_dimension_numbers<[1], [0], [0], [1], [0, 0, 1, 1], [], []>, precision = #tpu.contract_precision<fp32>, transpose_lhs_hint = false} : vector<64x256xf32>, vector<256x256xf32>, vector<64x256xf32> -> vector<64x256xf32>
    %get3A_18 = arith.constant 0 : index
    %get3A_19 = arith.constant 0 : index
    %get3A_20 = vector.load %arg6[%get3A_18, %get3A_19] : memref<1x256xf32, #tpu.memory_space<vmem>>, vector<1x256xf32>
    %add3A_21 = vector.broadcast %get3A_20 : vector<1x256xf32> to vector<64x256xf32>
    %add3A_22 = arith.addf %dot_general3A_17, %add3A_21 : vector<64x256xf32>
    %get3A_23 = arith.constant 0 : index
    %get3A_24 = arith.constant 0 : index
    %get3A_25 = vector.load %arg4[%get3A_23, %get3A_24] : memref<256x256xf32, #tpu.memory_space<vmem>>, vector<256x256xf32>
    %dot_general3A_26 = arith.constant dense<0.000000e+00> : vector<64x256xf32>
    %dot_general3A_27 = tpu.matmul %get3A_4, %get3A_25, %dot_general3A_26 {dimension_numbers = #tpu.dot_dimension_numbers<[1], [0], [0], [1], [0, 0, 1, 1], [], []>, precision = #tpu.contract_precision<fp32>, transpose_lhs_hint = false} : vector<64x256xf32>, vector<256x256xf32>, vector<64x256xf32> -> vector<64x256xf32>
    %get3A_28 = arith.constant 0 : index
    %get3A_29 = arith.constant 0 : index
    %get3A_30 = vector.load %arg7[%get3A_28, %get3A_29] : memref<1x256xf32, #tpu.memory_space<vmem>>, vector<1x256xf32>
    %add3A_31 = vector.broadcast %get3A_30 : vector<1x256xf32> to vector<64x256xf32>
    %add3A_32 = arith.addf %dot_general3A_27, %add3A_31 : vector<64x256xf32>
    %get3A_33 = arith.constant 0 : index
    %get3A_34 = arith.constant 0 : index
    %get3A_35 = vector.load %arg8[%get3A_33, %get3A_34] : memref<256x256xf32, #tpu.memory_space<vmem>>, vector<256x256xf32>
    %dot_general3A_36 = arith.constant dense<0.000000e+00> : vector<64x256xf32>
    %dot_general3A_37 = tpu.matmul %get3A_1, %get3A_35, %dot_general3A_36 {dimension_numbers = #tpu.dot_dimension_numbers<[1], [0], [0], [1], [0, 0, 1, 1], [], []>, precision = #tpu.contract_precision<fp32>, transpose_lhs_hint = false} : vector<64x256xf32>, vector<256x256xf32>, vector<64x256xf32> -> vector<64x256xf32>
    %get3A_38 = arith.constant 0 : index
    %get3A_39 = arith.constant 0 : index
    %get3A_40 = vector.load %arg11[%get3A_38, %get3A_39] : memref<1x256xf32, #tpu.memory_space<vmem>>, vector<1x256xf32>
    %add3A_41 = vector.broadcast %get3A_40 : vector<1x256xf32> to vector<64x256xf32>
    %add3A_42 = arith.addf %dot_general3A_37, %add3A_41 : vector<64x256xf32>
    %get3A_43 = arith.constant 0 : index
    %get3A_44 = arith.constant 0 : index
    %get3A_45 = vector.load %arg9[%get3A_43, %get3A_44] : memref<256x256xf32, #tpu.memory_space<vmem>>, vector<256x256xf32>
    %dot_general3A_46 = arith.constant dense<0.000000e+00> : vector<64x256xf32>
    %dot_general3A_47 = tpu.matmul %get3A_1, %get3A_45, %dot_general3A_46 {dimension_numbers = #tpu.dot_dimension_numbers<[1], [0], [0], [1], [0, 0, 1, 1], [], []>, precision = #tpu.contract_precision<fp32>, transpose_lhs_hint = false} : vector<64x256xf32>, vector<256x256xf32>, vector<64x256xf32> -> vector<64x256xf32>
    %get3A_48 = arith.constant 0 : index
    %get3A_49 = arith.constant 0 : index
    %get3A_50 = vector.load %arg12[%get3A_48, %get3A_49] : memref<1x256xf32, #tpu.memory_space<vmem>>, vector<1x256xf32>
    %add3A_51 = vector.broadcast %get3A_50 : vector<1x256xf32> to vector<64x256xf32>
    %add3A_52 = arith.addf %dot_general3A_47, %add3A_51 : vector<64x256xf32>
    %get3A_53 = arith.constant 0 : index
    %get3A_54 = arith.constant 0 : index
    %get3A_55 = vector.load %arg10[%get3A_53, %get3A_54] : memref<256x256xf32, #tpu.memory_space<vmem>>, vector<256x256xf32>
    %dot_general3A_56 = arith.constant dense<0.000000e+00> : vector<64x256xf32>
    %dot_general3A_57 = tpu.matmul %get3A_1, %get3A_55, %dot_general3A_56 {dimension_numbers = #tpu.dot_dimension_numbers<[1], [0], [0], [1], [0, 0, 1, 1], [], []>, precision = #tpu.contract_precision<fp32>, transpose_lhs_hint = false} : vector<64x256xf32>, vector<256x256xf32>, vector<64x256xf32> -> vector<64x256xf32>
    %get3A_58 = arith.constant 0 : index
    %get3A_59 = arith.constant 0 : index
    %get3A_60 = vector.load %arg13[%get3A_58, %get3A_59] : memref<1x256xf32, #tpu.memory_space<vmem>>, vector<1x256xf32>
    %add3A_61 = vector.broadcast %get3A_60 : vector<1x256xf32> to vector<64x256xf32>
    %add3A_62 = arith.addf %dot_general3A_57, %add3A_61 : vector<64x256xf32>
    %add3A_63 = arith.addf %add3A_12, %add3A_42 : vector<64x256xf32>
    %neg3A = arith.constant 0.000000e+00 : f32
    %neg3A_64 = vector.broadcast %neg3A : f32 to vector<64x256xf32>
    %neg3A_65 = arith.subf %neg3A_64, %add3A_63 : vector<64x256xf32>
    %exp3A = math.exp %neg3A_65 : vector<64x256xf32>
    %add3A_66 = arith.constant 1.000000e+00 : f32
    %add3A_67 = vector.broadcast %add3A_66 : f32 to vector<64x256xf32>
    %add3A_68 = arith.addf %add3A_67, %exp3A : vector<64x256xf32>
    %div3A = arith.constant 1.000000e+00 : f32
    %div3A_69 = vector.broadcast %div3A : f32 to vector<64x256xf32>
    %div3A_70 = arith.divf %div3A_69, %add3A_68 : vector<64x256xf32>
    %add3A_71 = arith.addf %add3A_22, %add3A_52 : vector<64x256xf32>
    %neg3A_72 = arith.constant 0.000000e+00 : f32
    %neg3A_73 = vector.broadcast %neg3A_72 : f32 to vector<64x256xf32>
    %neg3A_74 = arith.subf %neg3A_73, %add3A_71 : vector<64x256xf32>
    %exp3A_75 = math.exp %neg3A_74 : vector<64x256xf32>
    %add3A_76 = arith.constant 1.000000e+00 : f32
    %add3A_77 = vector.broadcast %add3A_76 : f32 to vector<64x256xf32>
    %add3A_78 = arith.addf %add3A_77, %exp3A_75 : vector<64x256xf32>
    %div3A_79 = arith.constant 1.000000e+00 : f32
    %div3A_80 = vector.broadcast %div3A_79 : f32 to vector<64x256xf32>
    %div3A_81 = arith.divf %div3A_80, %add3A_78 : vector<64x256xf32>
    %mul3A = arith.mulf %div3A_70, %add3A_62 : vector<64x256xf32>
    %add3A_82 = arith.addf %add3A_32, %mul3A : vector<64x256xf32>
    %tanh3A = math.tanh %add3A_82 : vector<64x256xf32>
    %sub3A = arith.constant 1.000000e+00 : f32
    %sub3A_83 = vector.broadcast %sub3A : f32 to vector<64x256xf32>
    %sub3A_84 = arith.subf %sub3A_83, %div3A_81 : vector<64x256xf32>
    %mul3A_85 = arith.mulf %sub3A_84, %tanh3A : vector<64x256xf32>
    %mul3A_86 = arith.mulf %div3A_81, %get3A_1 : vector<64x256xf32>
    %add3A_87 = arith.addf %mul3A_85, %mul3A_86 : vector<64x256xf32>
    %swap3A = arith.constant 0 : index
    %swap3A_88 = arith.constant 0 : index
    %swap3A_89 = vector.load %arg16[%swap3A, %swap3A_88] : memref<64x256xf32, #tpu.memory_space<vmem>>, vector<64x256xf32>
    tpu.vector_store %arg16[%swap3A, %swap3A_88], %add3A_87 {strides = array<i32>} : memref<64x256xf32, #tpu.memory_space<vmem>>, vector<64x256xf32>,
    %get3A_90 = arith.constant 0 : index
    %get3A_91 = arith.constant 0 : index
    %get3A_92 = vector.load %arg14[%get3A_90, %get3A_91] : memref<256x1xf32, #tpu.memory_space<vmem>>, vector<256x1xf32>
    %dot_general3A_93 = arith.constant dense<0.000000e+00> : vector<64x1xf32>
    %dot_general3A_94 = tpu.matmul %add3A_87, %get3A_92, %dot_general3A_93 {dimension_numbers = #tpu.dot_dimension_numbers<[1], [0], [0], [1], [0, 0, 1, 1], [], []>, precision = #tpu.contract_precision<fp32>, transpose_lhs_hint = false} : vector<64x256xf32>, vector<256x1xf32>, vector<64x1xf32> -> vector<64x1xf32>
    %get3A_95 = arith.constant 0 : index
    %get3A_96 = arith.constant 0 : index
    %get3A_97 = vector.load %arg15[%get3A_95, %get3A_96] : memref<1x1xf32, #tpu.memory_space<vmem>>, vector<1x1xf32>
    %add3A_98 = vector.broadcast %get3A_97 : vector<1x1xf32> to vector<64x1xf32>
    %add3A_99 = arith.addf %dot_general3A_94, %add3A_98 : vector<64x1xf32>
    %swap3A_100 = arith.constant 0 : index
    %swap3A_101 = arith.constant 0 : index
    %swap3A_102 = vector.load %arg17[%swap3A_100, %swap3A_101] : memref<64x1xf32, #tpu.memory_space<vmem>>, vector<64x1xf32>
    tpu.vector_store %arg17[%swap3A_100, %swap3A_101], %add3A_99 {strides = array<i32>} : memref<64x1xf32, #tpu.memory_space<vmem>>, vector<64x1xf32>,
    return
  }
}

module attributes {stable_mosaic.version = 14 : i64} {
  func.func @_gru_body(%arg0: memref<64x256xf32, #tpu.memory_space<vmem>>, %arg1: memref<64x256xf32, #tpu.memory_space<vmem>>, %arg2: memref<256x256xf32, #tpu.memory_space<vmem>>, %arg3: memref<256x256xf32, #tpu.memory_space<vmem>>, %arg4: memref<256x256xf32, #tpu.memory_space<vmem>>, %arg5: memref<1x256xf32, #tpu.memory_space<vmem>>, %arg6: memref<1x256xf32, #tpu.memory_space<vmem>>, %arg7: memref<1x256xf32, #tpu.memory_space<vmem>>, %arg8: memref<256x256xf32, #tpu.memory_space<vmem>>, %arg9: memref<256x256xf32, #tpu.memory_space<vmem>>, %arg10: memref<256x256xf32, #tpu.memory_space<vmem>>, %arg11: memref<1x256xf32, #tpu.memory_space<vmem>>, %arg12: memref<1x256xf32, #tpu.memory_space<vmem>>, %arg13: memref<1x256xf32, #tpu.memory_space<vmem>>, %arg14: memref<256x1xf32, #tpu.memory_space<vmem>>, %arg15: memref<1x1xf32, #tpu.memory_space<vmem>>, %arg16: memref<64x256xf32, #tpu.memory_space<vmem>>, %arg17: memref<64x1xf32, #tpu.memory_space<vmem>>) attributes {dimension_semantics = [], scalar_prefetch = 0 : i64, scratch_operands = 0 : i64, tpu.core_type = #tpu.core_type<tc>} {
    %get3A = arith.constant 0 : index
    %get3A_0 = arith.constant 0 : index
    %get3A_1 = vector.load %arg1[%get3A, %get3A_0] : memref<64x256xf32, #tpu.memory_space<vmem>>, vector<64x256xf32>
    %get3A_2 = arith.constant 0 : index
    %get3A_3 = arith.constant 0 : index
    %get3A_4 = vector.load %arg0[%get3A_2, %get3A_3] : memref<64x256xf32, #tpu.memory_space<vmem>>, vector<64x256xf32>
    %get3A_5 = arith.constant 0 : index
    %get3A_6 = arith.constant 0 : index
    %get3A_7 = vector.load %arg2[%get3A_5, %get3A_6] : memref<256x256xf32, #tpu.memory_space<vmem>>, vector<256x256xf32>
    %dot_general3A = arith.constant dense<0.000000e+00> : vector<64x256xf32>
    %dot_general3A_8 = tpu.matmul %get3A_4, %get3A_7, %dot_general3A {dimension_numbers = #tpu.dot_dimension_numbers<[1], [0], [0], [1], [0, 0, 1, 1], [], []>, precision = #tpu.contract_precision<fp32>, transpose_lhs_hint = false} : vector<64x256xf32>, vector<256x256xf32>, vector<64x256xf32> -> vector<64x256xf32>
    %get3A_9 = arith.constant 0 : index
    %get3A_10 = arith.constant 0 : index
    %get3A_11 = vector.load %arg5[%get3A_9, %get3A_10] : memref<1x256xf32, #tpu.memory_space<vmem>>, vector<1x256xf32>
    %add3A = vector.broadcast %get3A_11 : vector<1x256xf32> to vector<64x256xf32>
    %add3A_12 = arith.addf %dot_general3A_8, %add3A : vector<64x256xf32>
    %get3A_13 = arith.constant 0 : index
    %get3A_14 = arith.constant 0 : index
    %get3A_15 = vector.load %arg3[%get3A_13, %get3A_14] : memref<256x256xf32, #tpu.memory_space<vmem>>, vector<256x256xf32>
    %dot_general3A_16 = arith.constant dense<0.000000e+00> : vector<64x256xf32>
    %dot_general3A_17 = tpu.matmul %get3A_4, %get3A_15, %dot_general3A_16 {dimension_numbers = #tpu.dot_dimension_numbers<[1], [0], [0], [1], [0, 0, 1, 1], [], []>, precision = #tpu.contract_precision<fp32>, transpose_lhs_hint = false} : vector<64x256xf32>, vector<256x256xf32>, vector<64x256xf32> -> vector<64x256xf32>
    %get3A_18 = arith.constant 0 : index
    %get3A_19 = arith.constant 0 : index
    %get3A_20 = vector.load %arg6[%get3A_18, %get3A_19] : memref<1x256xf32, #tpu.memory_space<vmem>>, vector<1x256xf32>
    %add3A_21 = vector.broadcast %get3A_20 : vector<1x256xf32> to vector<64x256xf32>
    %add3A_22 = arith.addf %dot_general3A_17, %add3A_21 : vector<64x256xf32>
    %get3A_23 = arith.constant 0 : index
    %get3A_24 = arith.constant 0 : index
    %get3A_25 = vector.load %arg4[%get3A_23, %get3A_24] : memref<256x256xf32, #tpu.memory_space<vmem>>, vector<256x256xf32>
    %dot_general3A_26 = arith.constant dense<0.000000e+00> : vector<64x256xf32>
    %dot_general3A_27 = tpu.matmul %get3A_4, %get3A_25, %dot_general3A_26 {dimension_numbers = #tpu.dot_dimension_numbers<[1], [0], [0], [1], [0, 0, 1, 1], [], []>, precision = #tpu.contract_precision<fp32>, transpose_lhs_hint = false} : vector<64x256xf32>, vector<256x256xf32>, vector<64x256xf32> -> vector<64x256xf32>
    %get3A_28 = arith.constant 0 : index
    %get3A_29 = arith.constant 0 : index
    %get3A_30 = vector.load %arg7[%get3A_28, %get3A_29] : memref<1x256xf32, #tpu.memory_space<vmem>>, vector<1x256xf32>
    %add3A_31 = vector.broadcast %get3A_30 : vector<1x256xf32> to vector<64x256xf32>
    %add3A_32 = arith.addf %dot_general3A_27, %add3A_31 : vector<64x256xf32>
    %get3A_33 = arith.constant 0 : index
    %get3A_34 = arith.constant 0 : index
    %get3A_35 = vector.load %arg8[%get3A_33, %get3A_34] : memref<256x256xf32, #tpu.memory_space<vmem>>, vector<256x256xf32>
    %dot_general3A_36 = arith.constant dense<0.000000e+00> : vector<64x256xf32>
    %dot_general3A_37 = tpu.matmul %get3A_1, %get3A_35, %dot_general3A_36 {dimension_numbers = #tpu.dot_dimension_numbers<[1], [0], [0], [1], [0, 0, 1, 1], [], []>, precision = #tpu.contract_precision<fp32>, transpose_lhs_hint = false} : vector<64x256xf32>, vector<256x256xf32>, vector<64x256xf32> -> vector<64x256xf32>
    %get3A_38 = arith.constant 0 : index
    %get3A_39 = arith.constant 0 : index
    %get3A_40 = vector.load %arg11[%get3A_38, %get3A_39] : memref<1x256xf32, #tpu.memory_space<vmem>>, vector<1x256xf32>
    %add3A_41 = vector.broadcast %get3A_40 : vector<1x256xf32> to vector<64x256xf32>
    %add3A_42 = arith.addf %dot_general3A_37, %add3A_41 : vector<64x256xf32>
    %get3A_43 = arith.constant 0 : index
    %get3A_44 = arith.constant 0 : index
    %get3A_45 = vector.load %arg9[%get3A_43, %get3A_44] : memref<256x256xf32, #tpu.memory_space<vmem>>, vector<256x256xf32>
    %dot_general3A_46 = arith.constant dense<0.000000e+00> : vector<64x256xf32>
    %dot_general3A_47 = tpu.matmul %get3A_1, %get3A_45, %dot_general3A_46 {dimension_numbers = #tpu.dot_dimension_numbers<[1], [0], [0], [1], [0, 0, 1, 1], [], []>, precision = #tpu.contract_precision<fp32>, transpose_lhs_hint = false} : vector<64x256xf32>, vector<256x256xf32>, vector<64x256xf32> -> vector<64x256xf32>
    %get3A_48 = arith.constant 0 : index
    %get3A_49 = arith.constant 0 : index
    %get3A_50 = vector.load %arg12[%get3A_48, %get3A_49] : memref<1x256xf32, #tpu.memory_space<vmem>>, vector<1x256xf32>
    %add3A_51 = vector.broadcast %get3A_50 : vector<1x256xf32> to vector<64x256xf32>
    %add3A_52 = arith.addf %dot_general3A_47, %add3A_51 : vector<64x256xf32>
    %get3A_53 = arith.constant 0 : index
    %get3A_54 = arith.constant 0 : index
    %get3A_55 = vector.load %arg10[%get3A_53, %get3A_54] : memref<256x256xf32, #tpu.memory_space<vmem>>, vector<256x256xf32>
    %dot_general3A_56 = arith.constant dense<0.000000e+00> : vector<64x256xf32>
    %dot_general3A_57 = tpu.matmul %get3A_1, %get3A_55, %dot_general3A_56 {dimension_numbers = #tpu.dot_dimension_numbers<[1], [0], [0], [1], [0, 0, 1, 1], [], []>, precision = #tpu.contract_precision<fp32>, transpose_lhs_hint = false} : vector<64x256xf32>, vector<256x256xf32>, vector<64x256xf32> -> vector<64x256xf32>
    %get3A_58 = arith.constant 0 : index
    %get3A_59 = arith.constant 0 : index
    %get3A_60 = vector.load %arg13[%get3A_58, %get3A_59] : memref<1x256xf32, #tpu.memory_space<vmem>>, vector<1x256xf32>
    %add3A_61 = vector.broadcast %get3A_60 : vector<1x256xf32> to vector<64x256xf32>
    %add3A_62 = arith.addf %dot_general3A_57, %add3A_61 : vector<64x256xf32>
    %add3A_63 = arith.addf %add3A_12, %add3A_42 : vector<64x256xf32>
    %neg3A = arith.constant 0.000000e+00 : f32
    %neg3A_64 = vector.broadcast %neg3A : f32 to vector<64x256xf32>
    %neg3A_65 = arith.subf %neg3A_64, %add3A_63 : vector<64x256xf32>
    %exp3A = math.exp %neg3A_65 : vector<64x256xf32>
    %add3A_66 = arith.constant 1.000000e+00 : f32
    %add3A_67 = vector.broadcast %add3A_66 : f32 to vector<64x256xf32>
    %add3A_68 = arith.addf %add3A_67, %exp3A : vector<64x256xf32>
    %div3A = arith.constant 1.000000e+00 : f32
    %div3A_69 = vector.broadcast %div3A : f32 to vector<64x256xf32>
    %div3A_70 = arith.divf %div3A_69, %add3A_68 : vector<64x256xf32>
    %add3A_71 = arith.addf %add3A_22, %add3A_52 : vector<64x256xf32>
    %neg3A_72 = arith.constant 0.000000e+00 : f32
    %neg3A_73 = vector.broadcast %neg3A_72 : f32 to vector<64x256xf32>
    %neg3A_74 = arith.subf %neg3A_73, %add3A_71 : vector<64x256xf32>
    %exp3A_75 = math.exp %neg3A_74 : vector<64x256xf32>
    %add3A_76 = arith.constant 1.000000e+00 : f32
    %add3A_77 = vector.broadcast %add3A_76 : f32 to vector<64x256xf32>
    %add3A_78 = arith.addf %add3A_77, %exp3A_75 : vector<64x256xf32>
    %div3A_79 = arith.constant 1.000000e+00 : f32
    %div3A_80 = vector.broadcast %div3A_79 : f32 to vector<64x256xf32>
    %div3A_81 = arith.divf %div3A_80, %add3A_78 : vector<64x256xf32>
    %mul3A = arith.mulf %div3A_70, %add3A_62 : vector<64x256xf32>
    %add3A_82 = arith.addf %add3A_32, %mul3A : vector<64x256xf32>
    %tanh3A = math.tanh %add3A_82 : vector<64x256xf32>
    %sub3A = arith.constant 1.000000e+00 : f32
    %sub3A_83 = vector.broadcast %sub3A : f32 to vector<64x256xf32>
    %sub3A_84 = arith.subf %sub3A_83, %div3A_81 : vector<64x256xf32>
    %mul3A_85 = arith.mulf %sub3A_84, %tanh3A : vector<64x256xf32>
    %mul3A_86 = arith.mulf %div3A_81, %get3A_1 : vector<64x256xf32>
    %add3A_87 = arith.addf %mul3A_85, %mul3A_86 : vector<64x256xf32>
    %swap3A = arith.constant 0 : index
    %swap3A_88 = arith.constant 0 : index
    %swap3A_89 = vector.load %arg16[%swap3A, %swap3A_88] : memref<64x256xf32, #tpu.memory_space<vmem>>, vector<64x256xf32>
    tpu.vector_store %arg16[%swap3A, %swap3A_88], %add3A_87 {strides = array<i32>} : memref<64x256xf32, #tpu.memory_space<vmem>>, vector<64x256xf32>,
    %get3A_90 = arith.constant 0 : index
    %get3A_91 = arith.constant 0 : index
    %get3A_92 = vector.load %arg14[%get3A_90, %get3A_91] : memref<256x1xf32, #tpu.memory_space<vmem>>, vector<256x1xf32>
    %dot_general3A_93 = arith.constant dense<0.000000e+00> : vector<64x1xf32>
    %dot_general3A_94 = tpu.matmul %add3A_87, %get3A_92, %dot_general3A_93 {dimension_numbers = #tpu.dot_dimension_numbers<[1], [0], [0], [1], [0, 0, 1, 1], [], []>, precision = #tpu.contract_precision<fp32>, transpose_lhs_hint = false} : vector<64x256xf32>, vector<256x1xf32>, vector<64x1xf32> -> vector<64x1xf32>
    %get3A_95 = arith.constant 0 : index
    %get3A_96 = arith.constant 0 : index
    %get3A_97 = vector.load %arg15[%get3A_95, %get3A_96] : memref<1x1xf32, #tpu.memory_space<vmem>>, vector<1x1xf32>
    %add3A_98 = vector.broadcast %get3A_97 : vector<1x1xf32> to vector<64x1xf32>
    %add3A_99 = arith.addf %dot_general3A_94, %add3A_98 : vector<64x1xf32>
    %swap3A_100 = arith.constant 0 : index
    %swap3A_101 = arith.constant 0 : index
    %swap3A_102 = vector.load %arg17[%swap3A_100, %swap3A_101] : memref<64x1xf32, #tpu.memory_space<vmem>>, vector<64x1xf32>
    tpu.vector_store %arg17[%swap3A_100, %swap3A_101], %add3A_99 {strides = array<i32>} : memref<64x1xf32, #tpu.memory_space<vmem>>, vector<64x1xf32>,
    return
  }
}

</mosaic_0001>

<sc_bundles>
// kernel: kernel.18.cloned.1.call-start
scs
__scs_entry_jumppad:
0x0: {  	(pc) =	sbr.rel $0x88, $3  }
0x1: {  	(tag) =	ssettag $0x0;
	lr =	simm.s32 $0x1  }
0x2: {  	[smem:$0x3F85] =	sst lr;
	_ =	strace $0xD0000000  }
0x3: {  	_ = 	snop  }
0x4: {  	_ = 	snop  }
0x5: {  	_ = 	snop  }
0x6: {  	_ = 	snop  }
0x7: {  	_ = 	snop  }
__scs_overlays_trampoline_lowered:
0x8: {  	[smem:$0x3F94] =	sst s0  }
0x9: {  	[smem:$0x3F95] =	sst s1  }
0xa: {  	[smem:$0x3F96] =	sst s2  }
0xb: {  	[smem:$0x3F97] =	sst s3  }
0xc: {  	[smem:$0x3F98] =	sst s4  }
0xd: {  	[smem:$0x3F99] =	sst s5  }
0xe: {  	[smem:$0x3F9A] =	sst s6  }
0xf: {  	[smem:$0x3F9B] =	sst s7  }
0x10: {  	[smem:$0x3F9C] =	sst s8  }
0x11: {  	[smem:$0x3F9D] =	sst s9;
	s0 =	simm.s32 @!p0 $0x0  }
0x12: {  	s1 =	sld [smem:$0x3F83];
	s0 =	simm.s32 @p0 $0x1  }
0x13: {  	[smem:$0x3F9E] =	sst s0;
	s0 =	simm.s32 @!p1 $0x0  }
0x14: {  	s2 =	sld [smem:$0x3F82];
	s0 =	simm.s32 @p1 $0x1  }
0x15: {  	[smem:$0x3F9F] =	sst s0;
	s0 =	simm.s32 @!p2 $0x0  }
0x16: {  	s3 =	sld [smem:$0x3FDB];
	s0 =	simm.s32 @p2 $0x1  }
0x17: {  	s4 =	simm.s32 $0x1BF5;
	[smem:$0x3FA1] =	sst s0  }
0x18: {  	s0 =	sld [smem:$0x3F84];
	_ =	swait.ge [sflag:s4], $0x0  }
0x19: {  	s7 =	sld [smem:$0x3F85]  }
0x1a: {  	s8 =	sadd.s32 $0xFFFFE003, lr  }
0x1b: {  	s9 =	sadd.s32 $0xFFFFFEF7, lr;
	s5 =	simm.s32 $0xFFFFFFFF;
	p2 =	slt.u32 s8, $0xFFFFF086  }
0x1c: {  	p1 =	slt.u32 s9, $0xF7A;
	s5 =	simm.s32 @!p2 $0x0  }
0x1d: {  	s5 =	simm.s32 @p1 $0x1;
	p0 =	seq.s32 s7, s2  }
0x1e: {  	s7 =	smul.u32 @!p0 $0xF7A, s2;
	p2 =	seq.s32 @!p0 s5, $0x0  }
0x1f: {  	s9 =	smul.u32 $0xF7A, s1;
	s8 =	simm.s32 @!p0 $0x1BF5;
	p2 =	por !p2, p0  }
0x20: {  	[sflag:s8] =	ssyncset.s32 @!p0 $0xFFFFF086;
	s6 =	sadd.s32 @!p0 s3, s7;
	s7 =	simm.s32 @!p0 $0x108  }
0x21: {  	s3 =	sadd.s32 s3, s9;
	s6 =	sadd.s32 @!p0 $0x88, s6;
	s7 =	simm.s32 @p2 $0x1082  }
0x22: {  	[simem:s7], [sflag:s8] =	dma.local @!p0 [hbm:s6], $0xF7A  }
0x23: {  	s9 =	sor.u32 $0xD0000000, s2;
	s6 =	simm.s32 $0x108;
	_ =	swait.ge @!p0 [sflag:s8], $0x0  }
0x24: {  	s3 =	sadd.s32 $0x88, s3;
	s6 =	simm.s32 @!p1 $0x1082;
	[sflag:s4] =	ssyncset.s32 $0xFFFFF086  }
0x25: {  	[simem:s6], [sflag:s4] =	dma.local [hbm:s3], $0xF7A  }
0x26: {  	[smem:$0x3F85] =	sst s1;
	(tag) =	ssettag s2;
	_ =	strace s9  }
0x27: {  	s1 =	sld [smem:$0x3F95]  }
0x28: {  	s2 =	sld [smem:$0x3F96]  }
0x29: {  	s4 =	sld [smem:$0x3F98]  }
0x2a: {  	p0 =	seq.s32 s5, $0x0;
	s5 =	sld [smem:$0x3F99]  }
0x2b: {  	s6 =	sld [smem:$0x3F9A]  }
0x2c: {  	s7 =	sld [smem:$0x3F9B]  }
0x2d: {  	s3 =	simm.s32 $0x108;
	s8 =	sld [smem:$0x3F9C]  }
0x2e: {  	s3 =	simm.s32 @!p0 $0x1082;
	s9 =	sld [smem:$0x3F9D]  }
0x2f: {  	lr =	sadd.s32 s0, s3;
	s0 =	sld [smem:$0x3F94]  }
0x30: {  	s3 =	sld [smem:$0x3F97]  }
0x31: {  	[smem:$0x3FA0] =	sst s10  }
0x32: {  	s10 =	sld [smem:$0x3F9E];
	_ =	sdelay $0x3  }
0x33: {  	p0 =	seq.s32 s10, $0x1;
	s10 =	sld [smem:$0x3FA0];
	_ =	sdelay $0x3  }
0x34: {  	[smem:$0x3FA0] =	sst s10  }
0x35: {  	s10 =	sld [smem:$0x3F9F];
	_ =	sdelay $0x3  }
0x36: {  	p1 =	seq.s32 s10, $0x1;
	s10 =	sld [smem:$0x3FA0];
	_ =	sdelay $0x3  }
0x37: {  	[smem:$0x3FA0] =	sst s10  }
0x38: {  	s10 =	sld [smem:$0x3FA1]  }
0x39: {  	_ = 	snop;
	(pc) =	sbr.ind lr, $3  }
0x3a: {  	_ = 	snop  }
0x3b: {  	_ = 	snop  }
0x3c: {  	p2 =	seq.s32 s10, $0x1;
	s10 =	sld [smem:$0x3FA0]  }
0x3d: {  	_ =	shalt  }
0x3e: {  	_ =	shalt  }
0x3f: {  	_ =	shalt  }
0x40: {  	_ =	shalt  }
0x41: {  	_ =	shalt  }
0x42: {  	_ =	shalt  }
0x43: {  	_ =	shalt  }
0x44: {  	_ =	shalt  }
0x45: {  	_ =	shalt  }
0x46: {  	_ =	shalt  }
0x47: {  	_ =	shalt  }
0x48: {  	_ =	shalt  }
0x49: {  	_ =	shalt  }
0x4a: {  	_ =	shalt  }
0x4b: {  	_ =	shalt  }
0x4c: {  	_ =	shalt  }
0x4d: {  	_ =	shalt  }
0x4e: {  	_ =	shalt  }
0x4f: {  	_ =	shalt  }
0x50: {  	_ =	shalt  }
0x51: {  	_ =	shalt  }
0x52: {  	_ =	shalt  }
0x53: {  	_ =	shalt  }
0x54: {  	_ =	shalt  }
0x55: {  	_ =	shalt  }
0x56: {  	_ =	shalt  }
0x57: {  	_ =	shalt  }
0x58: {  	_ =	shalt  }
0x59: {  	_ =	shalt  }
0x5a: {  	_ =	shalt  }
0x5b: {  	_ =	shalt  }
0x5c: {  	_ =	shalt  }
0x5d: {  	_ =	shalt  }
0x5e: {  	_ =	shalt  }
0x5f: {  	_ =	shalt  }
0x60: {  	_ =	shalt  }
0x61: {  	_ =	shalt  }
0x62: {  	_ =	shalt  }
0x63: {  	_ =	shalt  }
0x64: {  	_ =	shalt  }
0x65: {  	_ =	shalt  }
0x66: {  	_ =	shalt  }
0x67: {  	_ =	shalt  }
0x68: {  	_ =	shalt  }
0x69: {  	_ =	shalt  }
0x6a: {  	_ =	shalt  }
0x6b: {  	_ =	shalt  }
0x6c: {  	_ =	shalt  }
0x6d: {  	_ =	shalt  }
0x6e: {  	_ =	shalt  }
0x6f: {  	_ =	shalt  }
0x70: {  	_ =	shalt  }
0x71: {  	_ =	shalt  }
0x72: {  	_ =	shalt  }
0x73: {  	_ =	shalt  }
0x74: {  	_ =	shalt  }
0x75: {  	_ =	shalt  }
0x76: {  	_ =	shalt  }
0x77: {  	_ =	shalt  }
0x78: {  	_ =	shalt  }
0x79: {  	_ =	shalt  }
0x7a: {  	_ =	shalt  }
0x7b: {  	_ =	shalt  }
0x7c: {  	_ =	shalt  }
0x7d: {  	_ =	shalt  }
0x7e: {  	_ =	shalt  }
0x7f: {  	_ =	shalt  }
0x80: {  	_ =	shalt  }
0x81: {  	_ =	shalt  }
0x82: {  	_ =	shalt  }
0x83: {  	_ =	shalt  }
0x84: {  	_ =	shalt  }
0x85: {  	_ =	shalt  }
0x86: {  	_ =	shalt  }
0x87: {  	_ =	shalt  }
.Lfunc_end0:
.L_simem_size_0:
called_computation_lowered:
.L_overlay_start_0:
0x88: {  	s2 =	sld [smem:$0x3FD9]  }
0x89: {  	s3 =	sld [smem:$0x3FFE];
	_ =	sdelay $0x1  }
0x8a: {  	s1 =	srdreg.scid  }
0x8b: {  	s0 =	sand.u32 $0x1, s1  }
0x8c: {  	s16 =	sshll.u32 s0, $0xA;
	s2 =	sadd.s32 s3, s2  }
0x8d: {  	s2 =	sadd.s32 s2, s16  }
0x8e: {  	[smem:$0x3FAC] =	sst s2  }
0x8f: {  	_ = 	snop  }
0x90: {  	(tm) =	ssettm $0x1  }
0x91: {  	s17 =	sld [smem:$0x3FFB];
	_ =	sdelay $0x3  }
0x92: {  	_ =	strace s17  }
0x93: {  	s2 =	sld [smem:$0x3FFC];
	_ =	sdelay $0x3  }
0x94: {  	_ =	strace s2  }
0x95: {  	s2 =	sld [smem:$0x3FFD];
	_ =	sdelay $0x3  }
0x96: {  	_ =	strace s2  }
0x97: {  	_ =	strace $0x8FFFFFFF  }
0x98: {  	s18 =	sld [smem:$0x3FDB];
	_ =	sdelay $0x1  }
0x99: {  	s19 =	simm.s32 $_scs_section_size  }
0x9a: {  	s4 =	simm.s32 $_size__tile_overlayer_lowered;
	s5 =	simm.s32 $_tile_overlayer_lowered  }
0x9b: {  	s22 =	simm.s32 $0x1BFF;
	s21 =	sshll.u32 s5, $0x1;
	s2 =	sadd.s32 s19, s18  }
0x9c: {  	s6 =	simm.s32 $0x0;
	s20 =	sshll.u32 s4, $0x1;
	s4 =	sadd.s32 s21, s2  }
0x9d: {  	[timem:s6], [sflag:s22] =	dma.local [hbm:s4], s20  }
0x9e: {  	_ =	swait.ge [sflag:s22], s20  }
0x9f: {  	s3 =	ssub.s32 $0x0, s20;
	[sflag:s22] =	ssyncset.done $0x0  }
0xa0: {  	[sflag:s22] =	ssyncadd.s32 s3;
	_ =	sdelay $0x1  }
0xa1: {  	s23 =	simm.s32 $0x1B8B  }
0xa2: {  	_ =	swait.ge [sflag:s23], $0x1  }
0xa3: {  	[sflag:s23] =	ssyncset.done $0x0  }
0xa4: {  	s25 =	simm.s32 $0x1B8E;
	s24 =	sld [smem:$0x3FFE];
	[sflag:s23] =	ssyncadd.s32 $0xFFFFFFFF  }
0xa5: {  	s26 =	simm.s32 $execute0_lowered;
	[smem:$0x3FD2] =	sst s25  }
0xa6: {  	s4 =	sshll.u32 s26, $0x1;
	_ =	strace $0x80000046;
	[dreg:$0x1] =	wrdreg $0xFFFFFFFF  }
0xa7: {  	s28 =	simm.s32 $_size_execute0_lowered;
	s2 =	sadd.s32 s2, s4;
	[dreg:$0x0] =	wrdreg $0x0  }
0xa8: {  	s4 =	sshll.u32 s28, $0x1;
	[dreg:$0x2] =	wrdreg s2  }
0xa9: {  	[dreg:$0x3] =	wrdreg s4  }
0xaa: {  	[dreg:$0x4] =	wrdreg $0xC0  }
0xab: {  	_ =	task [dreg:s6], $0x5FFFF  }
0xac: {  	[dreg:$0x1] =	wrdreg $0xFFFFFFFF  }
0xad: {  	[dreg:$0x0] =	wrdreg $0x60  }
0xae: {  	[dreg:$0x2] =	wrdreg s24  }
0xaf: {  	[dreg:$0x3] =	wrdreg $0x9  }
0xb0: {  	_ =	task.clear_ibuf [dreg:s6], $0x4FFFF;
	_ =	strace $0x90000046  }
0xb1: {  	s29 =	simm.s32 $0x9;
	_ =	strace $0x80000048  }
0xb2: {  	_ =	swait.ge [sflag:s29], $0x1  }
0xb3: {  	[sflag:s29] =	ssyncadd.s32 $0xFFFFFFFF  }
0xb4: {  	_ =	strace $0x90000048  }
0xb5: {  	_ =	sfence  }
0xb6: {  	s30 =	sld [smem:$0x0];
	_ =	sdelay $0x2  }
0xb7: {  	s31 =	sshll.u32 s1, $0xD;
	s1 =	sshrl.u32 s1, $0x2  }
0xb8: {  	s3 =	sand.u32 $0x4000, s31;
	s1 =	sadd.s32 s1, s30  }
0xb9: {  	s0 =	sor.u32 s3, s0;
	s1 =	sshll.u32 s1, $0x11  }
0xba: {  	s0 =	sor.u32 s1, s0  }
0xbb: {  	s0 =	sadd.s32 $0x8F2B, s0  }
0xbc: {  	[sflag:s0] =	ssyncadd.remote.s32 $0x1  }
0xbd: {  	_ =	sfence.sel $0xFFFF  }
0xbe: {  	[dreg:$0x0] =	wrdreg $0xFFFFFFFF;
	(pc) =	sbr.abs _section_cstart, $3  }
0xbf: {  	[dreg:$0x1] =	wrdreg $0xFFFFFFFF  }
0xc0: {  	_ =	task.clear_ibuf [dreg:s6], $0x2FFFF;
	_ =	strace $0x9FFFFFFF  }
0xc1: {  	(tm) =	ssettm $0x7FFFFFFF  }
tec
execute0_lowered:
.L_overlay_start_1:
0x0: {  	(tag) =	ssettag $0x1  }
0x1: {  	s8 =	rddreg [dreg:$0x0]  }
0x2: {  	s0 =	rddreg [dreg:$0x1];
	s1 =	simm.s32 $0x0;
	s5 =	srdreg.scid  }
0x3: {  	s12 =	simm.s32 $0x70;
	s13 =	simm.s32 $0xE0;
	s14 =	simm.s32 $0x1  }
0x4: {  	s15 =	simm.s32 $0x2;
	s16 =	simm.s32 $0xF60;
	s17 =	simm.s32 $0x0  }
0x5: {  	[smem:$0x7FF] =	sst s1;
	s2 =	sadd.s32 $0xB2800, s8;
	s3 =	sadd.s32 $0xAD800, s8  }
0x6: {  	s4 =	sadd.s32 $0xB400, s8;
	s9 =	sand.u32 $0x1, s5;
	s6 =	sadd.s32 $0xBC800, s8  }
0x7: {  	s7 =	sadd.s32 $0xB7800, s8;
	s5 =	stileid.u32;
	s10 =	ssub.s32 $0x2, s9  }
0x8: {  	s8 =	sadd.s32 $0xC1800, s8;
	s9 =	sshll.u32 s9, $0x4;
	s11 =	sshrl.u32 s10, $0x1  }
0x9: {  	_ =	strace $0x80000047;
	s9 =	sor.u32 s5, s9;
	s10 =	ssub.s32 s10, s11  }
0xa: {  	s9 =	smul.u32 $0x13B0, s9;
	s11 =	simm.s32 $0x3;
	s10 =	smax.u32 s10, $0x1  }
.LBB2_1:
0xb: {  	s18 =	simm.s32 $0x0  }
.LBB2_2:
0xc: {  	s19 =	smul.u32 $0x70, s18;
	_ =	sdelay $0x1  }
0xd: {  	s19 =	sadd.s32 s9, s19  }
0xe: {  	s19 =	sshrl.u32 s19, $0x3  }
0xf: {  	s20 =	simm.s32 $0x0;
	s21 =	sadd.s32 s6, s19  }
0x10: {  	[tilespmem:s20], [sflag:$0x3] =	stream.linear.gather [hbm4b:s21+s20], $0x70, $0x38;
	[tilespmem:$0xFE0] =	vst v63  }
0x11: {  	_ =	swait.ge [sflag:s11], $0x70  }
0x12: {  	[sflag:s11] =	ssyncset.done $0x0  }
0x13: {  	s30 =	sadd.s32 s7, s19;
	[sflag:s11] =	ssyncadd.s32 $0xFFFFFF90  }
0x14: {  	[tilespmem:s12], [sflag:$0x3] =	stream.linear.gather [hbm4b:s30+s20], $0x70, $0x38;
	[tilespmem:$0xFE0] =	vst v63  }
0x15: {  	_ =	swait.ge [sflag:s11], $0x70  }
0x16: {  	[sflag:s11] =	ssyncset.done $0x0  }
0x17: {  	s31 =	sadd.s32 s4, s19;
	[sflag:s11] =	ssyncadd.s32 $0xFFFFFF90  }
0x18: {  	[tilespmem:s13], [sflag:$0x3] =	stream.linear.gather [hbm4b:s31+s20], $0x70, $0x38;
	[tilespmem:$0xFE0] =	vst v63  }
0x19: {  	_ =	swait.ge [sflag:s11], $0x70  }
0x1a: {  	[sflag:s11] =	ssyncset.done $0x0  }
0x1b: {  	s21 =	simm.s32 $0x160;
	[sflag:s11] =	ssyncadd.s32 $0xFFFFFF90  }
0x1c: {  	[tilespmem:s21], [sflag:$0x1] =	stream.indirect.gather [hbm4b:s2+s12], $0x10, s20, s12, $0xb8;
	[tilespmem:$0xFE0] =	vst v63  }
0x1d: {  	_ =	swait.ge [sflag:s14], $0x700  }
0x1e: {  	[sflag:s14] =	ssyncset.done $0x0  }
0x1f: {  	s22 =	simm.s32 $0x860;
	[sflag:s14] =	ssyncadd.s32 $0xFFFFF900  }
0x20: {  	[tilespmem:s22], [sflag:$0x2] =	stream.indirect.gather [hbm4b:s3+s12], $0x10, s12, s12, $0xb8;
	[tilespmem:$0xFE0] =	vst v63  }
0x21: {  	_ =	swait.ge [sflag:s15], $0x700  }
0x22: {  	[sflag:s15] =	ssyncset.done $0x0  }
0x23: {  	[sflag:s15] =	ssyncadd.s32 $0xFFFFF900  }
0x24: {  	v0 =	vld [tilespmem:s22+$0x0]  }
0x25: {  	s23 =	simm.s32 $0x4;
	v1 =	vld [tilespmem:s21+$0x0]  }
.LBB2_3:
0x26: {  	p0 =	sne.s32 s23, $0x1BC;
	s24 =	sshra.s32 s20, $0x2;
	s20 =	smov.u32 s23  }
0x27: {  	v2 =	vld [tilespmem:s24+$0xE0];
	_ =	sdelay $0x2  }
0x28: {  	v0 =	vadd.f32 v0, v1;
	_ =	sdelay $0x1  }
.Ltmp0:
0x29: {  	v0 =	vadd.f32 v2, v0;
	(pc) =	sbr.rel @p0 .LBB2_3-.Ltmp0, $4  }
0x2a: {  	_ = 	snop  }
0x2b: {  	s22 =	sadd.s32 $0x10, s22;
	[tilespmem:s24+$0xF60] =	vst.msk $0x1, v0  }
0x2c: {  	s21 =	sadd.s32 $0x10, s21;
	v0 =	vld [tilespmem:s22+$0x0]  }
0x2d: {  	s23 =	sadd.s32 $0x4, s23;
	v1 =	vld [tilespmem:s21+$0x0]  }
0x2e: {  	s20 =	sshra.s32 s20, $0x2  }
0x2f: {  	v2 =	vld [tilespmem:s20+$0xE0];
	_ =	sdelay $0x2  }
0x30: {  	v0 =	vadd.f32 v0, v1;
	_ =	sdelay $0x1  }
0x31: {  	s18 =	sadd.s32 $0x1, s18;
	v0 =	vadd.f32 v2, v0  }
0x32: {  	p0 =	sne.s32 s18, $0x2D  }
.Ltmp1:
0x33: {  	s19 =	sadd.s32 s8, s19;
	[tilespmem:s20+$0xF60] =	vst.msk $0x1, v0;
	(pc) =	sbr.rel @p0 .LBB2_2-.Ltmp1, $4  }
0x34: {  	[hbm4b:s19+s1] =	stream.linear.scatter [tilespmem:s16], [sflag:$0x3], $0x70, $0x38;
	[tilespmem:$0xFE0] =	vst v63  }
0x35: {  	_ =	swait.ge [sflag:s11], $0x70  }
0x36: {  	[sflag:s11] =	ssyncset.done $0x0  }
0x37: {  	[sflag:s11] =	ssyncadd.s32 $0xFFFFFF90  }
0x38: {  	s17 =	sadd.s32 $0x1, s17  }
0x39: {  	p0 =	sne.s32 s17, s10  }
.Ltmp2:
0x3a: {  	_ = 	snop;
	(pc) =	sbr.rel @p0 .LBB2_1-.Ltmp2, $1  }
0x3b: {  	_ =	sdelay $0x3  }
0x3c: {  	_ =	sfence.sel $0x180000  }
0x3d: {  	[bflag:$0x0] =	sbarrier.arrive $0xFFFF  }
0x3e: {  	p0 =	sne.s32 s5, $0x0;
	_ =	strace $0x90000047  }
0x3f: {  	s0 =	sadd.s32 @!p0 $0x100000, s0;
	[bflag:$0x2] =	sbarrier.arrive $0xFFFF  }
0x40: {  	[sflag:s0] =	ssyncadd.tile.s32 @!p0 $0x1;
	_ =	shalt  }
.Lfunc_end2:
_tile_overlayer_lowered:
.L_overlay_start_2:
0x41: {  	(tag) =	ssettag $0x2  }
0x42: {  	s0 =	rddreg [dreg:$0x0];
	s2 =	stileid.u32  }
0x43: {  	s1 =	rddreg [dreg:$0x1];
	p0 =	sne.s32 s2, $0x0  }
0x44: {  	s3 =	rddreg [dreg:$0x2];
	[bflag:$0x3] =	sbarrier.arrive $0xFFFF;
	s2 =	simm.s32 @!p0 $0x1C03  }
0x45: {  	[timem:s3], [sflag:s2] =	dma.local @!p0 [hbm:s0], s1  }
0x46: {  	s0 =	simm.s32 @!p0 $0x3  }
0x47: {  	_ =	swait.ge @!p0 [sflag:s0], s1  }
0x48: {  	s1 =	ssub.s32 @!p0 $0x0, s1;
	[sflag:s0] =	ssyncset.done @!p0 $0x0  }
0x49: {  	[sflag:s0] =	ssyncadd.s32 @!p0 s1  }
0x4a: {  	[bflag:$0x3] =	sbarrier.arrive $0xFFFF  }
0x4b: {  	_ =	shalt  }

// kernel: kernel.21.cloned.1.call-start
scs
__scs_entry_jumppad:
0x0: {  	(pc) =	sbr.rel $0x88, $3  }
0x1: {  	(tag) =	ssettag $0x0;
	lr =	simm.s32 $0x1  }
0x2: {  	[smem:$0x3F85] =	sst lr;
	_ =	strace $0xD0000000  }
0x3: {  	_ = 	snop  }
0x4: {  	_ = 	snop  }
0x5: {  	_ = 	snop  }
0x6: {  	_ = 	snop  }
0x7: {  	_ = 	snop  }
__scs_overlays_trampoline_lowered:
0x8: {  	[smem:$0x3F94] =	sst s0  }
0x9: {  	[smem:$0x3F95] =	sst s1  }
0xa: {  	[smem:$0x3F96] =	sst s2  }
0xb: {  	[smem:$0x3F97] =	sst s3  }
0xc: {  	[smem:$0x3F98] =	sst s4  }
0xd: {  	[smem:$0x3F99] =	sst s5  }
0xe: {  	[smem:$0x3F9A] =	sst s6  }
0xf: {  	[smem:$0x3F9B] =	sst s7  }
0x10: {  	[smem:$0x3F9C] =	sst s8  }
0x11: {  	[smem:$0x3F9D] =	sst s9;
	s0 =	simm.s32 @!p0 $0x0  }
0x12: {  	s1 =	sld [smem:$0x3F83];
	s0 =	simm.s32 @p0 $0x1  }
0x13: {  	[smem:$0x3F9E] =	sst s0;
	s0 =	simm.s32 @!p1 $0x0  }
0x14: {  	s2 =	sld [smem:$0x3F82];
	s0 =	simm.s32 @p1 $0x1  }
0x15: {  	[smem:$0x3F9F] =	sst s0;
	s0 =	simm.s32 @!p2 $0x0  }
0x16: {  	s3 =	sld [smem:$0x3FDB];
	s0 =	simm.s32 @p2 $0x1  }
0x17: {  	s4 =	simm.s32 $0x1BF5;
	[smem:$0x3FA1] =	sst s0  }
0x18: {  	s0 =	sld [smem:$0x3F84];
	_ =	swait.ge [sflag:s4], $0x0  }
0x19: {  	s7 =	sld [smem:$0x3F85]  }
0x1a: {  	s8 =	sadd.s32 $0xFFFFE003, lr  }
0x1b: {  	s9 =	sadd.s32 $0xFFFFFEF7, lr;
	s5 =	simm.s32 $0xFFFFFFFF;
	p2 =	slt.u32 s8, $0xFFFFF086  }
0x1c: {  	p1 =	slt.u32 s9, $0xF7A;
	s5 =	simm.s32 @!p2 $0x0  }
0x1d: {  	s5 =	simm.s32 @p1 $0x1;
	p0 =	seq.s32 s7, s2  }
0x1e: {  	s7 =	smul.u32 @!p0 $0xF7A, s2;
	p2 =	seq.s32 @!p0 s5, $0x0  }
0x1f: {  	s9 =	smul.u32 $0xF7A, s1;
	s8 =	simm.s32 @!p0 $0x1BF5;
	p2 =	por !p2, p0  }
0x20: {  	[sflag:s8] =	ssyncset.s32 @!p0 $0xFFFFF086;
	s6 =	sadd.s32 @!p0 s3, s7;
	s7 =	simm.s32 @!p0 $0x108  }
0x21: {  	s3 =	sadd.s32 s3, s9;
	s6 =	sadd.s32 @!p0 $0x88, s6;
	s7 =	simm.s32 @p2 $0x1082  }
0x22: {  	[simem:s7], [sflag:s8] =	dma.local @!p0 [hbm:s6], $0xF7A  }
0x23: {  	s9 =	sor.u32 $0xD0000000, s2;
	s6 =	simm.s32 $0x108;
	_ =	swait.ge @!p0 [sflag:s8], $0x0  }
0x24: {  	s3 =	sadd.s32 $0x88, s3;
	s6 =	simm.s32 @!p1 $0x1082;
	[sflag:s4] =	ssyncset.s32 $0xFFFFF086  }
0x25: {  	[simem:s6], [sflag:s4] =	dma.local [hbm:s3], $0xF7A  }
0x26: {  	[smem:$0x3F85] =	sst s1;
	(tag) =	ssettag s2;
	_ =	strace s9  }
0x27: {  	s1 =	sld [smem:$0x3F95]  }
0x28: {  	s2 =	sld [smem:$0x3F96]  }
0x29: {  	s4 =	sld [smem:$0x3F98]  }
0x2a: {  	p0 =	seq.s32 s5, $0x0;
	s5 =	sld [smem:$0x3F99]  }
0x2b: {  	s6 =	sld [smem:$0x3F9A]  }
0x2c: {  	s7 =	sld [smem:$0x3F9B]  }
0x2d: {  	s3 =	simm.s32 $0x108;
	s8 =	sld [smem:$0x3F9C]  }
0x2e: {  	s3 =	simm.s32 @!p0 $0x1082;
	s9 =	sld [smem:$0x3F9D]  }
0x2f: {  	lr =	sadd.s32 s0, s3;
	s0 =	sld [smem:$0x3F94]  }
0x30: {  	s3 =	sld [smem:$0x3F97]  }
0x31: {  	[smem:$0x3FA0] =	sst s10  }
0x32: {  	s10 =	sld [smem:$0x3F9E];
	_ =	sdelay $0x3  }
0x33: {  	p0 =	seq.s32 s10, $0x1;
	s10 =	sld [smem:$0x3FA0];
	_ =	sdelay $0x3  }
0x34: {  	[smem:$0x3FA0] =	sst s10  }
0x35: {  	s10 =	sld [smem:$0x3F9F];
	_ =	sdelay $0x3  }
0x36: {  	p1 =	seq.s32 s10, $0x1;
	s10 =	sld [smem:$0x3FA0];
	_ =	sdelay $0x3  }
0x37: {  	[smem:$0x3FA0] =	sst s10  }
0x38: {  	s10 =	sld [smem:$0x3FA1]  }
0x39: {  	_ = 	snop;
	(pc) =	sbr.ind lr, $3  }
0x3a: {  	_ = 	snop  }
0x3b: {  	_ = 	snop  }
0x3c: {  	p2 =	seq.s32 s10, $0x1;
	s10 =	sld [smem:$0x3FA0]  }
0x3d: {  	_ =	shalt  }
0x3e: {  	_ =	shalt  }
0x3f: {  	_ =	shalt  }
0x40: {  	_ =	shalt  }
0x41: {  	_ =	shalt  }
0x42: {  	_ =	shalt  }
0x43: {  	_ =	shalt  }
0x44: {  	_ =	shalt  }
0x45: {  	_ =	shalt  }
0x46: {  	_ =	shalt  }
0x47: {  	_ =	shalt  }
0x48: {  	_ =	shalt  }
0x49: {  	_ =	shalt  }
0x4a: {  	_ =	shalt  }
0x4b: {  	_ =	shalt  }
0x4c: {  	_ =	shalt  }
0x4d: {  	_ =	shalt  }
0x4e: {  	_ =	shalt  }
0x4f: {  	_ =	shalt  }
0x50: {  	_ =	shalt  }
0x51: {  	_ =	shalt  }
0x52: {  	_ =	shalt  }
0x53: {  	_ =	shalt  }
0x54: {  	_ =	shalt  }
0x55: {  	_ =	shalt  }
0x56: {  	_ =	shalt  }
0x57: {  	_ =	shalt  }
0x58: {  	_ =	shalt  }
0x59: {  	_ =	shalt  }
0x5a: {  	_ =	shalt  }
0x5b: {  	_ =	shalt  }
0x5c: {  	_ =	shalt  }
0x5d: {  	_ =	shalt  }
0x5e: {  	_ =	shalt  }
0x5f: {  	_ =	shalt  }
0x60: {  	_ =	shalt  }
0x61: {  	_ =	shalt  }
0x62: {  	_ =	shalt  }
0x63: {  	_ =	shalt  }
0x64: {  	_ =	shalt  }
0x65: {  	_ =	shalt  }
0x66: {  	_ =	shalt  }
0x67: {  	_ =	shalt  }
0x68: {  	_ =	shalt  }
0x69: {  	_ =	shalt  }
0x6a: {  	_ =	shalt  }
0x6b: {  	_ =	shalt  }
0x6c: {  	_ =	shalt  }
0x6d: {  	_ =	shalt  }
0x6e: {  	_ =	shalt  }
0x6f: {  	_ =	shalt  }
0x70: {  	_ =	shalt  }
0x71: {  	_ =	shalt  }
0x72: {  	_ =	shalt  }
0x73: {  	_ =	shalt  }
0x74: {  	_ =	shalt  }
0x75: {  	_ =	shalt  }
0x76: {  	_ =	shalt  }
0x77: {  	_ =	shalt  }
0x78: {  	_ =	shalt  }
0x79: {  	_ =	shalt  }
0x7a: {  	_ =	shalt  }
0x7b: {  	_ =	shalt  }
0x7c: {  	_ =	shalt  }
0x7d: {  	_ =	shalt  }
0x7e: {  	_ =	shalt  }
0x7f: {  	_ =	shalt  }
0x80: {  	_ =	shalt  }
0x81: {  	_ =	shalt  }
0x82: {  	_ =	shalt  }
0x83: {  	_ =	shalt  }
0x84: {  	_ =	shalt  }
0x85: {  	_ =	shalt  }
0x86: {  	_ =	shalt  }
0x87: {  	_ =	shalt  }
.Lfunc_end0:
.L_simem_size_0:
called_computation.1_lowered:
.L_overlay_start_0:
0x88: {  	s2 =	sld [smem:$0x3FD9]  }
0x89: {  	s3 =	sld [smem:$0x3FFE];
	_ =	sdelay $0x1  }
0x8a: {  	s1 =	srdreg.scid  }
0x8b: {  	s0 =	sand.u32 $0x1, s1  }
0x8c: {  	s16 =	sshll.u32 s0, $0xA;
	s2 =	sadd.s32 s3, s2  }
0x8d: {  	s2 =	sadd.s32 s2, s16  }
0x8e: {  	[smem:$0x3FAC] =	sst s2  }
0x8f: {  	_ = 	snop  }
0x90: {  	(tm) =	ssettm $0x1  }
0x91: {  	s17 =	sld [smem:$0x3FFB];
	_ =	sdelay $0x3  }
0x92: {  	_ =	strace s17  }
0x93: {  	s2 =	sld [smem:$0x3FFC];
	_ =	sdelay $0x3  }
0x94: {  	_ =	strace s2  }
0x95: {  	s2 =	sld [smem:$0x3FFD];
	_ =	sdelay $0x3  }
0x96: {  	_ =	strace s2  }
0x97: {  	_ =	strace $0x8FFFFFFF  }
0x98: {  	s18 =	sld [smem:$0x3FDB];
	_ =	sdelay $0x1  }
0x99: {  	s19 =	simm.s32 $_scs_section_size  }
0x9a: {  	s4 =	simm.s32 $_size__tile_overlayer_lowered;
	s5 =	simm.s32 $_tile_overlayer_lowered  }
0x9b: {  	s22 =	simm.s32 $0x1BFF;
	s21 =	sshll.u32 s5, $0x1;
	s2 =	sadd.s32 s19, s18  }
0x9c: {  	s6 =	simm.s32 $0x0;
	s20 =	sshll.u32 s4, $0x1;
	s4 =	sadd.s32 s21, s2  }
0x9d: {  	[timem:s6], [sflag:s22] =	dma.local [hbm:s4], s20  }
0x9e: {  	_ =	swait.ge [sflag:s22], s20  }
0x9f: {  	s3 =	ssub.s32 $0x0, s20;
	[sflag:s22] =	ssyncset.done $0x0  }
0xa0: {  	[sflag:s22] =	ssyncadd.s32 s3;
	_ =	sdelay $0x1  }
0xa1: {  	s23 =	simm.s32 $0x1B8B  }
0xa2: {  	_ =	swait.ge [sflag:s23], $0x1  }
0xa3: {  	[sflag:s23] =	ssyncset.done $0x0  }
0xa4: {  	s25 =	simm.s32 $0x1B8E;
	s24 =	sld [smem:$0x3FFE];
	[sflag:s23] =	ssyncadd.s32 $0xFFFFFFFF  }
0xa5: {  	s26 =	simm.s32 $execute0_lowered;
	[smem:$0x3FD2] =	sst s25  }
0xa6: {  	s4 =	sshll.u32 s26, $0x1;
	_ =	strace $0x80000049;
	[dreg:$0x1] =	wrdreg $0xFFFFFFFF  }
0xa7: {  	s28 =	simm.s32 $_size_execute0_lowered;
	s2 =	sadd.s32 s2, s4;
	[dreg:$0x0] =	wrdreg $0x0  }
0xa8: {  	s4 =	sshll.u32 s28, $0x1;
	[dreg:$0x2] =	wrdreg s2  }
0xa9: {  	[dreg:$0x3] =	wrdreg s4  }
0xaa: {  	[dreg:$0x4] =	wrdreg $0xC0  }
0xab: {  	_ =	task [dreg:s6], $0x5FFFF  }
0xac: {  	[dreg:$0x1] =	wrdreg $0xFFFFFFFF  }
0xad: {  	[dreg:$0x0] =	wrdreg $0x60  }
0xae: {  	[dreg:$0x2] =	wrdreg s24  }
0xaf: {  	[dreg:$0x3] =	wrdreg $0x0  }
0xb0: {  	[dreg:$0x4] =	wrdreg $0x9  }
0xb1: {  	_ =	task.clear_ibuf [dreg:s6], $0x5FFFF;
	_ =	strace $0x90000049  }
0xb2: {  	s29 =	simm.s32 $0x9;
	_ =	strace $0x8000004B  }
0xb3: {  	_ =	swait.ge [sflag:s29], $0x1  }
0xb4: {  	[sflag:s29] =	ssyncadd.s32 $0xFFFFFFFF  }
0xb5: {  	_ =	strace $0x9000004B  }
0xb6: {  	_ =	sfence  }
0xb7: {  	s30 =	sld [smem:$0x0];
	_ =	sdelay $0x2  }
0xb8: {  	s31 =	sshll.u32 s1, $0xD;
	s1 =	sshrl.u32 s1, $0x2  }
0xb9: {  	s3 =	sand.u32 $0x4000, s31;
	s1 =	sadd.s32 s1, s30  }
0xba: {  	s0 =	sor.u32 s3, s0;
	s1 =	sshll.u32 s1, $0x11  }
0xbb: {  	s0 =	sor.u32 s1, s0  }
0xbc: {  	s0 =	sadd.s32 $0x8F2B, s0  }
0xbd: {  	[sflag:s0] =	ssyncadd.remote.s32 $0x1  }
0xbe: {  	_ =	sfence.sel $0xFFFF  }
0xbf: {  	[dreg:$0x0] =	wrdreg $0xFFFFFFFF;
	(pc) =	sbr.abs _section_cstart, $3  }
0xc0: {  	[dreg:$0x1] =	wrdreg $0xFFFFFFFF  }
0xc1: {  	_ =	task.clear_ibuf [dreg:s6], $0x2FFFF;
	_ =	strace $0x9FFFFFFF  }
0xc2: {  	(tm) =	ssettm $0x7FFFFFFF  }
0xc3: {  	_ =	shalt  }
tec
execute0_lowered:
.L_overlay_start_1:
0x0: {  	(tag) =	ssettag $0x1  }
0x1: {  	s9 =	rddreg [dreg:$0x0]  }
0x2: {  	s1 =	rddreg [dreg:$0x1]  }
0x3: {  	s0 =	rddreg [dreg:$0x2]  }
0x4: {  	s2 =	simm.s32 $0x0;
	s7 =	srdreg.scid;
	s4 =	stileid.u32  }
0x5: {  	s20 =	simm.s32 $0x60;
	s21 =	simm.s32 $0x139B0;
	s22 =	simm.s32 $0x1  }
0x6: {  	[smem:$0x7FF] =	sst s2;
	s3 =	sadd.s32 $0x3D400, s9;
	s15 =	sadd.s32 $0x11400, s9  }
0x7: {  	s5 =	sadd.s32 $0x33C800, s9;
	s16 =	sadd.s32 $0xC6800, s9;
	s6 =	sadd.s32 $0xB400, s9  }
0x8: {  	s12 =	sand.u32 $0x1, s7;
	s10 =	smul.u32 $0x4E000, s4;
	s7 =	sadd.s32 $0xBC800, s9  }
0x9: {  	s8 =	sadd.s32 $0xB7800, s9;
	s17 =	smul.u32 $0x13800, s4;
	s18 =	sadd.s32 $0x69400, s9  }
0xa: {  	_ =	strace $0x8000004A;
	s11 =	ssub.s32 $0x2, s12;
	s13 =	smul.u32 $0x138800, s12  }
0xb: {  	p0 =	seq.s32 s12, $0x1;
	s14 =	sshrl.u32 s11, $0x1;
	s31 =	sshrl.u32 s10, $0x2  }
0xc: {  	s10 =	sadd.s32 $0x138000, s1;
	s23 =	sadd.s32 s17, s1;
	s5 =	smov.u32 @p0 s16  }
0xd: {  	s3 =	smov.u32 @p0 s15;
	s15 =	simm.s32 $0x19FB0;
	s16 =	simm.s32 $0x2  }
0xe: {  	p0 =	sne.s32 s4, $0xF;
	s14 =	ssub.s32 s11, s14;
	s9 =	sadd.s32 s31, s1  }
0xf: {  	s19 =	sadd.s32 s17, s13;
	s11 =	smul.u32 $0x2760, s4;
	s13 =	sshrl.u32 s13, $0x3  }
0x10: {  	s17 =	simm.s32 $0x13880;
	s23 =	sshrl.u32 s23, $0x3;
	s19 =	sshrl.u32 s19, $0x3  }
0x11: {  	s13 =	sadd.s32 s18, s13;
	s14 =	smax.u32 s14, $0x1;
	s12 =	sadd.s32 s18, s19  }
0x12: {  	v0 =	vimm.f32 $0.0e+00;
	s13 =	sadd.s32 $0x27000, s13;
	s18 =	simm.s32 $0x138E0;
	s19 =	simm.s32 $0x16FB0  }
.LBB2_1:
0x13: {  	s24 =	simm.s32 $0x0;
	s25 =	simm.s32 $0x200  }
.LBB2_2:
0x14: {  	p1 =	sne.s32 s25, $0xBE00;
	[tilespmem:s24+$0x1A020] =	vst v0  }
0x15: {  	[tilespmem:s24+$0x19FB0] =	vst v0  }
0x16: {  	[tilespmem:s24+$0x19FC0] =	vst v0  }
.Ltmp0:
0x17: {  	[tilespmem:s24+$0x19FD0] =	vst v0;
	(pc) =	sbr.rel @p1 .LBB2_2-.Ltmp0, $4  }
0x18: {  	[tilespmem:s24+$0x19FE0] =	vst v0  }
0x19: {  	[tilespmem:s24+$0x19FF0] =	vst v0  }
0x1a: {  	[tilespmem:s24+$0x1A000] =	vst v0  }
0x1b: {  	[tilespmem:s24+$0x1A010] =	vst v0;
	s24 =	sshra.s32 s25, $0x2;
	s25 =	sadd.s32 $0x200, s25  }
0x1c: {  	[tilespmem:s24+$0x1A020] =	vst v0  }
0x1d: {  	[tilespmem:s24+$0x19FB0] =	vst v0  }
0x1e: {  	[tilespmem:s24+$0x19FC0] =	vst v0  }
0x1f: {  	[tilespmem:s24+$0x19FD0] =	vst v0  }
0x20: {  	[tilespmem:s24+$0x19FE0] =	vst v0  }
0x21: {  	[tilespmem:s24+$0x19FF0] =	vst v0  }
0x22: {  	[tilespmem:s24+$0x1A000] =	vst v0  }
0x23: {  	[tilespmem:s24+$0x1A010] =	vst v0;
	s31 =	sadd.s32 $0x0, s9  }
0x24: {  	[spmem:s31] =	stream.linear.scatter [tilespmem:s15], [sflag:$0x2], $0x800, $0x38;
	[tilespmem:$0x1CFB0] =	vst v63  }
0x25: {  	s24 =	simm.s32 $0x2000;
	_ =	swait.ge [sflag:s16], $0x800  }
.LBB2_4:
0x26: {  	s25 =	sshra.s32 s24, $0x2;
	[sflag:s16] =	ssyncset.done $0x0;
	p1 =	sne.s32 s24, $0x4C000  }
.Ltmp1:
0x27: {  	s25 =	sadd.s32 s25, s9;
	[sflag:s16] =	ssyncadd.s32 $0xFFFFF800;
	(pc) =	sbr.rel @p1 .LBB2_4-.Ltmp1, $3  }
0x28: {  	[spmem:s25] =	stream.linear.scatter [tilespmem:s15], [sflag:$0x2], $0x800, $0x38;
	[tilespmem:$0x1CFB0] =	vst v63  }
0x29: {  	s24 =	sadd.s32 $0x2000, s24;
	_ =	sdelay $0x1  }
0x2a: {  	_ =	swait.ge [sflag:s16], $0x800  }
0x2b: {  	[sflag:s16] =	ssyncset.done $0x0  }
0x2c: {  	s24 =	simm.s32 @!p0 $0x19FB0;
	[sflag:s16] =	ssyncadd.s32 $0xFFFFF800  }
0x2d: {  	[spmem:s10] =	stream.linear.scatter @!p0 [tilespmem:s24], [sflag:$0x2], $0x800, $0x38;
	[tilespmem:$0x1CFB0] =	vst v63  }
0x2e: {  	s24 =	simm.s32 @!p0 $0x2  }
0x2f: {  	_ =	swait.ge @!p0 [sflag:s24], $0x800  }
0x30: {  	[sflag:s24] =	ssyncset.done @!p0 $0x0  }
0x31: {  	[sflag:s24] =	ssyncadd.s32 @!p0 $0xFFFFF800  }
0x32: {  	s25 =	simm.s32 $0x0;
	s24 =	simm.s32 $0x0;
	[bflag:$0x0] =	sbarrier.arrive $0xFFFF  }
.LBB2_6:
0x33: {  	s26 =	smul.u32 $0x60, s25;
	_ =	sdelay $0x1  }
0x34: {  	s28 =	sadd.s32 s11, s26  }
0x35: {  	s26 =	sshrl.u32 s28, $0x3  }
0x36: {  	s29 =	sadd.s32 s7, s26  }
0x37: {  	[tilespmem:s17], [sflag:$0x2] =	stream.linear.gather [hbm4b:s29+s24], $0x60, $0x38;
	[tilespmem:$0x1CFB0] =	vst v63  }
0x38: {  	_ =	swait.ge [sflag:s16], $0x60  }
0x39: {  	[sflag:s16] =	ssyncset.done $0x0  }
0x3a: {  	s29 =	sadd.s32 s8, s26;
	[sflag:s16] =	ssyncadd.s32 $0xFFFFFFA0  }
0x3b: {  	[tilespmem:s18], [sflag:$0x2] =	stream.linear.gather [hbm4b:s29+s24], $0x60, $0x38;
	[tilespmem:$0x1CFB0] =	vst v63  }
0x3c: {  	_ =	swait.ge [sflag:s16], $0x60  }
0x3d: {  	[sflag:s16] =	ssyncset.done $0x0  }
0x3e: {  	s29 =	sadd.s32 s6, s26;
	s26 =	simm.s32 $0x13940;
	[sflag:s16] =	ssyncadd.s32 $0xFFFFFFA0  }
0x3f: {  	[tilespmem:s26], [sflag:$0x2] =	stream.linear.gather [hbm4b:s29+s24], $0x60, $0x38;
	[tilespmem:$0x1CFB0] =	vst v63  }
0x40: {  	_ =	swait.ge [sflag:s16], $0x60  }
0x41: {  	s28 =	sshll.u32 s28, $0x4;
	[sflag:s16] =	ssyncset.done $0x0  }
0x42: {  	s28 =	sadd.s32 s5, s28;
	[sflag:s16] =	ssyncadd.s32 $0xFFFFFFA0  }
0x43: {  	[tilespmem:s19], [sflag:$0x2] =	stream.linear.gather [hbm4b:s28+s24], $0x3000, $0x38;
	[tilespmem:$0x1CFB0] =	vst v63  }
0x44: {  	_ =	swait.ge [sflag:s16], $0x3000  }
0x45: {  	[sflag:s16] =	ssyncset.done $0x0  }
0x46: {  	[sflag:s16] =	ssyncadd.s32 $0xFFFFD000  }
0x47: {  	[tilespmem:s21], [sflag:$0x1] =	stream.indirect.gather [hbm4b:s3+s20], $0x90, s17, s20, $0xb8;
	[tilespmem:$0x1CFB0] =	vst v63  }
0x48: {  	_ =	swait.ge [sflag:s22], $0x3600  }
0x49: {  	[sflag:s22] =	ssyncset.done $0x0  }
0x4a: {  	s29 =	simm.s32 $0x0;
	[sflag:s22] =	ssyncadd.s32 $0xFFFFCA00  }
0x4b: {  	s28 =	simm.s32 $0x139F0;
	v1 =	vld [tilespmem:s29+$0x16FB0]  }
0x4c: {  	v2 =	vld [tilespmem:s28+$0xFFFFFFC0];
	_ =	sdelay $0x2  }
0x4d: {  	v3 =	vld.msk [tilespmem:s26+$0x0 ss:$0x0], $0xffff;
	_ =	sdelay $0x1  }
0x4e: {  	v1 =	vadd.f32 v1, v2;
	_ =	sdelay $0x1  }
0x4f: {  	v1 =	vmax.f32 v1, $0.0e+00  }
0x50: {  	v1 =	vmul.f32 v1, v3;
	_ =	sdelay $0x1  }
0x51: {  	[tilespmem:s29+$0x19FB0] =	vst v1;
	v1 =	vld [tilespmem:s29+$0x16FC0]  }
0x52: {  	v2 =	vld [tilespmem:s28+$0xFFFFFFD0];
	_ =	sdelay $0x4  }
0x53: {  	v1 =	vadd.f32 v1, v2;
	_ =	sdelay $0x1  }
0x54: {  	v1 =	vmax.f32 v1, $0.0e+00  }
0x55: {  	v1 =	vmul.f32 v1, v3;
	_ =	sdelay $0x1  }
0x56: {  	[tilespmem:s29+$0x19FC0] =	vst v1;
	v1 =	vld [tilespmem:s29+$0x16FD0]  }
0x57: {  	v2 =	vld [tilespmem:s28+$0xFFFFFFE0];
	_ =	sdelay $0x4  }
0x58: {  	v1 =	vadd.f32 v1, v2;
	_ =	sdelay $0x1  }
0x59: {  	v1 =	vmax.f32 v1, $0.0e+00  }
0x5a: {  	v1 =	vmul.f32 v1, v3;
	_ =	sdelay $0x1  }
0x5b: {  	[tilespmem:s29+$0x19FD0] =	vst v1;
	v1 =	vld [tilespmem:s29+$0x16FE0]  }
0x5c: {  	v2 =	vld [tilespmem:s28+$0xFFFFFFF0];
	_ =	sdelay $0x4  }
0x5d: {  	v1 =	vadd.f32 v1, v2;
	_ =	sdelay $0x1  }
0x5e: {  	v1 =	vmax.f32 v1, $0.0e+00  }
0x5f: {  	v1 =	vmul.f32 v1, v3;
	_ =	sdelay $0x1  }
0x60: {  	[tilespmem:s29+$0x19FE0] =	vst v1;
	v1 =	vld [tilespmem:s29+$0x16FF0]  }
0x61: {  	v2 =	vld [tilespmem:s28+$0x0];
	_ =	sdelay $0x4  }
0x62: {  	v1 =	vadd.f32 v1, v2;
	_ =	sdelay $0x1  }
0x63: {  	v1 =	vmax.f32 v1, $0.0e+00  }
0x64: {  	v1 =	vmul.f32 v1, v3;
	_ =	sdelay $0x1  }
0x65: {  	[tilespmem:s29+$0x19FF0] =	vst v1;
	v1 =	vld [tilespmem:s29+$0x17000]  }
0x66: {  	v2 =	vld [tilespmem:s28+$0x10];
	_ =	sdelay $0x4  }
0x67: {  	v1 =	vadd.f32 v1, v2;
	_ =	sdelay $0x1  }
0x68: {  	v1 =	vmax.f32 v1, $0.0e+00  }
0x69: {  	v1 =	vmul.f32 v1, v3;
	_ =	sdelay $0x1  }
0x6a: {  	[tilespmem:s29+$0x1A000] =	vst v1;
	v1 =	vld [tilespmem:s29+$0x17010]  }
0x6b: {  	v2 =	vld [tilespmem:s28+$0x20];
	_ =	sdelay $0x4  }
0x6c: {  	v1 =	vadd.f32 v1, v2;
	_ =	sdelay $0x1  }
0x6d: {  	v1 =	vmax.f32 v1, $0.0e+00  }
0x6e: {  	v1 =	vmul.f32 v1, v3;
	_ =	sdelay $0x1  }
0x6f: {  	[tilespmem:s29+$0x1A010] =	vst v1;
	v1 =	vld [tilespmem:s29+$0x17020]  }
0x70: {  	v2 =	vld [tilespmem:s28+$0x30];
	_ =	sdelay $0x4  }
0x71: {  	v1 =	vadd.f32 v1, v2;
	_ =	sdelay $0x1  }
0x72: {  	v1 =	vmax.f32 v1, $0.0e+00  }
0x73: {  	v1 =	vmul.f32 v1, v3  }
0x74: {  	s28 =	simm.s32 $0x80  }
0x75: {  	s30 =	simm.s32 $0x400;
	v2 =	vld [tilespmem:s28+$0x16FB0];
	[tilespmem:s29+$0x1A020] =	vst v1;
	s29 =	simm.s32 $0x13A80  }
.LBB2_7:
0x76: {  	p1 =	sne.s32 s30, $0xBE00;
	v3 =	vld [tilespmem:s29+$0xFFFFFFC0];
	s26 =	sadd.s32 $0x1, s26  }
0x77: {  	v1 =	vld.msk [tilespmem:s26+$0x0 ss:$0x0], $0xffff;
	_ =	sdelay $0x3  }
0x78: {  	v2 =	vadd.f32 v2, v3;
	_ =	sdelay $0x1  }
0x79: {  	v2 =	vmax.f32 v2, $0.0e+00  }
0x7a: {  	v2 =	vmul.f32 v2, v1;
	_ =	sdelay $0x1  }
0x7b: {  	[tilespmem:s28+$0x19FB0] =	vst v2;
	v2 =	vld [tilespmem:s28+$0x16FC0]  }
0x7c: {  	v3 =	vld [tilespmem:s29+$0xFFFFFFD0];
	_ =	sdelay $0x4  }
0x7d: {  	v2 =	vadd.f32 v2, v3;
	_ =	sdelay $0x1  }
0x7e: {  	v2 =	vmax.f32 v2, $0.0e+00  }
0x7f: {  	v2 =	vmul.f32 v2, v1;
	_ =	sdelay $0x1  }
0x80: {  	[tilespmem:s28+$0x19FC0] =	vst v2;
	v2 =	vld [tilespmem:s28+$0x16FD0]  }
0x81: {  	v3 =	vld [tilespmem:s29+$0xFFFFFFE0];
	_ =	sdelay $0x4  }
0x82: {  	v2 =	vadd.f32 v2, v3;
	_ =	sdelay $0x1  }
0x83: {  	v2 =	vmax.f32 v2, $0.0e+00  }
0x84: {  	v2 =	vmul.f32 v2, v1;
	_ =	sdelay $0x1  }
0x85: {  	[tilespmem:s28+$0x19FD0] =	vst v2;
	v2 =	vld [tilespmem:s28+$0x16FE0]  }
0x86: {  	v3 =	vld [tilespmem:s29+$0xFFFFFFF0];
	_ =	sdelay $0x4  }
0x87: {  	v2 =	vadd.f32 v2, v3;
	_ =	sdelay $0x1  }
0x88: {  	v2 =	vmax.f32 v2, $0.0e+00  }
0x89: {  	v2 =	vmul.f32 v2, v1;
	_ =	sdelay $0x1  }
0x8a: {  	[tilespmem:s28+$0x19FE0] =	vst v2;
	v2 =	vld [tilespmem:s28+$0x16FF0]  }
0x8b: {  	v3 =	vld [tilespmem:s29+$0x0];
	_ =	sdelay $0x4  }
0x8c: {  	v2 =	vadd.f32 v2, v3;
	_ =	sdelay $0x1  }
0x8d: {  	v2 =	vmax.f32 v2, $0.0e+00  }
0x8e: {  	v2 =	vmul.f32 v2, v1;
	_ =	sdelay $0x1  }
0x8f: {  	[tilespmem:s28+$0x19FF0] =	vst v2;
	v2 =	vld [tilespmem:s28+$0x17000]  }
0x90: {  	v3 =	vld [tilespmem:s29+$0x10];
	_ =	sdelay $0x4  }
0x91: {  	v2 =	vadd.f32 v2, v3;
	_ =	sdelay $0x1  }
0x92: {  	v2 =	vmax.f32 v2, $0.0e+00  }
0x93: {  	v2 =	vmul.f32 v2, v1;
	_ =	sdelay $0x1  }
0x94: {  	[tilespmem:s28+$0x1A000] =	vst v2;
	v2 =	vld [tilespmem:s28+$0x17010]  }
0x95: {  	v3 =	vld [tilespmem:s29+$0x20];
	_ =	sdelay $0x4  }
0x96: {  	v2 =	vadd.f32 v2, v3;
	_ =	sdelay $0x1  }
0x97: {  	v2 =	vmax.f32 v2, $0.0e+00  }
0x98: {  	v2 =	vmul.f32 v2, v1;
	_ =	sdelay $0x1  }
0x99: {  	[tilespmem:s28+$0x1A010] =	vst v2;
	v2 =	vld [tilespmem:s28+$0x17020]  }
0x9a: {  	v3 =	vld [tilespmem:s29+$0x30];
	_ =	sdelay $0x4  }
0x9b: {  	v2 =	vadd.f32 v2, v3  }
.Ltmp2:
0x9c: {  	(pc) =	sbr.rel @p1 .LBB2_7-.Ltmp2, $4  }
0x9d: {  	v2 =	vmax.f32 v2, $0.0e+00  }
0x9e: {  	v1 =	vmul.f32 v2, v1  }
0x9f: {  	s31 =	sshra.s32 s30, $0x2  }
0xa0: {  	s30 =	sadd.s32 $0x200, s30;
	s29 =	sadd.s32 $0x90, s29;
	v2 =	vld [tilespmem:s31+$0x16FB0];
	[tilespmem:s28+$0x1A020] =	vst v1;
	s28 =	smov.u32 s31  }
0xa1: {  	v1 =	vld [tilespmem:s29+$0xFFFFFFC0];
	_ =	sdelay $0x1  }
0xa2: {  	s26 =	sadd.s32 $0x1, s26  }
0xa3: {  	v3 =	vld.msk [tilespmem:s26+$0x0 ss:$0x0], $0xffff;
	_ =	sdelay $0x1  }
0xa4: {  	v1 =	vadd.f32 v2, v1;
	_ =	sdelay $0x1  }
0xa5: {  	v1 =	vmax.f32 v1, $0.0e+00  }
0xa6: {  	v1 =	vmul.f32 v1, v3;
	_ =	sdelay $0x1  }
0xa7: {  	[tilespmem:s28+$0x19FB0] =	vst v1;
	v1 =	vld [tilespmem:s28+$0x16FC0]  }
0xa8: {  	v2 =	vld [tilespmem:s29+$0xFFFFFFD0];
	_ =	sdelay $0x4  }
0xa9: {  	v1 =	vadd.f32 v1, v2;
	_ =	sdelay $0x1  }
0xaa: {  	v1 =	vmax.f32 v1, $0.0e+00  }
0xab: {  	v1 =	vmul.f32 v1, v3;
	_ =	sdelay $0x1  }
0xac: {  	[tilespmem:s28+$0x19FC0] =	vst v1;
	v1 =	vld [tilespmem:s28+$0x16FD0]  }
0xad: {  	v2 =	vld [tilespmem:s29+$0xFFFFFFE0];
	_ =	sdelay $0x4  }
0xae: {  	v1 =	vadd.f32 v1, v2;
	_ =	sdelay $0x1  }
0xaf: {  	v1 =	vmax.f32 v1, $0.0e+00  }
0xb0: {  	v1 =	vmul.f32 v1, v3;
	_ =	sdelay $0x1  }
0xb1: {  	[tilespmem:s28+$0x19FD0] =	vst v1;
	v1 =	vld [tilespmem:s28+$0x16FE0]  }
0xb2: {  	v2 =	vld [tilespmem:s29+$0xFFFFFFF0];
	_ =	sdelay $0x4  }
0xb3: {  	v1 =	vadd.f32 v1, v2;
	_ =	sdelay $0x1  }
0xb4: {  	v1 =	vmax.f32 v1, $0.0e+00  }
0xb5: {  	v1 =	vmul.f32 v1, v3;
	_ =	sdelay $0x1  }
0xb6: {  	[tilespmem:s28+$0x19FE0] =	vst v1;
	v1 =	vld [tilespmem:s28+$0x16FF0]  }
0xb7: {  	v2 =	vld [tilespmem:s29+$0x0];
	_ =	sdelay $0x4  }
0xb8: {  	v1 =	vadd.f32 v1, v2;
	_ =	sdelay $0x1  }
0xb9: {  	v1 =	vmax.f32 v1, $0.0e+00  }
0xba: {  	v1 =	vmul.f32 v1, v3;
	_ =	sdelay $0x1  }
0xbb: {  	[tilespmem:s28+$0x19FF0] =	vst v1;
	v1 =	vld [tilespmem:s28+$0x17000]  }
0xbc: {  	v2 =	vld [tilespmem:s29+$0x10];
	_ =	sdelay $0x4  }
0xbd: {  	v1 =	vadd.f32 v1, v2;
	_ =	sdelay $0x1  }
0xbe: {  	v1 =	vmax.f32 v1, $0.0e+00  }
0xbf: {  	v1 =	vmul.f32 v1, v3;
	_ =	sdelay $0x1  }
0xc0: {  	[tilespmem:s28+$0x1A000] =	vst v1;
	v1 =	vld [tilespmem:s28+$0x17010]  }
0xc1: {  	v2 =	vld [tilespmem:s29+$0x20];
	_ =	sdelay $0x4  }
0xc2: {  	v1 =	vadd.f32 v1, v2;
	_ =	sdelay $0x1  }
0xc3: {  	v1 =	vmax.f32 v1, $0.0e+00  }
0xc4: {  	v1 =	vmul.f32 v1, v3;
	_ =	sdelay $0x1  }
0xc5: {  	[tilespmem:s28+$0x1A010] =	vst v1;
	v1 =	vld [tilespmem:s28+$0x17020]  }
0xc6: {  	v2 =	vld [tilespmem:s29+$0x30];
	_ =	sdelay $0x4  }
0xc7: {  	v1 =	vadd.f32 v1, v2;
	_ =	sdelay $0x1  }
0xc8: {  	v1 =	vmax.f32 v1, $0.0e+00  }
0xc9: {  	s25 =	sadd.s32 $0x1, s25;
	v1 =	vmul.f32 v1, v3  }
0xca: {  	p1 =	sne.s32 s25, $0x69  }
.Ltmp3:
0xcb: {  	[tilespmem:s28+$0x1A020] =	vst v1;
	(pc) =	sbr.rel @p1 .LBB2_6-.Ltmp3, $4  }
0xcc: {  	[spmem:s1] =	stream.indirect.scatter.add.f32 [tilespmem:s15], [sflag:$0x2], $0x80, s18, s20, $0xb8;
	[tilespmem:$0x1CFB0] =	vst v63  }
0xcd: {  	_ =	swait.ge [sflag:s16], $0x3000  }
0xce: {  	[sflag:s16] =	ssyncset.done $0x0  }
0xcf: {  	[sflag:s16] =	ssyncadd.s32 $0xFFFFD000  }
0xd0: {  	s24 =	sshll.u32 s4, $0x6  }
0xd1: {  	[bflag:$0x0] =	sbarrier.arrive $0xFFFF;
	s24 =	sor.u32 $0x1C02, s24  }
0xd2: {  	[hbm:s12], [sflag:s24] =	dma.local [spmem:s23], $0x2700  }
0xd3: {  	_ =	swait.ge [sflag:s16], $0x2700  }
0xd4: {  	s2 =	sadd.s32 $0x1, s2;
	[sflag:s16] =	ssyncset.done $0x0  }
0xd5: {  	s25 =	sshrl.u32 @!p0 s10, $0x3;
	p1 =	sne.s32 s2, s14;
	[sflag:s16] =	ssyncadd.s32 $0xFFFFD900  }
0xd6: {  	[hbm:s13], [sflag:s24] =	dma.local @!p0 [spmem:s25], $0x100  }
.Ltmp4:
0xd7: {  	_ = 	snop;
	(pc) =	sbr.rel @p1 .LBB2_1-.Ltmp4, $4  }
0xd8: {  	s24 =	simm.s32 @!p0 $0x2  }
0xd9: {  	_ =	swait.ge @!p0 [sflag:s24], $0x100  }
0xda: {  	[sflag:s24] =	ssyncset.done @!p0 $0x0  }
0xdb: {  	[sflag:s24] =	ssyncadd.s32 @!p0 $0xFFFFFF00  }
0xdc: {  	_ =	sfence.sel $0x180000  }
0xdd: {  	[bflag:$0x0] =	sbarrier.arrive $0xFFFF  }
0xde: {  	p0 =	sne.s32 s4, $0x0;
	_ =	strace $0x9000004A  }
0xdf: {  	s0 =	sadd.s32 @!p0 $0x100000, s0;
	[bflag:$0x2] =	sbarrier.arrive $0xFFFF  }
0xe0: {  	[sflag:s0] =	ssyncadd.tile.s32 @!p0 $0x1;
	_ =	shalt  }
.Lfunc_end2:
_tile_overlayer_lowered:
.L_overlay_start_2:
0xe1: {  	(tag) =	ssettag $0x2  }
0xe2: {  	s0 =	rddreg [dreg:$0x0];
	s2 =	stileid.u32  }
0xe3: {  	s1 =	rddreg [dreg:$0x1];
	p0 =	sne.s32 s2, $0x0  }
0xe4: {  	s3 =	rddreg [dreg:$0x2];
	[bflag:$0x3] =	sbarrier.arrive $0xFFFF;
	s2 =	simm.s32 @!p0 $0x1C02  }
0xe5: {  	[timem:s3], [sflag:s2] =	dma.local @!p0 [hbm:s0], s1  }
0xe6: {  	s0 =	simm.s32 @!p0 $0x2  }
0xe7: {  	_ =	swait.ge @!p0 [sflag:s0], s1  }
0xe8: {  	s1 =	ssub.s32 @!p0 $0x0, s1;
	[sflag:s0] =	ssyncset.done @!p0 $0x0  }
0xe9: {  	[sflag:s0] =	ssyncadd.s32 @!p0 s1  }
0xea: {  	[bflag:$0x3] =	sbarrier.arrive $0xFFFF  }
0xeb: {  	_ =	shalt  }

// kernel: kernel.24.cloned.1.call-start
scs
__scs_entry_jumppad:
0x0: {  	(pc) =	sbr.rel $0x88, $3  }
0x1: {  	(tag) =	ssettag $0x0;
	lr =	simm.s32 $0x1  }
0x2: {  	[smem:$0x3F85] =	sst lr;
	_ =	strace $0xD0000000  }
0x3: {  	_ = 	snop  }
0x4: {  	_ = 	snop  }
0x5: {  	_ = 	snop  }
0x6: {  	_ = 	snop  }
0x7: {  	_ = 	snop  }
__scs_overlays_trampoline_lowered:
0x8: {  	[smem:$0x3F94] =	sst s0  }
0x9: {  	[smem:$0x3F95] =	sst s1  }
0xa: {  	[smem:$0x3F96] =	sst s2  }
0xb: {  	[smem:$0x3F97] =	sst s3  }
0xc: {  	[smem:$0x3F98] =	sst s4  }
0xd: {  	[smem:$0x3F99] =	sst s5  }
0xe: {  	[smem:$0x3F9A] =	sst s6  }
0xf: {  	[smem:$0x3F9B] =	sst s7  }
0x10: {  	[smem:$0x3F9C] =	sst s8  }
0x11: {  	[smem:$0x3F9D] =	sst s9;
	s0 =	simm.s32 @!p0 $0x0  }
0x12: {  	s1 =	sld [smem:$0x3F83];
	s0 =	simm.s32 @p0 $0x1  }
0x13: {  	[smem:$0x3F9E] =	sst s0;
	s0 =	simm.s32 @!p1 $0x0  }
0x14: {  	s2 =	sld [smem:$0x3F82];
	s0 =	simm.s32 @p1 $0x1  }
0x15: {  	[smem:$0x3F9F] =	sst s0;
	s0 =	simm.s32 @!p2 $0x0  }
0x16: {  	s3 =	sld [smem:$0x3FDB];
	s0 =	simm.s32 @p2 $0x1  }
0x17: {  	s4 =	simm.s32 $0x1BF5;
	[smem:$0x3FA1] =	sst s0  }
0x18: {  	s0 =	sld [smem:$0x3F84];
	_ =	swait.ge [sflag:s4], $0x0  }
0x19: {  	s7 =	sld [smem:$0x3F85]  }
0x1a: {  	s8 =	sadd.s32 $0xFFFFE003, lr  }
0x1b: {  	s9 =	sadd.s32 $0xFFFFFEF7, lr;
	s5 =	simm.s32 $0xFFFFFFFF;
	p2 =	slt.u32 s8, $0xFFFFF086  }
0x1c: {  	p1 =	slt.u32 s9, $0xF7A;
	s5 =	simm.s32 @!p2 $0x0  }
0x1d: {  	s5 =	simm.s32 @p1 $0x1;
	p0 =	seq.s32 s7, s2  }
0x1e: {  	s7 =	smul.u32 @!p0 $0xF7A, s2;
	p2 =	seq.s32 @!p0 s5, $0x0  }
0x1f: {  	s9 =	smul.u32 $0xF7A, s1;
	s8 =	simm.s32 @!p0 $0x1BF5;
	p2 =	por !p2, p0  }
0x20: {  	[sflag:s8] =	ssyncset.s32 @!p0 $0xFFFFF086;
	s6 =	sadd.s32 @!p0 s3, s7;
	s7 =	simm.s32 @!p0 $0x108  }
0x21: {  	s3 =	sadd.s32 s3, s9;
	s6 =	sadd.s32 @!p0 $0x88, s6;
	s7 =	simm.s32 @p2 $0x1082  }
0x22: {  	[simem:s7], [sflag:s8] =	dma.local @!p0 [hbm:s6], $0xF7A  }
0x23: {  	s9 =	sor.u32 $0xD0000000, s2;
	s6 =	simm.s32 $0x108;
	_ =	swait.ge @!p0 [sflag:s8], $0x0  }
0x24: {  	s3 =	sadd.s32 $0x88, s3;
	s6 =	simm.s32 @!p1 $0x1082;
	[sflag:s4] =	ssyncset.s32 $0xFFFFF086  }
0x25: {  	[simem:s6], [sflag:s4] =	dma.local [hbm:s3], $0xF7A  }
0x26: {  	[smem:$0x3F85] =	sst s1;
	(tag) =	ssettag s2;
	_ =	strace s9  }
0x27: {  	s1 =	sld [smem:$0x3F95]  }
0x28: {  	s2 =	sld [smem:$0x3F96]  }
0x29: {  	s4 =	sld [smem:$0x3F98]  }
0x2a: {  	p0 =	seq.s32 s5, $0x0;
	s5 =	sld [smem:$0x3F99]  }
0x2b: {  	s6 =	sld [smem:$0x3F9A]  }
0x2c: {  	s7 =	sld [smem:$0x3F9B]  }
0x2d: {  	s3 =	simm.s32 $0x108;
	s8 =	sld [smem:$0x3F9C]  }
0x2e: {  	s3 =	simm.s32 @!p0 $0x1082;
	s9 =	sld [smem:$0x3F9D]  }
0x2f: {  	lr =	sadd.s32 s0, s3;
	s0 =	sld [smem:$0x3F94]  }
0x30: {  	s3 =	sld [smem:$0x3F97]  }
0x31: {  	[smem:$0x3FA0] =	sst s10  }
0x32: {  	s10 =	sld [smem:$0x3F9E];
	_ =	sdelay $0x3  }
0x33: {  	p0 =	seq.s32 s10, $0x1;
	s10 =	sld [smem:$0x3FA0];
	_ =	sdelay $0x3  }
0x34: {  	[smem:$0x3FA0] =	sst s10  }
0x35: {  	s10 =	sld [smem:$0x3F9F];
	_ =	sdelay $0x3  }
0x36: {  	p1 =	seq.s32 s10, $0x1;
	s10 =	sld [smem:$0x3FA0];
	_ =	sdelay $0x3  }
0x37: {  	[smem:$0x3FA0] =	sst s10  }
0x38: {  	s10 =	sld [smem:$0x3FA1]  }
0x39: {  	_ = 	snop;
	(pc) =	sbr.ind lr, $3  }
0x3a: {  	_ = 	snop  }
0x3b: {  	_ = 	snop  }
0x3c: {  	p2 =	seq.s32 s10, $0x1;
	s10 =	sld [smem:$0x3FA0]  }
0x3d: {  	_ =	shalt  }
0x3e: {  	_ =	shalt  }
0x3f: {  	_ =	shalt  }
0x40: {  	_ =	shalt  }
0x41: {  	_ =	shalt  }
0x42: {  	_ =	shalt  }
0x43: {  	_ =	shalt  }
0x44: {  	_ =	shalt  }
0x45: {  	_ =	shalt  }
0x46: {  	_ =	shalt  }
0x47: {  	_ =	shalt  }
0x48: {  	_ =	shalt  }
0x49: {  	_ =	shalt  }
0x4a: {  	_ =	shalt  }
0x4b: {  	_ =	shalt  }
0x4c: {  	_ =	shalt  }
0x4d: {  	_ =	shalt  }
0x4e: {  	_ =	shalt  }
0x4f: {  	_ =	shalt  }
0x50: {  	_ =	shalt  }
0x51: {  	_ =	shalt  }
0x52: {  	_ =	shalt  }
0x53: {  	_ =	shalt  }
0x54: {  	_ =	shalt  }
0x55: {  	_ =	shalt  }
0x56: {  	_ =	shalt  }
0x57: {  	_ =	shalt  }
0x58: {  	_ =	shalt  }
0x59: {  	_ =	shalt  }
0x5a: {  	_ =	shalt  }
0x5b: {  	_ =	shalt  }
0x5c: {  	_ =	shalt  }
0x5d: {  	_ =	shalt  }
0x5e: {  	_ =	shalt  }
0x5f: {  	_ =	shalt  }
0x60: {  	_ =	shalt  }
0x61: {  	_ =	shalt  }
0x62: {  	_ =	shalt  }
0x63: {  	_ =	shalt  }
0x64: {  	_ =	shalt  }
0x65: {  	_ =	shalt  }
0x66: {  	_ =	shalt  }
0x67: {  	_ =	shalt  }
0x68: {  	_ =	shalt  }
0x69: {  	_ =	shalt  }
0x6a: {  	_ =	shalt  }
0x6b: {  	_ =	shalt  }
0x6c: {  	_ =	shalt  }
0x6d: {  	_ =	shalt  }
0x6e: {  	_ =	shalt  }
0x6f: {  	_ =	shalt  }
0x70: {  	_ =	shalt  }
0x71: {  	_ =	shalt  }
0x72: {  	_ =	shalt  }
0x73: {  	_ =	shalt  }
0x74: {  	_ =	shalt  }
0x75: {  	_ =	shalt  }
0x76: {  	_ =	shalt  }
0x77: {  	_ =	shalt  }
0x78: {  	_ =	shalt  }
0x79: {  	_ =	shalt  }
0x7a: {  	_ =	shalt  }
0x7b: {  	_ =	shalt  }
0x7c: {  	_ =	shalt  }
0x7d: {  	_ =	shalt  }
0x7e: {  	_ =	shalt  }
0x7f: {  	_ =	shalt  }
0x80: {  	_ =	shalt  }
0x81: {  	_ =	shalt  }
0x82: {  	_ =	shalt  }
0x83: {  	_ =	shalt  }
0x84: {  	_ =	shalt  }
0x85: {  	_ =	shalt  }
0x86: {  	_ =	shalt  }
0x87: {  	_ =	shalt  }
.Lfunc_end0:
.L_simem_size_0:
called_computation.2_lowered:
.L_overlay_start_0:
0x88: {  	s2 =	sld [smem:$0x3FD9]  }
0x89: {  	s3 =	sld [smem:$0x3FFE];
	_ =	sdelay $0x1  }
0x8a: {  	s1 =	srdreg.scid  }
0x8b: {  	s0 =	sand.u32 $0x1, s1  }
0x8c: {  	s16 =	sshll.u32 s0, $0xA;
	s2 =	sadd.s32 s3, s2  }
0x8d: {  	s2 =	sadd.s32 s2, s16  }
0x8e: {  	[smem:$0x3FAC] =	sst s2  }
0x8f: {  	_ = 	snop  }
0x90: {  	(tm) =	ssettm $0x1  }
0x91: {  	s17 =	sld [smem:$0x3FFB];
	_ =	sdelay $0x3  }
0x92: {  	_ =	strace s17  }
0x93: {  	s2 =	sld [smem:$0x3FFC];
	_ =	sdelay $0x3  }
0x94: {  	_ =	strace s2  }
0x95: {  	s2 =	sld [smem:$0x3FFD];
	_ =	sdelay $0x3  }
0x96: {  	_ =	strace s2  }
0x97: {  	_ =	strace $0x8FFFFFFF  }
0x98: {  	s18 =	sld [smem:$0x3FDB];
	_ =	sdelay $0x1  }
0x99: {  	s19 =	simm.s32 $_scs_section_size  }
0x9a: {  	s4 =	simm.s32 $_size__tile_overlayer_lowered;
	s5 =	simm.s32 $_tile_overlayer_lowered  }
0x9b: {  	s22 =	simm.s32 $0x1BFF;
	s21 =	sshll.u32 s5, $0x1;
	s2 =	sadd.s32 s19, s18  }
0x9c: {  	s6 =	simm.s32 $0x0;
	s20 =	sshll.u32 s4, $0x1;
	s4 =	sadd.s32 s21, s2  }
0x9d: {  	[timem:s6], [sflag:s22] =	dma.local [hbm:s4], s20  }
0x9e: {  	_ =	swait.ge [sflag:s22], s20  }
0x9f: {  	s3 =	ssub.s32 $0x0, s20;
	[sflag:s22] =	ssyncset.done $0x0  }
0xa0: {  	[sflag:s22] =	ssyncadd.s32 s3;
	_ =	sdelay $0x1  }
0xa1: {  	s23 =	simm.s32 $0x1B8B  }
0xa2: {  	_ =	swait.ge [sflag:s23], $0x1  }
0xa3: {  	[sflag:s23] =	ssyncset.done $0x0  }
0xa4: {  	s25 =	simm.s32 $0x1B8E;
	s24 =	sld [smem:$0x3FFE];
	[sflag:s23] =	ssyncadd.s32 $0xFFFFFFFF  }
0xa5: {  	s26 =	simm.s32 $execute0_lowered;
	[smem:$0x3FD2] =	sst s25  }
0xa6: {  	s4 =	sshll.u32 s26, $0x1;
	_ =	strace $0x8000004C;
	[dreg:$0x1] =	wrdreg $0xFFFFFFFF  }
0xa7: {  	s28 =	simm.s32 $_size_execute0_lowered;
	s2 =	sadd.s32 s2, s4;
	[dreg:$0x0] =	wrdreg $0x0  }
0xa8: {  	s4 =	sshll.u32 s28, $0x1;
	[dreg:$0x2] =	wrdreg s2  }
0xa9: {  	[dreg:$0x3] =	wrdreg s4  }
0xaa: {  	[dreg:$0x4] =	wrdreg $0xC0  }
0xab: {  	_ =	task [dreg:s6], $0x5FFFF  }
0xac: {  	[dreg:$0x1] =	wrdreg $0xFFFFFFFF  }
0xad: {  	[dreg:$0x0] =	wrdreg $0x60  }
0xae: {  	[dreg:$0x2] =	wrdreg s24  }
0xaf: {  	[dreg:$0x3] =	wrdreg $0x9  }
0xb0: {  	_ =	task.clear_ibuf [dreg:s6], $0x4FFFF;
	_ =	strace $0x9000004C  }
0xb1: {  	s29 =	simm.s32 $0x9;
	_ =	strace $0x8000004E  }
0xb2: {  	_ =	swait.ge [sflag:s29], $0x1  }
0xb3: {  	[sflag:s29] =	ssyncadd.s32 $0xFFFFFFFF  }
0xb4: {  	_ =	strace $0x9000004E  }
0xb5: {  	_ =	sfence  }
0xb6: {  	s30 =	sld [smem:$0x0];
	_ =	sdelay $0x2  }
0xb7: {  	s31 =	sshll.u32 s1, $0xD;
	s1 =	sshrl.u32 s1, $0x2  }
0xb8: {  	s3 =	sand.u32 $0x4000, s31;
	s1 =	sadd.s32 s1, s30  }
0xb9: {  	s0 =	sor.u32 s3, s0;
	s1 =	sshll.u32 s1, $0x11  }
0xba: {  	s0 =	sor.u32 s1, s0  }
0xbb: {  	s0 =	sadd.s32 $0x8F2B, s0  }
0xbc: {  	[sflag:s0] =	ssyncadd.remote.s32 $0x1  }
0xbd: {  	_ =	sfence.sel $0xFFFF  }
0xbe: {  	[dreg:$0x0] =	wrdreg $0xFFFFFFFF;
	(pc) =	sbr.abs _section_cstart, $3  }
0xbf: {  	[dreg:$0x1] =	wrdreg $0xFFFFFFFF  }
0xc0: {  	_ =	task.clear_ibuf [dreg:s6], $0x2FFFF;
	_ =	strace $0x9FFFFFFF  }
0xc1: {  	(tm) =	ssettm $0x7FFFFFFF  }
tec
execute0_lowered:
.L_overlay_start_1:
0x0: {  	(tag) =	ssettag $0x1  }
0x1: {  	s8 =	rddreg [dreg:$0x0]  }
0x2: {  	s0 =	rddreg [dreg:$0x1];
	s1 =	simm.s32 $0x0;
	s5 =	srdreg.scid  }
0x3: {  	s12 =	simm.s32 $0x70;
	s13 =	simm.s32 $0xE0;
	s14 =	simm.s32 $0x1  }
0x4: {  	s15 =	simm.s32 $0x2;
	s16 =	simm.s32 $0xF60;
	s17 =	simm.s32 $0x0  }
0x5: {  	[smem:$0x7FF] =	sst s1;
	s2 =	sadd.s32 $0x11400, s8;
	s3 =	sadd.s32 $0xB400, s8  }
0x6: {  	s4 =	sadd.s32 $0x5B2800, s8;
	s9 =	sand.u32 $0x1, s5;
	s6 =	sadd.s32 $0xBC800, s8  }
0x7: {  	s7 =	sadd.s32 $0xB7800, s8;
	s5 =	stileid.u32;
	s10 =	ssub.s32 $0x2, s9  }
0x8: {  	s8 =	sadd.s32 $0x16400, s8;
	s9 =	sshll.u32 s9, $0x4;
	s11 =	sshrl.u32 s10, $0x1  }
0x9: {  	_ =	strace $0x8000004D;
	s9 =	sor.u32 s5, s9;
	s10 =	ssub.s32 s10, s11  }
0xa: {  	s9 =	smul.u32 $0x13B0, s9;
	s11 =	simm.s32 $0x3;
	s10 =	smax.u32 s10, $0x1  }
.LBB2_1:
0xb: {  	s18 =	simm.s32 $0x0  }
.LBB2_2:
0xc: {  	s19 =	smul.u32 $0x70, s18;
	_ =	sdelay $0x1  }
0xd: {  	s19 =	sadd.s32 s9, s19  }
0xe: {  	s19 =	sshrl.u32 s19, $0x3  }
0xf: {  	s20 =	simm.s32 $0x0;
	s21 =	sadd.s32 s6, s19  }
0x10: {  	[tilespmem:s20], [sflag:$0x3] =	stream.linear.gather [hbm4b:s21+s20], $0x70, $0x38;
	[tilespmem:$0xFE0] =	vst v63  }
0x11: {  	_ =	swait.ge [sflag:s11], $0x70  }
0x12: {  	[sflag:s11] =	ssyncset.done $0x0  }
0x13: {  	s30 =	sadd.s32 s7, s19;
	[sflag:s11] =	ssyncadd.s32 $0xFFFFFF90  }
0x14: {  	[tilespmem:s12], [sflag:$0x3] =	stream.linear.gather [hbm4b:s30+s20], $0x70, $0x38;
	[tilespmem:$0xFE0] =	vst v63  }
0x15: {  	_ =	swait.ge [sflag:s11], $0x70  }
0x16: {  	[sflag:s11] =	ssyncset.done $0x0  }
0x17: {  	s31 =	sadd.s32 s4, s19;
	[sflag:s11] =	ssyncadd.s32 $0xFFFFFF90  }
0x18: {  	[tilespmem:s13], [sflag:$0x3] =	stream.linear.gather [hbm4b:s31+s20], $0x70, $0x38;
	[tilespmem:$0xFE0] =	vst v63  }
0x19: {  	_ =	swait.ge [sflag:s11], $0x70  }
0x1a: {  	[sflag:s11] =	ssyncset.done $0x0  }
0x1b: {  	s21 =	simm.s32 $0x160;
	[sflag:s11] =	ssyncadd.s32 $0xFFFFFF90  }
0x1c: {  	[tilespmem:s21], [sflag:$0x1] =	stream.indirect.gather [hbm4b:s2+s12], $0x10, s20, s12, $0xb8;
	[tilespmem:$0xFE0] =	vst v63  }
0x1d: {  	_ =	swait.ge [sflag:s14], $0x700  }
0x1e: {  	[sflag:s14] =	ssyncset.done $0x0  }
0x1f: {  	s22 =	simm.s32 $0x860;
	[sflag:s14] =	ssyncadd.s32 $0xFFFFF900  }
0x20: {  	[tilespmem:s22], [sflag:$0x2] =	stream.indirect.gather [hbm4b:s3+s12], $0x10, s12, s12, $0xb8;
	[tilespmem:$0xFE0] =	vst v63  }
0x21: {  	_ =	swait.ge [sflag:s15], $0x700  }
0x22: {  	[sflag:s15] =	ssyncset.done $0x0  }
0x23: {  	[sflag:s15] =	ssyncadd.s32 $0xFFFFF900  }
0x24: {  	v0 =	vld [tilespmem:s22+$0x0]  }
0x25: {  	s23 =	simm.s32 $0x4;
	v1 =	vld [tilespmem:s21+$0x0]  }
.LBB2_3:
0x26: {  	p0 =	sne.s32 s23, $0x1BC;
	s24 =	sshra.s32 s20, $0x2;
	s20 =	smov.u32 s23  }
0x27: {  	v2 =	vld [tilespmem:s24+$0xE0];
	_ =	sdelay $0x2  }
0x28: {  	v0 =	vadd.f32 v0, v1;
	_ =	sdelay $0x1  }
.Ltmp0:
0x29: {  	v0 =	vadd.f32 v2, v0;
	(pc) =	sbr.rel @p0 .LBB2_3-.Ltmp0, $4  }
0x2a: {  	_ = 	snop  }
0x2b: {  	s22 =	sadd.s32 $0x10, s22;
	[tilespmem:s24+$0xF60] =	vst.msk $0x1, v0  }
0x2c: {  	s21 =	sadd.s32 $0x10, s21;
	v0 =	vld [tilespmem:s22+$0x0]  }
0x2d: {  	s23 =	sadd.s32 $0x4, s23;
	v1 =	vld [tilespmem:s21+$0x0]  }
0x2e: {  	s20 =	sshra.s32 s20, $0x2  }
0x2f: {  	v2 =	vld [tilespmem:s20+$0xE0];
	_ =	sdelay $0x2  }
0x30: {  	v0 =	vadd.f32 v0, v1;
	_ =	sdelay $0x1  }
0x31: {  	s18 =	sadd.s32 $0x1, s18;
	v0 =	vadd.f32 v2, v0  }
0x32: {  	p0 =	sne.s32 s18, $0x2D  }
.Ltmp1:
0x33: {  	s19 =	sadd.s32 s8, s19;
	[tilespmem:s20+$0xF60] =	vst.msk $0x1, v0;
	(pc) =	sbr.rel @p0 .LBB2_2-.Ltmp1, $4  }
0x34: {  	[hbm4b:s19+s1] =	stream.linear.scatter [tilespmem:s16], [sflag:$0x3], $0x70, $0x38;
	[tilespmem:$0xFE0] =	vst v63  }
0x35: {  	_ =	swait.ge [sflag:s11], $0x70  }
0x36: {  	[sflag:s11] =	ssyncset.done $0x0  }
0x37: {  	[sflag:s11] =	ssyncadd.s32 $0xFFFFFF90  }
0x38: {  	s17 =	sadd.s32 $0x1, s17  }
0x39: {  	p0 =	sne.s32 s17, s10  }
.Ltmp2:
0x3a: {  	_ = 	snop;
	(pc) =	sbr.rel @p0 .LBB2_1-.Ltmp2, $1  }
0x3b: {  	_ =	sdelay $0x3  }
0x3c: {  	_ =	sfence.sel $0x180000  }
0x3d: {  	[bflag:$0x0] =	sbarrier.arrive $0xFFFF  }
0x3e: {  	p0 =	sne.s32 s5, $0x0;
	_ =	strace $0x9000004D  }
0x3f: {  	s0 =	sadd.s32 @!p0 $0x100000, s0;
	[bflag:$0x2] =	sbarrier.arrive $0xFFFF  }
0x40: {  	[sflag:s0] =	ssyncadd.tile.s32 @!p0 $0x1;
	_ =	shalt  }
.Lfunc_end2:
_tile_overlayer_lowered:
.L_overlay_start_2:
0x41: {  	(tag) =	ssettag $0x2  }
0x42: {  	s0 =	rddreg [dreg:$0x0];
	s2 =	stileid.u32  }
0x43: {  	s1 =	rddreg [dreg:$0x1];
	p0 =	sne.s32 s2, $0x0  }
0x44: {  	s3 =	rddreg [dreg:$0x2];
	[bflag:$0x3] =	sbarrier.arrive $0xFFFF;
	s2 =	simm.s32 @!p0 $0x1C03  }
0x45: {  	[timem:s3], [sflag:s2] =	dma.local @!p0 [hbm:s0], s1  }
0x46: {  	s0 =	simm.s32 @!p0 $0x3  }
0x47: {  	_ =	swait.ge @!p0 [sflag:s0], s1  }
0x48: {  	s1 =	ssub.s32 @!p0 $0x0, s1;
	[sflag:s0] =	ssyncset.done @!p0 $0x0  }
0x49: {  	[sflag:s0] =	ssyncadd.s32 @!p0 s1  }
0x4a: {  	[bflag:$0x3] =	sbarrier.arrive $0xFFFF  }
0x4b: {  	_ =	shalt  }

// kernel: kernel.27.cloned.1.call-start
scs
__scs_entry_jumppad:
0x0: {  	(pc) =	sbr.rel $0x88, $3  }
0x1: {  	(tag) =	ssettag $0x0;
	lr =	simm.s32 $0x1  }
0x2: {  	[smem:$0x3F85] =	sst lr;
	_ =	strace $0xD0000000  }
0x3: {  	_ = 	snop  }
0x4: {  	_ = 	snop  }
0x5: {  	_ = 	snop  }
0x6: {  	_ = 	snop  }
0x7: {  	_ = 	snop  }
__scs_overlays_trampoline_lowered:
0x8: {  	[smem:$0x3F94] =	sst s0  }
0x9: {  	[smem:$0x3F95] =	sst s1  }
0xa: {  	[smem:$0x3F96] =	sst s2  }
0xb: {  	[smem:$0x3F97] =	sst s3  }
0xc: {  	[smem:$0x3F98] =	sst s4  }
0xd: {  	[smem:$0x3F99] =	sst s5  }
0xe: {  	[smem:$0x3F9A] =	sst s6  }
0xf: {  	[smem:$0x3F9B] =	sst s7  }
0x10: {  	[smem:$0x3F9C] =	sst s8  }
0x11: {  	[smem:$0x3F9D] =	sst s9;
	s0 =	simm.s32 @!p0 $0x0  }
0x12: {  	s1 =	sld [smem:$0x3F83];
	s0 =	simm.s32 @p0 $0x1  }
0x13: {  	[smem:$0x3F9E] =	sst s0;
	s0 =	simm.s32 @!p1 $0x0  }
0x14: {  	s2 =	sld [smem:$0x3F82];
	s0 =	simm.s32 @p1 $0x1  }
0x15: {  	[smem:$0x3F9F] =	sst s0;
	s0 =	simm.s32 @!p2 $0x0  }
0x16: {  	s3 =	sld [smem:$0x3FDB];
	s0 =	simm.s32 @p2 $0x1  }
0x17: {  	s4 =	simm.s32 $0x1BF5;
	[smem:$0x3FA1] =	sst s0  }
0x18: {  	s0 =	sld [smem:$0x3F84];
	_ =	swait.ge [sflag:s4], $0x0  }
0x19: {  	s7 =	sld [smem:$0x3F85]  }
0x1a: {  	s8 =	sadd.s32 $0xFFFFE003, lr  }
0x1b: {  	s9 =	sadd.s32 $0xFFFFFEF7, lr;
	s5 =	simm.s32 $0xFFFFFFFF;
	p2 =	slt.u32 s8, $0xFFFFF086  }
0x1c: {  	p1 =	slt.u32 s9, $0xF7A;
	s5 =	simm.s32 @!p2 $0x0  }
0x1d: {  	s5 =	simm.s32 @p1 $0x1;
	p0 =	seq.s32 s7, s2  }
0x1e: {  	s7 =	smul.u32 @!p0 $0xF7A, s2;
	p2 =	seq.s32 @!p0 s5, $0x0  }
0x1f: {  	s9 =	smul.u32 $0xF7A, s1;
	s8 =	simm.s32 @!p0 $0x1BF5;
	p2 =	por !p2, p0  }
0x20: {  	[sflag:s8] =	ssyncset.s32 @!p0 $0xFFFFF086;
	s6 =	sadd.s32 @!p0 s3, s7;
	s7 =	simm.s32 @!p0 $0x108  }
0x21: {  	s3 =	sadd.s32 s3, s9;
	s6 =	sadd.s32 @!p0 $0x88, s6;
	s7 =	simm.s32 @p2 $0x1082  }
0x22: {  	[simem:s7], [sflag:s8] =	dma.local @!p0 [hbm:s6], $0xF7A  }
0x23: {  	s9 =	sor.u32 $0xD0000000, s2;
	s6 =	simm.s32 $0x108;
	_ =	swait.ge @!p0 [sflag:s8], $0x0  }
0x24: {  	s3 =	sadd.s32 $0x88, s3;
	s6 =	simm.s32 @!p1 $0x1082;
	[sflag:s4] =	ssyncset.s32 $0xFFFFF086  }
0x25: {  	[simem:s6], [sflag:s4] =	dma.local [hbm:s3], $0xF7A  }
0x26: {  	[smem:$0x3F85] =	sst s1;
	(tag) =	ssettag s2;
	_ =	strace s9  }
0x27: {  	s1 =	sld [smem:$0x3F95]  }
0x28: {  	s2 =	sld [smem:$0x3F96]  }
0x29: {  	s4 =	sld [smem:$0x3F98]  }
0x2a: {  	p0 =	seq.s32 s5, $0x0;
	s5 =	sld [smem:$0x3F99]  }
0x2b: {  	s6 =	sld [smem:$0x3F9A]  }
0x2c: {  	s7 =	sld [smem:$0x3F9B]  }
0x2d: {  	s3 =	simm.s32 $0x108;
	s8 =	sld [smem:$0x3F9C]  }
0x2e: {  	s3 =	simm.s32 @!p0 $0x1082;
	s9 =	sld [smem:$0x3F9D]  }
0x2f: {  	lr =	sadd.s32 s0, s3;
	s0 =	sld [smem:$0x3F94]  }
0x30: {  	s3 =	sld [smem:$0x3F97]  }
0x31: {  	[smem:$0x3FA0] =	sst s10  }
0x32: {  	s10 =	sld [smem:$0x3F9E];
	_ =	sdelay $0x3  }
0x33: {  	p0 =	seq.s32 s10, $0x1;
	s10 =	sld [smem:$0x3FA0];
	_ =	sdelay $0x3  }
0x34: {  	[smem:$0x3FA0] =	sst s10  }
0x35: {  	s10 =	sld [smem:$0x3F9F];
	_ =	sdelay $0x3  }
0x36: {  	p1 =	seq.s32 s10, $0x1;
	s10 =	sld [smem:$0x3FA0];
	_ =	sdelay $0x3  }
0x37: {  	[smem:$0x3FA0] =	sst s10  }
0x38: {  	s10 =	sld [smem:$0x3FA1]  }
0x39: {  	_ = 	snop;
	(pc) =	sbr.ind lr, $3  }
0x3a: {  	_ = 	snop  }
0x3b: {  	_ = 	snop  }
0x3c: {  	p2 =	seq.s32 s10, $0x1;
	s10 =	sld [smem:$0x3FA0]  }
0x3d: {  	_ =	shalt  }
0x3e: {  	_ =	shalt  }
0x3f: {  	_ =	shalt  }
0x40: {  	_ =	shalt  }
0x41: {  	_ =	shalt  }
0x42: {  	_ =	shalt  }
0x43: {  	_ =	shalt  }
0x44: {  	_ =	shalt  }
0x45: {  	_ =	shalt  }
0x46: {  	_ =	shalt  }
0x47: {  	_ =	shalt  }
0x48: {  	_ =	shalt  }
0x49: {  	_ =	shalt  }
0x4a: {  	_ =	shalt  }
0x4b: {  	_ =	shalt  }
0x4c: {  	_ =	shalt  }
0x4d: {  	_ =	shalt  }
0x4e: {  	_ =	shalt  }
0x4f: {  	_ =	shalt  }
0x50: {  	_ =	shalt  }
0x51: {  	_ =	shalt  }
0x52: {  	_ =	shalt  }
0x53: {  	_ =	shalt  }
0x54: {  	_ =	shalt  }
0x55: {  	_ =	shalt  }
0x56: {  	_ =	shalt  }
0x57: {  	_ =	shalt  }
0x58: {  	_ =	shalt  }
0x59: {  	_ =	shalt  }
0x5a: {  	_ =	shalt  }
0x5b: {  	_ =	shalt  }
0x5c: {  	_ =	shalt  }
0x5d: {  	_ =	shalt  }
0x5e: {  	_ =	shalt  }
0x5f: {  	_ =	shalt  }
0x60: {  	_ =	shalt  }
0x61: {  	_ =	shalt  }
0x62: {  	_ =	shalt  }
0x63: {  	_ =	shalt  }
0x64: {  	_ =	shalt  }
0x65: {  	_ =	shalt  }
0x66: {  	_ =	shalt  }
0x67: {  	_ =	shalt  }
0x68: {  	_ =	shalt  }
0x69: {  	_ =	shalt  }
0x6a: {  	_ =	shalt  }
0x6b: {  	_ =	shalt  }
0x6c: {  	_ =	shalt  }
0x6d: {  	_ =	shalt  }
0x6e: {  	_ =	shalt  }
0x6f: {  	_ =	shalt  }
0x70: {  	_ =	shalt  }
0x71: {  	_ =	shalt  }
0x72: {  	_ =	shalt  }
0x73: {  	_ =	shalt  }
0x74: {  	_ =	shalt  }
0x75: {  	_ =	shalt  }
0x76: {  	_ =	shalt  }
0x77: {  	_ =	shalt  }
0x78: {  	_ =	shalt  }
0x79: {  	_ =	shalt  }
0x7a: {  	_ =	shalt  }
0x7b: {  	_ =	shalt  }
0x7c: {  	_ =	shalt  }
0x7d: {  	_ =	shalt  }
0x7e: {  	_ =	shalt  }
0x7f: {  	_ =	shalt  }
0x80: {  	_ =	shalt  }
0x81: {  	_ =	shalt  }
0x82: {  	_ =	shalt  }
0x83: {  	_ =	shalt  }
0x84: {  	_ =	shalt  }
0x85: {  	_ =	shalt  }
0x86: {  	_ =	shalt  }
0x87: {  	_ =	shalt  }
.Lfunc_end0:
.L_simem_size_0:
called_computation.3_lowered:
.L_overlay_start_0:
0x88: {  	s2 =	sld [smem:$0x3FD9]  }
0x89: {  	s3 =	sld [smem:$0x3FFE];
	_ =	sdelay $0x1  }
0x8a: {  	s1 =	srdreg.scid  }
0x8b: {  	s0 =	sand.u32 $0x1, s1  }
0x8c: {  	s16 =	sshll.u32 s0, $0xA;
	s2 =	sadd.s32 s3, s2  }
0x8d: {  	s2 =	sadd.s32 s2, s16  }
0x8e: {  	[smem:$0x3FAC] =	sst s2  }
0x8f: {  	_ = 	snop  }
0x90: {  	(tm) =	ssettm $0x1  }
0x91: {  	s17 =	sld [smem:$0x3FFB];
	_ =	sdelay $0x3  }
0x92: {  	_ =	strace s17  }
0x93: {  	s2 =	sld [smem:$0x3FFC];
	_ =	sdelay $0x3  }
0x94: {  	_ =	strace s2  }
0x95: {  	s2 =	sld [smem:$0x3FFD];
	_ =	sdelay $0x3  }
0x96: {  	_ =	strace s2  }
0x97: {  	_ =	strace $0x8FFFFFFF  }
0x98: {  	s18 =	sld [smem:$0x3FDB];
	_ =	sdelay $0x1  }
0x99: {  	s19 =	simm.s32 $_scs_section_size  }
0x9a: {  	s4 =	simm.s32 $_size__tile_overlayer_lowered;
	s5 =	simm.s32 $_tile_overlayer_lowered  }
0x9b: {  	s22 =	simm.s32 $0x1BFF;
	s21 =	sshll.u32 s5, $0x1;
	s2 =	sadd.s32 s19, s18  }
0x9c: {  	s6 =	simm.s32 $0x0;
	s20 =	sshll.u32 s4, $0x1;
	s4 =	sadd.s32 s21, s2  }
0x9d: {  	[timem:s6], [sflag:s22] =	dma.local [hbm:s4], s20  }
0x9e: {  	_ =	swait.ge [sflag:s22], s20  }
0x9f: {  	s3 =	ssub.s32 $0x0, s20;
	[sflag:s22] =	ssyncset.done $0x0  }
0xa0: {  	[sflag:s22] =	ssyncadd.s32 s3;
	_ =	sdelay $0x1  }
0xa1: {  	s23 =	simm.s32 $0x1B8B  }
0xa2: {  	_ =	swait.ge [sflag:s23], $0x1  }
0xa3: {  	[sflag:s23] =	ssyncset.done $0x0  }
0xa4: {  	s25 =	simm.s32 $0x1B8E;
	s24 =	sld [smem:$0x3FFE];
	[sflag:s23] =	ssyncadd.s32 $0xFFFFFFFF  }
0xa5: {  	s26 =	simm.s32 $execute0_lowered;
	[smem:$0x3FD2] =	sst s25  }
0xa6: {  	s4 =	sshll.u32 s26, $0x1;
	_ =	strace $0x8000004F;
	[dreg:$0x1] =	wrdreg $0xFFFFFFFF  }
0xa7: {  	s28 =	simm.s32 $_size_execute0_lowered;
	s2 =	sadd.s32 s2, s4;
	[dreg:$0x0] =	wrdreg $0x0  }
0xa8: {  	s4 =	sshll.u32 s28, $0x1;
	[dreg:$0x2] =	wrdreg s2  }
0xa9: {  	[dreg:$0x3] =	wrdreg s4  }
0xaa: {  	[dreg:$0x4] =	wrdreg $0xC0  }
0xab: {  	_ =	task [dreg:s6], $0x5FFFF  }
0xac: {  	[dreg:$0x1] =	wrdreg $0xFFFFFFFF  }
0xad: {  	[dreg:$0x0] =	wrdreg $0x60  }
0xae: {  	[dreg:$0x2] =	wrdreg s24  }
0xaf: {  	[dreg:$0x3] =	wrdreg $0x0  }
0xb0: {  	[dreg:$0x4] =	wrdreg $0x9  }
0xb1: {  	_ =	task.clear_ibuf [dreg:s6], $0x5FFFF;
	_ =	strace $0x9000004F  }
0xb2: {  	s29 =	simm.s32 $0x9;
	_ =	strace $0x80000051  }
0xb3: {  	_ =	swait.ge [sflag:s29], $0x1  }
0xb4: {  	[sflag:s29] =	ssyncadd.s32 $0xFFFFFFFF  }
0xb5: {  	_ =	strace $0x90000051  }
0xb6: {  	_ =	sfence  }
0xb7: {  	s30 =	sld [smem:$0x0];
	_ =	sdelay $0x2  }
0xb8: {  	s31 =	sshll.u32 s1, $0xD;
	s1 =	sshrl.u32 s1, $0x2  }
0xb9: {  	s3 =	sand.u32 $0x4000, s31;
	s1 =	sadd.s32 s1, s30  }
0xba: {  	s0 =	sor.u32 s3, s0;
	s1 =	sshll.u32 s1, $0x11  }
0xbb: {  	s0 =	sor.u32 s1, s0  }
0xbc: {  	s0 =	sadd.s32 $0x8F2B, s0  }
0xbd: {  	[sflag:s0] =	ssyncadd.remote.s32 $0x1  }
0xbe: {  	_ =	sfence.sel $0xFFFF  }
0xbf: {  	[dreg:$0x0] =	wrdreg $0xFFFFFFFF;
	(pc) =	sbr.abs _section_cstart, $3  }
0xc0: {  	[dreg:$0x1] =	wrdreg $0xFFFFFFFF  }
0xc1: {  	_ =	task.clear_ibuf [dreg:s6], $0x2FFFF;
	_ =	strace $0x9FFFFFFF  }
0xc2: {  	(tm) =	ssettm $0x7FFFFFFF  }
0xc3: {  	_ =	shalt  }
tec
execute0_lowered:
.L_overlay_start_1:
0x0: {  	(tag) =	ssettag $0x1  }
0x1: {  	s9 =	rddreg [dreg:$0x0]  }
0x2: {  	s1 =	rddreg [dreg:$0x1]  }
0x3: {  	s0 =	rddreg [dreg:$0x2]  }
0x4: {  	s2 =	simm.s32 $0x0;
	s7 =	srdreg.scid;
	s4 =	stileid.u32  }
0x5: {  	s20 =	simm.s32 $0x60;
	s21 =	simm.s32 $0x139B0;
	s22 =	simm.s32 $0x1  }
0x6: {  	[smem:$0x7FF] =	sst s2;
	s3 =	sadd.s32 $0xEE800, s9;
	s5 =	sadd.s32 $0x5B7800, s9  }
0x7: {  	s15 =	sadd.s32 $0xC2800, s9;
	s16 =	sadd.s32 $0x15EC00, s9;
	s6 =	sadd.s32 $0xB400, s9  }
0x8: {  	s12 =	sand.u32 $0x1, s7;
	s10 =	smul.u32 $0x4E000, s4;
	s7 =	sadd.s32 $0xBC800, s9  }
0x9: {  	s8 =	sadd.s32 $0xB7800, s9;
	s17 =	smul.u32 $0x13800, s4;
	s18 =	sadd.s32 $0x11400, s9  }
0xa: {  	_ =	strace $0x80000050;
	s11 =	ssub.s32 $0x2, s12;
	s13 =	smul.u32 $0x138800, s12  }
0xb: {  	p0 =	seq.s32 s12, $0x1;
	s14 =	sshrl.u32 s11, $0x1;
	s31 =	sshrl.u32 s10, $0x2  }
0xc: {  	s10 =	sadd.s32 $0x138000, s1;
	s23 =	sadd.s32 s17, s1;
	s5 =	smov.u32 @p0 s16  }
0xd: {  	s3 =	smov.u32 @p0 s15;
	s15 =	simm.s32 $0x19FB0;
	s16 =	simm.s32 $0x2  }
0xe: {  	p0 =	sne.s32 s4, $0xF;
	s14 =	ssub.s32 s11, s14;
	s9 =	sadd.s32 s31, s1  }
0xf: {  	s19 =	sadd.s32 s17, s13;
	s11 =	smul.u32 $0x2760, s4;
	s13 =	sshrl.u32 s13, $0x3  }
0x10: {  	s17 =	simm.s32 $0x13880;
	s23 =	sshrl.u32 s23, $0x3;
	s19 =	sshrl.u32 s19, $0x3  }
0x11: {  	s13 =	sadd.s32 s18, s13;
	s14 =	smax.u32 s14, $0x1;
	s12 =	sadd.s32 s18, s19  }
0x12: {  	v0 =	vimm.f32 $0.0e+00;
	s13 =	sadd.s32 $0x27000, s13;
	s18 =	simm.s32 $0x138E0;
	s19 =	simm.s32 $0x16FB0  }
.LBB2_1:
0x13: {  	s24 =	simm.s32 $0x0;
	s25 =	simm.s32 $0x200  }
.LBB2_2:
0x14: {  	p1 =	sne.s32 s25, $0xBE00;
	[tilespmem:s24+$0x1A020] =	vst v0  }
0x15: {  	[tilespmem:s24+$0x19FB0] =	vst v0  }
0x16: {  	[tilespmem:s24+$0x19FC0] =	vst v0  }
.Ltmp0:
0x17: {  	[tilespmem:s24+$0x19FD0] =	vst v0;
	(pc) =	sbr.rel @p1 .LBB2_2-.Ltmp0, $4  }
0x18: {  	[tilespmem:s24+$0x19FE0] =	vst v0  }
0x19: {  	[tilespmem:s24+$0x19FF0] =	vst v0  }
0x1a: {  	[tilespmem:s24+$0x1A000] =	vst v0  }
0x1b: {  	[tilespmem:s24+$0x1A010] =	vst v0;
	s24 =	sshra.s32 s25, $0x2;
	s25 =	sadd.s32 $0x200, s25  }
0x1c: {  	[tilespmem:s24+$0x1A020] =	vst v0  }
0x1d: {  	[tilespmem:s24+$0x19FB0] =	vst v0  }
0x1e: {  	[tilespmem:s24+$0x19FC0] =	vst v0  }
0x1f: {  	[tilespmem:s24+$0x19FD0] =	vst v0  }
0x20: {  	[tilespmem:s24+$0x19FE0] =	vst v0  }
0x21: {  	[tilespmem:s24+$0x19FF0] =	vst v0  }
0x22: {  	[tilespmem:s24+$0x1A000] =	vst v0  }
0x23: {  	[tilespmem:s24+$0x1A010] =	vst v0;
	s31 =	sadd.s32 $0x0, s9  }
0x24: {  	[spmem:s31] =	stream.linear.scatter [tilespmem:s15], [sflag:$0x2], $0x800, $0x38;
	[tilespmem:$0x1CFB0] =	vst v63  }
0x25: {  	s24 =	simm.s32 $0x2000;
	_ =	swait.ge [sflag:s16], $0x800  }
.LBB2_4:
0x26: {  	s25 =	sshra.s32 s24, $0x2;
	[sflag:s16] =	ssyncset.done $0x0;
	p1 =	sne.s32 s24, $0x4C000  }
.Ltmp1:
0x27: {  	s25 =	sadd.s32 s25, s9;
	[sflag:s16] =	ssyncadd.s32 $0xFFFFF800;
	(pc) =	sbr.rel @p1 .LBB2_4-.Ltmp1, $3  }
0x28: {  	[spmem:s25] =	stream.linear.scatter [tilespmem:s15], [sflag:$0x2], $0x800, $0x38;
	[tilespmem:$0x1CFB0] =	vst v63  }
0x29: {  	s24 =	sadd.s32 $0x2000, s24;
	_ =	sdelay $0x1  }
0x2a: {  	_ =	swait.ge [sflag:s16], $0x800  }
0x2b: {  	[sflag:s16] =	ssyncset.done $0x0  }
0x2c: {  	s24 =	simm.s32 @!p0 $0x19FB0;
	[sflag:s16] =	ssyncadd.s32 $0xFFFFF800  }
0x2d: {  	[spmem:s10] =	stream.linear.scatter @!p0 [tilespmem:s24], [sflag:$0x2], $0x800, $0x38;
	[tilespmem:$0x1CFB0] =	vst v63  }
0x2e: {  	s24 =	simm.s32 @!p0 $0x2  }
0x2f: {  	_ =	swait.ge @!p0 [sflag:s24], $0x800  }
0x30: {  	[sflag:s24] =	ssyncset.done @!p0 $0x0  }
0x31: {  	[sflag:s24] =	ssyncadd.s32 @!p0 $0xFFFFF800  }
0x32: {  	s25 =	simm.s32 $0x0;
	s24 =	simm.s32 $0x0;
	[bflag:$0x0] =	sbarrier.arrive $0xFFFF  }
.LBB2_6:
0x33: {  	s26 =	smul.u32 $0x60, s25;
	_ =	sdelay $0x1  }
0x34: {  	s28 =	sadd.s32 s11, s26  }
0x35: {  	s26 =	sshrl.u32 s28, $0x3  }
0x36: {  	s29 =	sadd.s32 s7, s26  }
0x37: {  	[tilespmem:s17], [sflag:$0x2] =	stream.linear.gather [hbm4b:s29+s24], $0x60, $0x38;
	[tilespmem:$0x1CFB0] =	vst v63  }
0x38: {  	_ =	swait.ge [sflag:s16], $0x60  }
0x39: {  	[sflag:s16] =	ssyncset.done $0x0  }
0x3a: {  	s29 =	sadd.s32 s8, s26;
	[sflag:s16] =	ssyncadd.s32 $0xFFFFFFA0  }
0x3b: {  	[tilespmem:s18], [sflag:$0x2] =	stream.linear.gather [hbm4b:s29+s24], $0x60, $0x38;
	[tilespmem:$0x1CFB0] =	vst v63  }
0x3c: {  	_ =	swait.ge [sflag:s16], $0x60  }
0x3d: {  	[sflag:s16] =	ssyncset.done $0x0  }
0x3e: {  	s29 =	sadd.s32 s6, s26;
	s26 =	simm.s32 $0x13940;
	[sflag:s16] =	ssyncadd.s32 $0xFFFFFFA0  }
0x3f: {  	[tilespmem:s26], [sflag:$0x2] =	stream.linear.gather [hbm4b:s29+s24], $0x60, $0x38;
	[tilespmem:$0x1CFB0] =	vst v63  }
0x40: {  	_ =	swait.ge [sflag:s16], $0x60  }
0x41: {  	s28 =	sshll.u32 s28, $0x4;
	[sflag:s16] =	ssyncset.done $0x0  }
0x42: {  	s28 =	sadd.s32 s5, s28;
	[sflag:s16] =	ssyncadd.s32 $0xFFFFFFA0  }
0x43: {  	[tilespmem:s19], [sflag:$0x2] =	stream.linear.gather [hbm4b:s28+s24], $0x3000, $0x38;
	[tilespmem:$0x1CFB0] =	vst v63  }
0x44: {  	_ =	swait.ge [sflag:s16], $0x3000  }
0x45: {  	[sflag:s16] =	ssyncset.done $0x0  }
0x46: {  	[sflag:s16] =	ssyncadd.s32 $0xFFFFD000  }
0x47: {  	[tilespmem:s21], [sflag:$0x1] =	stream.indirect.gather [hbm4b:s3+s20], $0x90, s17, s20, $0xb8;
	[tilespmem:$0x1CFB0] =	vst v63  }
0x48: {  	_ =	swait.ge [sflag:s22], $0x3600  }
0x49: {  	[sflag:s22] =	ssyncset.done $0x0  }
0x4a: {  	s29 =	simm.s32 $0x0;
	[sflag:s22] =	ssyncadd.s32 $0xFFFFCA00  }
0x4b: {  	s28 =	simm.s32 $0x139F0;
	v1 =	vld [tilespmem:s29+$0x16FB0]  }
0x4c: {  	v2 =	vld [tilespmem:s28+$0xFFFFFFC0];
	_ =	sdelay $0x2  }
0x4d: {  	v3 =	vld.msk [tilespmem:s26+$0x0 ss:$0x0], $0xffff;
	_ =	sdelay $0x1  }
0x4e: {  	v1 =	vadd.f32 v1, v2;
	_ =	sdelay $0x1  }
0x4f: {  	v1 =	vmax.f32 v1, $0.0e+00  }
0x50: {  	v1 =	vmul.f32 v1, v3;
	_ =	sdelay $0x1  }
0x51: {  	[tilespmem:s29+$0x19FB0] =	vst v1;
	v1 =	vld [tilespmem:s29+$0x16FC0]  }
0x52: {  	v2 =	vld [tilespmem:s28+$0xFFFFFFD0];
	_ =	sdelay $0x4  }
0x53: {  	v1 =	vadd.f32 v1, v2;
	_ =	sdelay $0x1  }
0x54: {  	v1 =	vmax.f32 v1, $0.0e+00  }
0x55: {  	v1 =	vmul.f32 v1, v3;
	_ =	sdelay $0x1  }
0x56: {  	[tilespmem:s29+$0x19FC0] =	vst v1;
	v1 =	vld [tilespmem:s29+$0x16FD0]  }
0x57: {  	v2 =	vld [tilespmem:s28+$0xFFFFFFE0];
	_ =	sdelay $0x4  }
0x58: {  	v1 =	vadd.f32 v1, v2;
	_ =	sdelay $0x1  }
0x59: {  	v1 =	vmax.f32 v1, $0.0e+00  }
0x5a: {  	v1 =	vmul.f32 v1, v3;
	_ =	sdelay $0x1  }
0x5b: {  	[tilespmem:s29+$0x19FD0] =	vst v1;
	v1 =	vld [tilespmem:s29+$0x16FE0]  }
0x5c: {  	v2 =	vld [tilespmem:s28+$0xFFFFFFF0];
	_ =	sdelay $0x4  }
0x5d: {  	v1 =	vadd.f32 v1, v2;
	_ =	sdelay $0x1  }
0x5e: {  	v1 =	vmax.f32 v1, $0.0e+00  }
0x5f: {  	v1 =	vmul.f32 v1, v3;
	_ =	sdelay $0x1  }
0x60: {  	[tilespmem:s29+$0x19FE0] =	vst v1;
	v1 =	vld [tilespmem:s29+$0x16FF0]  }
0x61: {  	v2 =	vld [tilespmem:s28+$0x0];
	_ =	sdelay $0x4  }
0x62: {  	v1 =	vadd.f32 v1, v2;
	_ =	sdelay $0x1  }
0x63: {  	v1 =	vmax.f32 v1, $0.0e+00  }
0x64: {  	v1 =	vmul.f32 v1, v3;
	_ =	sdelay $0x1  }
0x65: {  	[tilespmem:s29+$0x19FF0] =	vst v1;
	v1 =	vld [tilespmem:s29+$0x17000]  }
0x66: {  	v2 =	vld [tilespmem:s28+$0x10];
	_ =	sdelay $0x4  }
0x67: {  	v1 =	vadd.f32 v1, v2;
	_ =	sdelay $0x1  }
0x68: {  	v1 =	vmax.f32 v1, $0.0e+00  }
0x69: {  	v1 =	vmul.f32 v1, v3;
	_ =	sdelay $0x1  }
0x6a: {  	[tilespmem:s29+$0x1A000] =	vst v1;
	v1 =	vld [tilespmem:s29+$0x17010]  }
0x6b: {  	v2 =	vld [tilespmem:s28+$0x20];
	_ =	sdelay $0x4  }
0x6c: {  	v1 =	vadd.f32 v1, v2;
	_ =	sdelay $0x1  }
0x6d: {  	v1 =	vmax.f32 v1, $0.0e+00  }
0x6e: {  	v1 =	vmul.f32 v1, v3;
	_ =	sdelay $0x1  }
0x6f: {  	[tilespmem:s29+$0x1A010] =	vst v1;
	v1 =	vld [tilespmem:s29+$0x17020]  }
0x70: {  	v2 =	vld [tilespmem:s28+$0x30];
	_ =	sdelay $0x4  }
0x71: {  	v1 =	vadd.f32 v1, v2;
	_ =	sdelay $0x1  }
0x72: {  	v1 =	vmax.f32 v1, $0.0e+00  }
0x73: {  	v1 =	vmul.f32 v1, v3  }
0x74: {  	s28 =	simm.s32 $0x80  }
0x75: {  	s30 =	simm.s32 $0x400;
	v2 =	vld [tilespmem:s28+$0x16FB0];
	[tilespmem:s29+$0x1A020] =	vst v1;
	s29 =	simm.s32 $0x13A80  }
.LBB2_7:
0x76: {  	p1 =	sne.s32 s30, $0xBE00;
	v3 =	vld [tilespmem:s29+$0xFFFFFFC0];
	s26 =	sadd.s32 $0x1, s26  }
0x77: {  	v1 =	vld.msk [tilespmem:s26+$0x0 ss:$0x0], $0xffff;
	_ =	sdelay $0x3  }
0x78: {  	v2 =	vadd.f32 v2, v3;
	_ =	sdelay $0x1  }
0x79: {  	v2 =	vmax.f32 v2, $0.0e+00  }
0x7a: {  	v2 =	vmul.f32 v2, v1;
	_ =	sdelay $0x1  }
0x7b: {  	[tilespmem:s28+$0x19FB0] =	vst v2;
	v2 =	vld [tilespmem:s28+$0x16FC0]  }
0x7c: {  	v3 =	vld [tilespmem:s29+$0xFFFFFFD0];
	_ =	sdelay $0x4  }
0x7d: {  	v2 =	vadd.f32 v2, v3;
	_ =	sdelay $0x1  }
0x7e: {  	v2 =	vmax.f32 v2, $0.0e+00  }
0x7f: {  	v2 =	vmul.f32 v2, v1;
	_ =	sdelay $0x1  }
0x80: {  	[tilespmem:s28+$0x19FC0] =	vst v2;
	v2 =	vld [tilespmem:s28+$0x16FD0]  }
0x81: {  	v3 =	vld [tilespmem:s29+$0xFFFFFFE0];
	_ =	sdelay $0x4  }
0x82: {  	v2 =	vadd.f32 v2, v3;
	_ =	sdelay $0x1  }
0x83: {  	v2 =	vmax.f32 v2, $0.0e+00  }
0x84: {  	v2 =	vmul.f32 v2, v1;
	_ =	sdelay $0x1  }
0x85: {  	[tilespmem:s28+$0x19FD0] =	vst v2;
	v2 =	vld [tilespmem:s28+$0x16FE0]  }
0x86: {  	v3 =	vld [tilespmem:s29+$0xFFFFFFF0];
	_ =	sdelay $0x4  }
0x87: {  	v2 =	vadd.f32 v2, v3;
	_ =	sdelay $0x1  }
0x88: {  	v2 =	vmax.f32 v2, $0.0e+00  }
0x89: {  	v2 =	vmul.f32 v2, v1;
	_ =	sdelay $0x1  }
0x8a: {  	[tilespmem:s28+$0x19FE0] =	vst v2;
	v2 =	vld [tilespmem:s28+$0x16FF0]  }
0x8b: {  	v3 =	vld [tilespmem:s29+$0x0];
	_ =	sdelay $0x4  }
0x8c: {  	v2 =	vadd.f32 v2, v3;
	_ =	sdelay $0x1  }
0x8d: {  	v2 =	vmax.f32 v2, $0.0e+00  }
0x8e: {  	v2 =	vmul.f32 v2, v1;
	_ =	sdelay $0x1  }
0x8f: {  	[tilespmem:s28+$0x19FF0] =	vst v2;
	v2 =	vld [tilespmem:s28+$0x17000]  }
0x90: {  	v3 =	vld [tilespmem:s29+$0x10];
	_ =	sdelay $0x4  }
0x91: {  	v2 =	vadd.f32 v2, v3;
	_ =	sdelay $0x1  }
0x92: {  	v2 =	vmax.f32 v2, $0.0e+00  }
0x93: {  	v2 =	vmul.f32 v2, v1;
	_ =	sdelay $0x1  }
0x94: {  	[tilespmem:s28+$0x1A000] =	vst v2;
	v2 =	vld [tilespmem:s28+$0x17010]  }
0x95: {  	v3 =	vld [tilespmem:s29+$0x20];
	_ =	sdelay $0x4  }
0x96: {  	v2 =	vadd.f32 v2, v3;
	_ =	sdelay $0x1  }
0x97: {  	v2 =	vmax.f32 v2, $0.0e+00  }
0x98: {  	v2 =	vmul.f32 v2, v1;
	_ =	sdelay $0x1  }
0x99: {  	[tilespmem:s28+$0x1A010] =	vst v2;
	v2 =	vld [tilespmem:s28+$0x17020]  }
0x9a: {  	v3 =	vld [tilespmem:s29+$0x30];
	_ =	sdelay $0x4  }
0x9b: {  	v2 =	vadd.f32 v2, v3  }
.Ltmp2:
0x9c: {  	(pc) =	sbr.rel @p1 .LBB2_7-.Ltmp2, $4  }
0x9d: {  	v2 =	vmax.f32 v2, $0.0e+00  }
0x9e: {  	v1 =	vmul.f32 v2, v1  }
0x9f: {  	s31 =	sshra.s32 s30, $0x2  }
0xa0: {  	s30 =	sadd.s32 $0x200, s30;
	s29 =	sadd.s32 $0x90, s29;
	v2 =	vld [tilespmem:s31+$0x16FB0];
	[tilespmem:s28+$0x1A020] =	vst v1;
	s28 =	smov.u32 s31  }
0xa1: {  	v1 =	vld [tilespmem:s29+$0xFFFFFFC0];
	_ =	sdelay $0x1  }
0xa2: {  	s26 =	sadd.s32 $0x1, s26  }
0xa3: {  	v3 =	vld.msk [tilespmem:s26+$0x0 ss:$0x0], $0xffff;
	_ =	sdelay $0x1  }
0xa4: {  	v1 =	vadd.f32 v2, v1;
	_ =	sdelay $0x1  }
0xa5: {  	v1 =	vmax.f32 v1, $0.0e+00  }
0xa6: {  	v1 =	vmul.f32 v1, v3;
	_ =	sdelay $0x1  }
0xa7: {  	[tilespmem:s28+$0x19FB0] =	vst v1;
	v1 =	vld [tilespmem:s28+$0x16FC0]  }
0xa8: {  	v2 =	vld [tilespmem:s29+$0xFFFFFFD0];
	_ =	sdelay $0x4  }
0xa9: {  	v1 =	vadd.f32 v1, v2;
	_ =	sdelay $0x1  }
0xaa: {  	v1 =	vmax.f32 v1, $0.0e+00  }
0xab: {  	v1 =	vmul.f32 v1, v3;
	_ =	sdelay $0x1  }
0xac: {  	[tilespmem:s28+$0x19FC0] =	vst v1;
	v1 =	vld [tilespmem:s28+$0x16FD0]  }
0xad: {  	v2 =	vld [tilespmem:s29+$0xFFFFFFE0];
	_ =	sdelay $0x4  }
0xae: {  	v1 =	vadd.f32 v1, v2;
	_ =	sdelay $0x1  }
0xaf: {  	v1 =	vmax.f32 v1, $0.0e+00  }
0xb0: {  	v1 =	vmul.f32 v1, v3;
	_ =	sdelay $0x1  }
0xb1: {  	[tilespmem:s28+$0x19FD0] =	vst v1;
	v1 =	vld [tilespmem:s28+$0x16FE0]  }
0xb2: {  	v2 =	vld [tilespmem:s29+$0xFFFFFFF0];
	_ =	sdelay $0x4  }
0xb3: {  	v1 =	vadd.f32 v1, v2;
	_ =	sdelay $0x1  }
0xb4: {  	v1 =	vmax.f32 v1, $0.0e+00  }
0xb5: {  	v1 =	vmul.f32 v1, v3;
	_ =	sdelay $0x1  }
0xb6: {  	[tilespmem:s28+$0x19FE0] =	vst v1;
	v1 =	vld [tilespmem:s28+$0x16FF0]  }
0xb7: {  	v2 =	vld [tilespmem:s29+$0x0];
	_ =	sdelay $0x4  }
0xb8: {  	v1 =	vadd.f32 v1, v2;
	_ =	sdelay $0x1  }
0xb9: {  	v1 =	vmax.f32 v1, $0.0e+00  }
0xba: {  	v1 =	vmul.f32 v1, v3;
	_ =	sdelay $0x1  }
0xbb: {  	[tilespmem:s28+$0x19FF0] =	vst v1;
	v1 =	vld [tilespmem:s28+$0x17000]  }
0xbc: {  	v2 =	vld [tilespmem:s29+$0x10];
	_ =	sdelay $0x4  }
0xbd: {  	v1 =	vadd.f32 v1, v2;
	_ =	sdelay $0x1  }
0xbe: {  	v1 =	vmax.f32 v1, $0.0e+00  }
0xbf: {  	v1 =	vmul.f32 v1, v3;
	_ =	sdelay $0x1  }
0xc0: {  	[tilespmem:s28+$0x1A000] =	vst v1;
	v1 =	vld [tilespmem:s28+$0x17010]  }
0xc1: {  	v2 =	vld [tilespmem:s29+$0x20];
	_ =	sdelay $0x4  }
0xc2: {  	v1 =	vadd.f32 v1, v2;
	_ =	sdelay $0x1  }
0xc3: {  	v1 =	vmax.f32 v1, $0.0e+00  }
0xc4: {  	v1 =	vmul.f32 v1, v3;
	_ =	sdelay $0x1  }
0xc5: {  	[tilespmem:s28+$0x1A010] =	vst v1;
	v1 =	vld [tilespmem:s28+$0x17020]  }
0xc6: {  	v2 =	vld [tilespmem:s29+$0x30];
	_ =	sdelay $0x4  }
0xc7: {  	v1 =	vadd.f32 v1, v2;
	_ =	sdelay $0x1  }
0xc8: {  	v1 =	vmax.f32 v1, $0.0e+00  }
0xc9: {  	s25 =	sadd.s32 $0x1, s25;
	v1 =	vmul.f32 v1, v3  }
0xca: {  	p1 =	sne.s32 s25, $0x69  }
.Ltmp3:
0xcb: {  	[tilespmem:s28+$0x1A020] =	vst v1;
	(pc) =	sbr.rel @p1 .LBB2_6-.Ltmp3, $4  }
0xcc: {  	[spmem:s1] =	stream.indirect.scatter.add.f32 [tilespmem:s15], [sflag:$0x2], $0x80, s18, s20, $0xb8;
	[tilespmem:$0x1CFB0] =	vst v63  }
0xcd: {  	_ =	swait.ge [sflag:s16], $0x3000  }
0xce: {  	[sflag:s16] =	ssyncset.done $0x0  }
0xcf: {  	[sflag:s16] =	ssyncadd.s32 $0xFFFFD000  }
0xd0: {  	s24 =	sshll.u32 s4, $0x6  }
0xd1: {  	[bflag:$0x0] =	sbarrier.arrive $0xFFFF;
	s24 =	sor.u32 $0x1C02, s24  }
0xd2: {  	[hbm:s12], [sflag:s24] =	dma.local [spmem:s23], $0x2700  }
0xd3: {  	_ =	swait.ge [sflag:s16], $0x2700  }
0xd4: {  	s2 =	sadd.s32 $0x1, s2;
	[sflag:s16] =	ssyncset.done $0x0  }
0xd5: {  	s25 =	sshrl.u32 @!p0 s10, $0x3;
	p1 =	sne.s32 s2, s14;
	[sflag:s16] =	ssyncadd.s32 $0xFFFFD900  }
0xd6: {  	[hbm:s13], [sflag:s24] =	dma.local @!p0 [spmem:s25], $0x100  }
.Ltmp4:
0xd7: {  	_ = 	snop;
	(pc) =	sbr.rel @p1 .LBB2_1-.Ltmp4, $4  }
0xd8: {  	s24 =	simm.s32 @!p0 $0x2  }
0xd9: {  	_ =	swait.ge @!p0 [sflag:s24], $0x100  }
0xda: {  	[sflag:s24] =	ssyncset.done @!p0 $0x0  }
0xdb: {  	[sflag:s24] =	ssyncadd.s32 @!p0 $0xFFFFFF00  }
0xdc: {  	_ =	sfence.sel $0x180000  }
0xdd: {  	[bflag:$0x0] =	sbarrier.arrive $0xFFFF  }
0xde: {  	p0 =	sne.s32 s4, $0x0;
	_ =	strace $0x90000050  }
0xdf: {  	s0 =	sadd.s32 @!p0 $0x100000, s0;
	[bflag:$0x2] =	sbarrier.arrive $0xFFFF  }
0xe0: {  	[sflag:s0] =	ssyncadd.tile.s32 @!p0 $0x1;
	_ =	shalt  }
.Lfunc_end2:
_tile_overlayer_lowered:
.L_overlay_start_2:
0xe1: {  	(tag) =	ssettag $0x2  }
0xe2: {  	s0 =	rddreg [dreg:$0x0];
	s2 =	stileid.u32  }
0xe3: {  	s1 =	rddreg [dreg:$0x1];
	p0 =	sne.s32 s2, $0x0  }
0xe4: {  	s3 =	rddreg [dreg:$0x2];
	[bflag:$0x3] =	sbarrier.arrive $0xFFFF;
	s2 =	simm.s32 @!p0 $0x1C02  }
0xe5: {  	[timem:s3], [sflag:s2] =	dma.local @!p0 [hbm:s0], s1  }
0xe6: {  	s0 =	simm.s32 @!p0 $0x2  }
0xe7: {  	_ =	swait.ge @!p0 [sflag:s0], s1  }
0xe8: {  	s1 =	ssub.s32 @!p0 $0x0, s1;
	[sflag:s0] =	ssyncset.done @!p0 $0x0  }
0xe9: {  	[sflag:s0] =	ssyncadd.s32 @!p0 s1  }
0xea: {  	[bflag:$0x3] =	sbarrier.arrive $0xFFFF  }
0xeb: {  	_ =	shalt  }

</sc_bundles>
